<compile_context>
chip_gen: v7x
topology: tpu7x:2x2x1
jax: 0.10.2.dev20260603
libtpu: 0.0.44.dev20260713+nightly
codegen_flags: <defaults>
</compile_context>

<pallas_src>
import functools

import jax
import jax.numpy as jnp
from jax import lax
from jax.experimental import pallas as pl
from jax.experimental.pallas import tpu as pltpu
from jax.experimental.pallas import tpu_sc as plsc

_VOCAB = 1000000
_D = 32
_B = 4096
_T = 200
_N = _B * _T
_NC = 2
_NS = 16
_NW = _NC * _NS
_PER_W = _B // _NW
_CB = 4
_NBUF = 4
_NCHUNK = _PER_W // _CB
_NOUT = _NCHUNK // _NBUF


@functools.partial(
    pl.kernel,
    out_type=jax.ShapeDtypeStruct((_B, _T, _D), jnp.float32),
    mesh=plsc.VectorSubcoreMesh(core_axis_name="c", subcore_axis_name="s"),
    scratch_types=[
        pltpu.VMEM((_NBUF, _CB, _T), jnp.int32),
        pltpu.VMEM((_NBUF, _CB, _T, _D), jnp.float32),
    ] + [pltpu.SemaphoreType.DMA] * (2 * _NBUF),
    compiler_params=pltpu.CompilerParams(use_tc_tiling_on_sc=False),
)
def _gather_kernel(idx_hbm, table_hbm, out_hbm, idx_v, rows_v, *sems):
    gsem = sems[:_NBUF]
    ssem = sems[_NBUF:]
    wid = lax.axis_index("s") * _NC + lax.axis_index("c")
    base = wid * _PER_W

    def start_gathers(b):
        for i in range(_CB):
            pltpu.async_copy(table_hbm.at[idx_v.at[b].at[i]],
                             rows_v.at[b].at[i], gsem[b])

    def wait_gathers(b):
        for i in range(_CB):
            pltpu.make_async_copy(table_hbm.at[idx_v.at[b].at[i]],
                                  rows_v.at[b].at[i], gsem[b]).wait()

    for b in range(_NBUF):
        off = base + b * _CB
        pltpu.sync_copy(idx_hbm.at[pl.ds(off, _CB)], idx_v.at[b])
        start_gathers(b)

    def body(j, carry):
        for b in range(_NBUF):
            g = j * _NBUF + b
            off = base + g * _CB
            wait_gathers(b)
            pltpu.async_copy(rows_v.at[b], out_hbm.at[pl.ds(off, _CB)],
                             ssem[b])

            @pl.when(j < _NOUT - 1)
            def _():
                off2 = base + (g + _NBUF) * _CB
                pltpu.make_async_copy(
                    rows_v.at[b], out_hbm.at[pl.ds(off, _CB)], ssem[b]
                ).wait()
                pltpu.sync_copy(idx_hbm.at[pl.ds(off2, _CB)], idx_v.at[b])
                start_gathers(b)
        return carry

    lax.fori_loop(0, _NOUT, body, 0)

    for b in range(_NBUF):
        off = base + ((_NOUT - 1) * _NBUF + b) * _CB
        pltpu.make_async_copy(
            rows_v.at[b], out_hbm.at[pl.ds(off, _CB)], ssem[b]
        ).wait()


def kernel(x, weight):
    return _gather_kernel(x, weight)

# --- scband reference (transcript-rebuilt; emitter-appended) ---
"""Pipeline reference for scband-character-embedding-47064251629578 (READ-ONLY COPY).

The authoritative reference and input builder live on the scoring server;
editing this copy changes nothing except your own understanding.
"""

import jax, jax.numpy as jnp
import numpy as np

VOCAB_SIZE = 1000000
EMBED_DIM = 32
BATCH = 4096
HIST_LEN = 200


def setup_inputs(seed: int = 0) -> dict:
    key = jax.random.key(seed)
    k_idx, k_w = jax.random.split(key)
    x = jax.random.randint(k_idx, (BATCH, HIST_LEN), 0, VOCAB_SIZE, dtype=jnp.int64 if jax.config.jax_enable_x64 else jnp.int32)
    weight = jax.random.normal(k_w, (VOCAB_SIZE, EMBED_DIM), dtype=jnp.float32) * 0.02
    return {"x": x, "weight": weight}


def reference(x, weight):
    # nn.Embedding forward: row gather from the embedding table
    return jnp.take(weight, x, axis=0)

if __name__ == "__main__":
    import jax
    _d = setup_inputs()
    print(jax.jit(kernel)(*tuple(_d.values())))

</pallas_src>

<mosaic_0001>
#map = affine_map<(d0, d1) -> (0, 0)>
#map1 = affine_map<(d0, d1) -> (0, 0, 0)>
module attributes {stable_mosaic.version = 14 : i64} {
  func.func @_gather_kernel(%arg0: i32, %arg1: i32, %arg2: memref<4096x200xi32, #tpu.memory_space<hbm>>, %arg3: memref<1000000x32xf32, #tpu.memory_space<hbm>>, %arg4: memref<4096x200x32xf32, #tpu.memory_space<hbm>>, %arg5: memref<4x4x200xi32, #tpu.memory_space<vmem>>, %arg6: memref<4x4x200x32xf32, #tpu.memory_space<vmem>>, %arg7: memref<!tpu.dma_semaphore, #tpu.memory_space<semaphore_mem>>, %arg8: memref<!tpu.dma_semaphore, #tpu.memory_space<semaphore_mem>>, %arg9: memref<!tpu.dma_semaphore, #tpu.memory_space<semaphore_mem>>, %arg10: memref<!tpu.dma_semaphore, #tpu.memory_space<semaphore_mem>>, %arg11: memref<!tpu.dma_semaphore, #tpu.memory_space<semaphore_mem>>, %arg12: memref<!tpu.dma_semaphore, #tpu.memory_space<semaphore_mem>>, %arg13: memref<!tpu.dma_semaphore, #tpu.memory_space<semaphore_mem>>, %arg14: memref<!tpu.dma_semaphore, #tpu.memory_space<semaphore_mem>>) attributes {dimension_semantics = [#tpu.dimension_semantics<core_parallel>, #tpu.dimension_semantics<subcore_parallel>], iteration_bounds = array<i64: 2, 16>, scalar_prefetch = 0 : i64, scratch_operands = 10 : i64, tpu.core_type = #tpu.core_type<sc_vector_subcore>, window_params = [{transform_indices = #map}, {transform_indices = #map}, {transform_indices = #map1}]} {
    %mul3A = arith.constant 2 : i32
    %mul3A_0 = arith.muli %arg1, %mul3A : i32
    %add3A = arith.addi %mul3A_0, %arg0 : i32
    %mul3A_1 = arith.constant 128 : i32
    %mul3A_2 = arith.muli %add3A, %mul3A_1 : i32
    %add3A_3 = arith.constant 0 : i32
    %add3A_4 = arith.addi %mul3A_2, %add3A_3 : i32
    %run_scoped3A = arith.constant 0 : i32
    "tpu.region"() ({
      %run_scoped3A_461 = tpu.sem_alloc : memref<!tpu.dma_semaphore, #tpu.memory_space<semaphore_mem>>
      %dma_start3A_462 = arith.constant 0 : i32
      %dma_start3A_463 = arith.constant 0 : i32
      %dma_start3A_464 = tpu.memref_slice %arg5[%run_scoped3A, %dma_start3A_462, %dma_start3A_463] : memref<4x4x200xi32, #tpu.memory_space<vmem>> -> memref<1x4x200xi32, #tpu.memory_space<vmem>>
      %dma_start3A_465 = tpu.memref_squeeze %dma_start3A_464 : memref<1x4x200xi32, #tpu.memory_space<vmem>> -> memref<4x200xi32, #tpu.memory_space<vmem>>
      %dma_start3A_466 = arith.constant 0 : i32
      %dma_start3A_467 = tpu.memref_slice %arg2[%add3A_4, %dma_start3A_466] : memref<4096x200xi32, #tpu.memory_space<hbm>> -> memref<4x200xi32, #tpu.memory_space<hbm>>
      %dma_start3A_468 = arith.constant 0 : i32
      %dma_start3A_469 = arith.constant 0 : i32
      %dma_start3A_470 = tpu.memref_slice %arg5[%run_scoped3A, %dma_start3A_468, %dma_start3A_469] : memref<4x4x200xi32, #tpu.memory_space<vmem>> -> memref<1x4x200xi32, #tpu.memory_space<vmem>>
      %dma_start3A_471 = tpu.memref_squeeze %dma_start3A_470 : memref<1x4x200xi32, #tpu.memory_space<vmem>> -> memref<4x200xi32, #tpu.memory_space<vmem>>
      %dma_start3A_472 = arith.constant 0 : i32
      %dma_start3A_473 = tpu.memref_slice %arg2[%add3A_4, %dma_start3A_472] : memref<4096x200xi32, #tpu.memory_space<hbm>> -> memref<4x200xi32, #tpu.memory_space<hbm>>
      tpu.enqueue_dma source(%dma_start3A_473 : memref<4x200xi32, #tpu.memory_space<hbm>>) target(%dma_start3A_471 : memref<4x200xi32, #tpu.memory_space<vmem>>) target_semaphore(%run_scoped3A_461 : memref<!tpu.dma_semaphore, #tpu.memory_space<semaphore_mem>>)
      %dma_wait3A_474 = arith.constant 0 : i32
      %dma_wait3A_475 = arith.constant 0 : i32
      %dma_wait3A_476 = tpu.memref_slice %arg5[%run_scoped3A, %dma_wait3A_474, %dma_wait3A_475] : memref<4x4x200xi32, #tpu.memory_space<vmem>> -> memref<1x4x200xi32, #tpu.memory_space<vmem>>
      %dma_wait3A_477 = tpu.memref_squeeze %dma_wait3A_476 : memref<1x4x200xi32, #tpu.memory_space<vmem>> -> memref<4x200xi32, #tpu.memory_space<vmem>>
      %dma_wait3A_478 = arith.constant 0 : i32
      %dma_wait3A_479 = tpu.memref_slice %arg2[%add3A_4, %dma_wait3A_478] : memref<4096x200xi32, #tpu.memory_space<hbm>> -> memref<4x200xi32, #tpu.memory_space<hbm>>
      %dma_wait3A_480 = arith.constant 0 : i32
      %dma_wait3A_481 = arith.constant 0 : i32
      %dma_wait3A_482 = tpu.memref_slice %arg5[%run_scoped3A, %dma_wait3A_480, %dma_wait3A_481] : memref<4x4x200xi32, #tpu.memory_space<vmem>> -> memref<1x4x200xi32, #tpu.memory_space<vmem>>
      %dma_wait3A_483 = tpu.memref_squeeze %dma_wait3A_482 : memref<1x4x200xi32, #tpu.memory_space<vmem>> -> memref<4x200xi32, #tpu.memory_space<vmem>>
      %dma_wait3A_484 = arith.constant 0 : i32
      %dma_wait3A_485 = tpu.memref_slice %arg2[%add3A_4, %dma_wait3A_484] : memref<4096x200xi32, #tpu.memory_space<hbm>> -> memref<4x200xi32, #tpu.memory_space<hbm>>
      tpu.wait_dma2 semaphore(%run_scoped3A_461 : memref<!tpu.dma_semaphore, #tpu.memory_space<semaphore_mem>>) src(%dma_wait3A_485 : memref<4x200xi32, #tpu.memory_space<hbm>>) dst(%dma_wait3A_483 : memref<4x200xi32, #tpu.memory_space<vmem>>)
      tpu.yield
    }) : () -> ()
    %dma_start3A = arith.constant 0 : i32
    %dma_start3A_5 = arith.constant 0 : i32
    %dma_start3A_6 = arith.constant 0 : i32
    %dma_start3A_7 = arith.constant 0 : i32
    %dma_start3A_8 = arith.constant 0 : i32
    %dma_start3A_9 = arith.constant 0 : i32
    %dma_start3A_10 = arith.constant 0 : i32
    %dma_start3A_11 = tpu.memref_slice %arg6[%dma_start3A_6, %dma_start3A_8, %dma_start3A_9, %dma_start3A_10] : memref<4x4x200x32xf32, #tpu.memory_space<vmem>> -> memref<1x4x200x32xf32, #tpu.memory_space<vmem>>
    %dma_start3A_12 = tpu.memref_squeeze %dma_start3A_11 : memref<1x4x200x32xf32, #tpu.memory_space<vmem>> -> memref<4x200x32xf32, #tpu.memory_space<vmem>>
    %dma_start3A_13 = arith.constant 0 : i32
    %dma_start3A_14 = arith.constant 0 : i32
    %dma_start3A_15 = tpu.memref_slice %dma_start3A_12[%dma_start3A_7, %dma_start3A_13, %dma_start3A_14] : memref<4x200x32xf32, #tpu.memory_space<vmem>> -> memref<1x200x32xf32, #tpu.memory_space<vmem>>
    %dma_start3A_16 = tpu.memref_squeeze %dma_start3A_15 : memref<1x200x32xf32, #tpu.memory_space<vmem>> -> memref<200x32xf32, #tpu.memory_space<vmem>>
    %dma_start3A_17 = arith.constant 0 : i32
    %dma_start3A_18 = arith.constant 0 : i32
    %dma_start3A_19 = tpu.memref_slice %arg5[%dma_start3A, %dma_start3A_17, %dma_start3A_18] : memref<4x4x200xi32, #tpu.memory_space<vmem>> -> memref<1x4x200xi32, #tpu.memory_space<vmem>>
    %dma_start3A_20 = tpu.memref_squeeze %dma_start3A_19 : memref<1x4x200xi32, #tpu.memory_space<vmem>> -> memref<4x200xi32, #tpu.memory_space<vmem>>
    %dma_start3A_21 = arith.constant 0 : i32
    %dma_start3A_22 = tpu.memref_slice %dma_start3A_20[%dma_start3A_5, %dma_start3A_21] : memref<4x200xi32, #tpu.memory_space<vmem>> -> memref<1x200xi32, #tpu.memory_space<vmem>>
    %dma_start3A_23 = tpu.memref_squeeze %dma_start3A_22 : memref<1x200xi32, #tpu.memory_space<vmem>> -> memref<200xi32, #tpu.memory_space<vmem>>
    %dma_start3A_24 = arith.constant 0 : i32
    %dma_start3A_25 = arith.constant 0 : i32
    %dma_start3A_26 = tpu.memref_slice %arg3[%dma_start3A_24, %dma_start3A_25] : memref<1000000x32xf32, #tpu.memory_space<hbm>> -> memref<1000000x32xf32, #tpu.memory_space<hbm>>
    tpu.enqueue_indirect_dma source(%dma_start3A_26 : memref<1000000x32xf32, #tpu.memory_space<hbm>>) target(%dma_start3A_16 : memref<200x32xf32, #tpu.memory_space<vmem>>) offsets(%dma_start3A_23 : memref<200xi32, #tpu.memory_space<vmem>>) semaphore(%arg7 : memref<!tpu.dma_semaphore, #tpu.memory_space<semaphore_mem>>)
    %dma_start3A_27 = arith.constant 0 : i32
    %dma_start3A_28 = arith.constant 1 : i32
    %dma_start3A_29 = arith.constant 0 : i32
    %dma_start3A_30 = arith.constant 1 : i32
    %dma_start3A_31 = arith.constant 0 : i32
    %dma_start3A_32 = arith.constant 0 : i32
    %dma_start3A_33 = arith.constant 0 : i32
    %dma_start3A_34 = tpu.memref_slice %arg6[%dma_start3A_29, %dma_start3A_31, %dma_start3A_32, %dma_start3A_33] : memref<4x4x200x32xf32, #tpu.memory_space<vmem>> -> memref<1x4x200x32xf32, #tpu.memory_space<vmem>>
    %dma_start3A_35 = tpu.memref_squeeze %dma_start3A_34 : memref<1x4x200x32xf32, #tpu.memory_space<vmem>> -> memref<4x200x32xf32, #tpu.memory_space<vmem>>
    %dma_start3A_36 = arith.constant 0 : i32
    %dma_start3A_37 = arith.constant 0 : i32
    %dma_start3A_38 = tpu.memref_slice %dma_start3A_35[%dma_start3A_30, %dma_start3A_36, %dma_start3A_37] : memref<4x200x32xf32, #tpu.memory_space<vmem>> -> memref<1x200x32xf32, #tpu.memory_space<vmem>>
    %dma_start3A_39 = tpu.memref_squeeze %dma_start3A_38 : memref<1x200x32xf32, #tpu.memory_space<vmem>> -> memref<200x32xf32, #tpu.memory_space<vmem>>
    %dma_start3A_40 = arith.constant 0 : i32
    %dma_start3A_41 = arith.constant 0 : i32
    %dma_start3A_42 = tpu.memref_slice %arg5[%dma_start3A_27, %dma_start3A_40, %dma_start3A_41] : memref<4x4x200xi32, #tpu.memory_space<vmem>> -> memref<1x4x200xi32, #tpu.memory_space<vmem>>
    %dma_start3A_43 = tpu.memref_squeeze %dma_start3A_42 : memref<1x4x200xi32, #tpu.memory_space<vmem>> -> memref<4x200xi32, #tpu.memory_space<vmem>>
    %dma_start3A_44 = arith.constant 0 : i32
    %dma_start3A_45 = tpu.memref_slice %dma_start3A_43[%dma_start3A_28, %dma_start3A_44] : memref<4x200xi32, #tpu.memory_space<vmem>> -> memref<1x200xi32, #tpu.memory_space<vmem>>
    %dma_start3A_46 = tpu.memref_squeeze %dma_start3A_45 : memref<1x200xi32, #tpu.memory_space<vmem>> -> memref<200xi32, #tpu.memory_space<vmem>>
    %dma_start3A_47 = arith.constant 0 : i32
    %dma_start3A_48 = arith.constant 0 : i32
    %dma_start3A_49 = tpu.memref_slice %arg3[%dma_start3A_47, %dma_start3A_48] : memref<1000000x32xf32, #tpu.memory_space<hbm>> -> memref<1000000x32xf32, #tpu.memory_space<hbm>>
    tpu.enqueue_indirect_dma source(%dma_start3A_49 : memref<1000000x32xf32, #tpu.memory_space<hbm>>) target(%dma_start3A_39 : memref<200x32xf32, #tpu.memory_space<vmem>>) offsets(%dma_start3A_46 : memref<200xi32, #tpu.memory_space<vmem>>) semaphore(%arg7 : memref<!tpu.dma_semaphore, #tpu.memory_space<semaphore_mem>>)
    %dma_start3A_50 = arith.constant 0 : i32
    %dma_start3A_51 = arith.constant 2 : i32
    %dma_start3A_52 = arith.constant 0 : i32
    %dma_start3A_53 = arith.constant 2 : i32
    %dma_start3A_54 = arith.constant 0 : i32
    %dma_start3A_55 = arith.constant 0 : i32
    %dma_start3A_56 = arith.constant 0 : i32
    %dma_start3A_57 = tpu.memref_slice %arg6[%dma_start3A_52, %dma_start3A_54, %dma_start3A_55, %dma_start3A_56] : memref<4x4x200x32xf32, #tpu.memory_space<vmem>> -> memref<1x4x200x32xf32, #tpu.memory_space<vmem>>
    %dma_start3A_58 = tpu.memref_squeeze %dma_start3A_57 : memref<1x4x200x32xf32, #tpu.memory_space<vmem>> -> memref<4x200x32xf32, #tpu.memory_space<vmem>>
    %dma_start3A_59 = arith.constant 0 : i32
    %dma_start3A_60 = arith.constant 0 : i32
    %dma_start3A_61 = tpu.memref_slice %dma_start3A_58[%dma_start3A_53, %dma_start3A_59, %dma_start3A_60] : memref<4x200x32xf32, #tpu.memory_space<vmem>> -> memref<1x200x32xf32, #tpu.memory_space<vmem>>
    %dma_start3A_62 = tpu.memref_squeeze %dma_start3A_61 : memref<1x200x32xf32, #tpu.memory_space<vmem>> -> memref<200x32xf32, #tpu.memory_space<vmem>>
    %dma_start3A_63 = arith.constant 0 : i32
    %dma_start3A_64 = arith.constant 0 : i32
    %dma_start3A_65 = tpu.memref_slice %arg5[%dma_start3A_50, %dma_start3A_63, %dma_start3A_64] : memref<4x4x200xi32, #tpu.memory_space<vmem>> -> memref<1x4x200xi32, #tpu.memory_space<vmem>>
    %dma_start3A_66 = tpu.memref_squeeze %dma_start3A_65 : memref<1x4x200xi32, #tpu.memory_space<vmem>> -> memref<4x200xi32, #tpu.memory_space<vmem>>
    %dma_start3A_67 = arith.constant 0 : i32
    %dma_start3A_68 = tpu.memref_slice %dma_start3A_66[%dma_start3A_51, %dma_start3A_67] : memref<4x200xi32, #tpu.memory_space<vmem>> -> memref<1x200xi32, #tpu.memory_space<vmem>>
    %dma_start3A_69 = tpu.memref_squeeze %dma_start3A_68 : memref<1x200xi32, #tpu.memory_space<vmem>> -> memref<200xi32, #tpu.memory_space<vmem>>
    %dma_start3A_70 = arith.constant 0 : i32
    %dma_start3A_71 = arith.constant 0 : i32
    %dma_start3A_72 = tpu.memref_slice %arg3[%dma_start3A_70, %dma_start3A_71] : memref<1000000x32xf32, #tpu.memory_space<hbm>> -> memref<1000000x32xf32, #tpu.memory_space<hbm>>
    tpu.enqueue_indirect_dma source(%dma_start3A_72 : memref<1000000x32xf32, #tpu.memory_space<hbm>>) target(%dma_start3A_62 : memref<200x32xf32, #tpu.memory_space<vmem>>) offsets(%dma_start3A_69 : memref<200xi32, #tpu.memory_space<vmem>>) semaphore(%arg7 : memref<!tpu.dma_semaphore, #tpu.memory_space<semaphore_mem>>)
    %dma_start3A_73 = arith.constant 0 : i32
    %dma_start3A_74 = arith.constant 3 : i32
    %dma_start3A_75 = arith.constant 0 : i32
    %dma_start3A_76 = arith.constant 3 : i32
    %dma_start3A_77 = arith.constant 0 : i32
    %dma_start3A_78 = arith.constant 0 : i32
    %dma_start3A_79 = arith.constant 0 : i32
    %dma_start3A_80 = tpu.memref_slice %arg6[%dma_start3A_75, %dma_start3A_77, %dma_start3A_78, %dma_start3A_79] : memref<4x4x200x32xf32, #tpu.memory_space<vmem>> -> memref<1x4x200x32xf32, #tpu.memory_space<vmem>>
    %dma_start3A_81 = tpu.memref_squeeze %dma_start3A_80 : memref<1x4x200x32xf32, #tpu.memory_space<vmem>> -> memref<4x200x32xf32, #tpu.memory_space<vmem>>
    %dma_start3A_82 = arith.constant 0 : i32
    %dma_start3A_83 = arith.constant 0 : i32
    %dma_start3A_84 = tpu.memref_slice %dma_start3A_81[%dma_start3A_76, %dma_start3A_82, %dma_start3A_83] : memref<4x200x32xf32, #tpu.memory_space<vmem>> -> memref<1x200x32xf32, #tpu.memory_space<vmem>>
    %dma_start3A_85 = tpu.memref_squeeze %dma_start3A_84 : memref<1x200x32xf32, #tpu.memory_space<vmem>> -> memref<200x32xf32, #tpu.memory_space<vmem>>
    %dma_start3A_86 = arith.constant 0 : i32
    %dma_start3A_87 = arith.constant 0 : i32
    %dma_start3A_88 = tpu.memref_slice %arg5[%dma_start3A_73, %dma_start3A_86, %dma_start3A_87] : memref<4x4x200xi32, #tpu.memory_space<vmem>> -> memref<1x4x200xi32, #tpu.memory_space<vmem>>
    %dma_start3A_89 = tpu.memref_squeeze %dma_start3A_88 : memref<1x4x200xi32, #tpu.memory_space<vmem>> -> memref<4x200xi32, #tpu.memory_space<vmem>>
    %dma_start3A_90 = arith.constant 0 : i32
    %dma_start3A_91 = tpu.memref_slice %dma_start3A_89[%dma_start3A_74, %dma_start3A_90] : memref<4x200xi32, #tpu.memory_space<vmem>> -> memref<1x200xi32, #tpu.memory_space<vmem>>
    %dma_start3A_92 = tpu.memref_squeeze %dma_start3A_91 : memref<1x200xi32, #tpu.memory_space<vmem>> -> memref<200xi32, #tpu.memory_space<vmem>>
    %dma_start3A_93 = arith.constant 0 : i32
    %dma_start3A_94 = arith.constant 0 : i32
    %dma_start3A_95 = tpu.memref_slice %arg3[%dma_start3A_93, %dma_start3A_94] : memref<1000000x32xf32, #tpu.memory_space<hbm>> -> memref<1000000x32xf32, #tpu.memory_space<hbm>>
    tpu.enqueue_indirect_dma source(%dma_start3A_95 : memref<1000000x32xf32, #tpu.memory_space<hbm>>) target(%dma_start3A_85 : memref<200x32xf32, #tpu.memory_space<vmem>>) offsets(%dma_start3A_92 : memref<200xi32, #tpu.memory_space<vmem>>) semaphore(%arg7 : memref<!tpu.dma_semaphore, #tpu.memory_space<semaphore_mem>>)
    %add3A_96 = arith.constant 4 : i32
    %add3A_97 = arith.addi %mul3A_2, %add3A_96 : i32
    %run_scoped3A_98 = arith.constant 1 : i32
    "tpu.region"() ({
      %run_scoped3A_461 = tpu.sem_alloc : memref<!tpu.dma_semaphore, #tpu.memory_space<semaphore_mem>>
      %dma_start3A_462 = arith.constant 0 : i32
      %dma_start3A_463 = arith.constant 0 : i32
      %dma_start3A_464 = tpu.memref_slice %arg5[%run_scoped3A_98, %dma_start3A_462, %dma_start3A_463] : memref<4x4x200xi32, #tpu.memory_space<vmem>> -> memref<1x4x200xi32, #tpu.memory_space<vmem>>
      %dma_start3A_465 = tpu.memref_squeeze %dma_start3A_464 : memref<1x4x200xi32, #tpu.memory_space<vmem>> -> memref<4x200xi32, #tpu.memory_space<vmem>>
      %dma_start3A_466 = arith.constant 0 : i32
      %dma_start3A_467 = tpu.memref_slice %arg2[%add3A_97, %dma_start3A_466] : memref<4096x200xi32, #tpu.memory_space<hbm>> -> memref<4x200xi32, #tpu.memory_space<hbm>>
      %dma_start3A_468 = arith.constant 0 : i32
      %dma_start3A_469 = arith.constant 0 : i32
      %dma_start3A_470 = tpu.memref_slice %arg5[%run_scoped3A_98, %dma_start3A_468, %dma_start3A_469] : memref<4x4x200xi32, #tpu.memory_space<vmem>> -> memref<1x4x200xi32, #tpu.memory_space<vmem>>
      %dma_start3A_471 = tpu.memref_squeeze %dma_start3A_470 : memref<1x4x200xi32, #tpu.memory_space<vmem>> -> memref<4x200xi32, #tpu.memory_space<vmem>>
      %dma_start3A_472 = arith.constant 0 : i32
      %dma_start3A_473 = tpu.memref_slice %arg2[%add3A_97, %dma_start3A_472] : memref<4096x200xi32, #tpu.memory_space<hbm>> -> memref<4x200xi32, #tpu.memory_space<hbm>>
      tpu.enqueue_dma source(%dma_start3A_473 : memref<4x200xi32, #tpu.memory_space<hbm>>) target(%dma_start3A_471 : memref<4x200xi32, #tpu.memory_space<vmem>>) target_semaphore(%run_scoped3A_461 : memref<!tpu.dma_semaphore, #tpu.memory_space<semaphore_mem>>)
      %dma_wait3A_474 = arith.constant 0 : i32
      %dma_wait3A_475 = arith.constant 0 : i32
      %dma_wait3A_476 = tpu.memref_slice %arg5[%run_scoped3A_98, %dma_wait3A_474, %dma_wait3A_475] : memref<4x4x200xi32, #tpu.memory_space<vmem>> -> memref<1x4x200xi32, #tpu.memory_space<vmem>>
      %dma_wait3A_477 = tpu.memref_squeeze %dma_wait3A_476 : memref<1x4x200xi32, #tpu.memory_space<vmem>> -> memref<4x200xi32, #tpu.memory_space<vmem>>
      %dma_wait3A_478 = arith.constant 0 : i32
      %dma_wait3A_479 = tpu.memref_slice %arg2[%add3A_97, %dma_wait3A_478] : memref<4096x200xi32, #tpu.memory_space<hbm>> -> memref<4x200xi32, #tpu.memory_space<hbm>>
      %dma_wait3A_480 = arith.constant 0 : i32
      %dma_wait3A_481 = arith.constant 0 : i32
      %dma_wait3A_482 = tpu.memref_slice %arg5[%run_scoped3A_98, %dma_wait3A_480, %dma_wait3A_481] : memref<4x4x200xi32, #tpu.memory_space<vmem>> -> memref<1x4x200xi32, #tpu.memory_space<vmem>>
      %dma_wait3A_483 = tpu.memref_squeeze %dma_wait3A_482 : memref<1x4x200xi32, #tpu.memory_space<vmem>> -> memref<4x200xi32, #tpu.memory_space<vmem>>
      %dma_wait3A_484 = arith.constant 0 : i32
      %dma_wait3A_485 = tpu.memref_slice %arg2[%add3A_97, %dma_wait3A_484] : memref<4096x200xi32, #tpu.memory_space<hbm>> -> memref<4x200xi32, #tpu.memory_space<hbm>>
      tpu.wait_dma2 semaphore(%run_scoped3A_461 : memref<!tpu.dma_semaphore, #tpu.memory_space<semaphore_mem>>) src(%dma_wait3A_485 : memref<4x200xi32, #tpu.memory_space<hbm>>) dst(%dma_wait3A_483 : memref<4x200xi32, #tpu.memory_space<vmem>>)
      tpu.yield
    }) : () -> ()
    %dma_start3A_99 = arith.constant 1 : i32
    %dma_start3A_100 = arith.constant 0 : i32
    %dma_start3A_101 = arith.constant 1 : i32
    %dma_start3A_102 = arith.constant 0 : i32
    %dma_start3A_103 = arith.constant 0 : i32
    %dma_start3A_104 = arith.constant 0 : i32
    %dma_start3A_105 = arith.constant 0 : i32
    %dma_start3A_106 = tpu.memref_slice %arg6[%dma_start3A_101, %dma_start3A_103, %dma_start3A_104, %dma_start3A_105] : memref<4x4x200x32xf32, #tpu.memory_space<vmem>> -> memref<1x4x200x32xf32, #tpu.memory_space<vmem>>
    %dma_start3A_107 = tpu.memref_squeeze %dma_start3A_106 : memref<1x4x200x32xf32, #tpu.memory_space<vmem>> -> memref<4x200x32xf32, #tpu.memory_space<vmem>>
    %dma_start3A_108 = arith.constant 0 : i32
    %dma_start3A_109 = arith.constant 0 : i32
    %dma_start3A_110 = tpu.memref_slice %dma_start3A_107[%dma_start3A_102, %dma_start3A_108, %dma_start3A_109] : memref<4x200x32xf32, #tpu.memory_space<vmem>> -> memref<1x200x32xf32, #tpu.memory_space<vmem>>
    %dma_start3A_111 = tpu.memref_squeeze %dma_start3A_110 : memref<1x200x32xf32, #tpu.memory_space<vmem>> -> memref<200x32xf32, #tpu.memory_space<vmem>>
    %dma_start3A_112 = arith.constant 0 : i32
    %dma_start3A_113 = arith.constant 0 : i32
    %dma_start3A_114 = tpu.memref_slice %arg5[%dma_start3A_99, %dma_start3A_112, %dma_start3A_113] : memref<4x4x200xi32, #tpu.memory_space<vmem>> -> memref<1x4x200xi32, #tpu.memory_space<vmem>>
    %dma_start3A_115 = tpu.memref_squeeze %dma_start3A_114 : memref<1x4x200xi32, #tpu.memory_space<vmem>> -> memref<4x200xi32, #tpu.memory_space<vmem>>
    %dma_start3A_116 = arith.constant 0 : i32
    %dma_start3A_117 = tpu.memref_slice %dma_start3A_115[%dma_start3A_100, %dma_start3A_116] : memref<4x200xi32, #tpu.memory_space<vmem>> -> memref<1x200xi32, #tpu.memory_space<vmem>>
    %dma_start3A_118 = tpu.memref_squeeze %dma_start3A_117 : memref<1x200xi32, #tpu.memory_space<vmem>> -> memref<200xi32, #tpu.memory_space<vmem>>
    %dma_start3A_119 = arith.constant 0 : i32
    %dma_start3A_120 = arith.constant 0 : i32
    %dma_start3A_121 = tpu.memref_slice %arg3[%dma_start3A_119, %dma_start3A_120] : memref<1000000x32xf32, #tpu.memory_space<hbm>> -> memref<1000000x32xf32, #tpu.memory_space<hbm>>
    tpu.enqueue_indirect_dma source(%dma_start3A_121 : memref<1000000x32xf32, #tpu.memory_space<hbm>>) target(%dma_start3A_111 : memref<200x32xf32, #tpu.memory_space<vmem>>) offsets(%dma_start3A_118 : memref<200xi32, #tpu.memory_space<vmem>>) semaphore(%arg8 : memref<!tpu.dma_semaphore, #tpu.memory_space<semaphore_mem>>)
    %dma_start3A_122 = arith.constant 1 : i32
    %dma_start3A_123 = arith.constant 1 : i32
    %dma_start3A_124 = arith.constant 1 : i32
    %dma_start3A_125 = arith.constant 1 : i32
    %dma_start3A_126 = arith.constant 0 : i32
    %dma_start3A_127 = arith.constant 0 : i32
    %dma_start3A_128 = arith.constant 0 : i32
    %dma_start3A_129 = tpu.memref_slice %arg6[%dma_start3A_124, %dma_start3A_126, %dma_start3A_127, %dma_start3A_128] : memref<4x4x200x32xf32, #tpu.memory_space<vmem>> -> memref<1x4x200x32xf32, #tpu.memory_space<vmem>>
    %dma_start3A_130 = tpu.memref_squeeze %dma_start3A_129 : memref<1x4x200x32xf32, #tpu.memory_space<vmem>> -> memref<4x200x32xf32, #tpu.memory_space<vmem>>
    %dma_start3A_131 = arith.constant 0 : i32
    %dma_start3A_132 = arith.constant 0 : i32
    %dma_start3A_133 = tpu.memref_slice %dma_start3A_130[%dma_start3A_125, %dma_start3A_131, %dma_start3A_132] : memref<4x200x32xf32, #tpu.memory_space<vmem>> -> memref<1x200x32xf32, #tpu.memory_space<vmem>>
    %dma_start3A_134 = tpu.memref_squeeze %dma_start3A_133 : memref<1x200x32xf32, #tpu.memory_space<vmem>> -> memref<200x32xf32, #tpu.memory_space<vmem>>
    %dma_start3A_135 = arith.constant 0 : i32
    %dma_start3A_136 = arith.constant 0 : i32
    %dma_start3A_137 = tpu.memref_slice %arg5[%dma_start3A_122, %dma_start3A_135, %dma_start3A_136] : memref<4x4x200xi32, #tpu.memory_space<vmem>> -> memref<1x4x200xi32, #tpu.memory_space<vmem>>
    %dma_start3A_138 = tpu.memref_squeeze %dma_start3A_137 : memref<1x4x200xi32, #tpu.memory_space<vmem>> -> memref<4x200xi32, #tpu.memory_space<vmem>>
    %dma_start3A_139 = arith.constant 0 : i32
    %dma_start3A_140 = tpu.memref_slice %dma_start3A_138[%dma_start3A_123, %dma_start3A_139] : memref<4x200xi32, #tpu.memory_space<vmem>> -> memref<1x200xi32, #tpu.memory_space<vmem>>
    %dma_start3A_141 = tpu.memref_squeeze %dma_start3A_140 : memref<1x200xi32, #tpu.memory_space<vmem>> -> memref<200xi32, #tpu.memory_space<vmem>>
    %dma_start3A_142 = arith.constant 0 : i32
    %dma_start3A_143 = arith.constant 0 : i32
    %dma_start3A_144 = tpu.memref_slice %arg3[%dma_start3A_142, %dma_start3A_143] : memref<1000000x32xf32, #tpu.memory_space<hbm>> -> memref<1000000x32xf32, #tpu.memory_space<hbm>>
    tpu.enqueue_indirect_dma source(%dma_start3A_144 : memref<1000000x32xf32, #tpu.memory_space<hbm>>) target(%dma_start3A_134 : memref<200x32xf32, #tpu.memory_space<vmem>>) offsets(%dma_start3A_141 : memref<200xi32, #tpu.memory_space<vmem>>) semaphore(%arg8 : memref<!tpu.dma_semaphore, #tpu.memory_space<semaphore_mem>>)
    %dma_start3A_145 = arith.constant 1 : i32
    %dma_start3A_146 = arith.constant 2 : i32
    %dma_start3A_147 = arith.constant 1 : i32
    %dma_start3A_148 = arith.constant 2 : i32
    %dma_start3A_149 = arith.constant 0 : i32
    %dma_start3A_150 = arith.constant 0 : i32
    %dma_start3A_151 = arith.constant 0 : i32
    %dma_start3A_152 = tpu.memref_slice %arg6[%dma_start3A_147, %dma_start3A_149, %dma_start3A_150, %dma_start3A_151] : memref<4x4x200x32xf32, #tpu.memory_space<vmem>> -> memref<1x4x200x32xf32, #tpu.memory_space<vmem>>
    %dma_start3A_153 = tpu.memref_squeeze %dma_start3A_152 : memref<1x4x200x32xf32, #tpu.memory_space<vmem>> -> memref<4x200x32xf32, #tpu.memory_space<vmem>>
    %dma_start3A_154 = arith.constant 0 : i32
    %dma_start3A_155 = arith.constant 0 : i32
    %dma_start3A_156 = tpu.memref_slice %dma_start3A_153[%dma_start3A_148, %dma_start3A_154, %dma_start3A_155] : memref<4x200x32xf32, #tpu.memory_space<vmem>> -> memref<1x200x32xf32, #tpu.memory_space<vmem>>
    %dma_start3A_157 = tpu.memref_squeeze %dma_start3A_156 : memref<1x200x32xf32, #tpu.memory_space<vmem>> -> memref<200x32xf32, #tpu.memory_space<vmem>>
    %dma_start3A_158 = arith.constant 0 : i32
    %dma_start3A_159 = arith.constant 0 : i32
    %dma_start3A_160 = tpu.memref_slice %arg5[%dma_start3A_145, %dma_start3A_158, %dma_start3A_159] : memref<4x4x200xi32, #tpu.memory_space<vmem>> -> memref<1x4x200xi32, #tpu.memory_space<vmem>>
    %dma_start3A_161 = tpu.memref_squeeze %dma_start3A_160 : memref<1x4x200xi32, #tpu.memory_space<vmem>> -> memref<4x200xi32, #tpu.memory_space<vmem>>
    %dma_start3A_162 = arith.constant 0 : i32
    %dma_start3A_163 = tpu.memref_slice %dma_start3A_161[%dma_start3A_146, %dma_start3A_162] : memref<4x200xi32, #tpu.memory_space<vmem>> -> memref<1x200xi32, #tpu.memory_space<vmem>>
    %dma_start3A_164 = tpu.memref_squeeze %dma_start3A_163 : memref<1x200xi32, #tpu.memory_space<vmem>> -> memref<200xi32, #tpu.memory_space<vmem>>
    %dma_start3A_165 = arith.constant 0 : i32
    %dma_start3A_166 = arith.constant 0 : i32
    %dma_start3A_167 = tpu.memref_slice %arg3[%dma_start3A_165, %dma_start3A_166] : memref<1000000x32xf32, #tpu.memory_space<hbm>> -> memref<1000000x32xf32, #tpu.memory_space<hbm>>
    tpu.enqueue_indirect_dma source(%dma_start3A_167 : memref<1000000x32xf32, #tpu.memory_space<hbm>>) target(%dma_start3A_157 : memref<200x32xf32, #tpu.memory_space<vmem>>) offsets(%dma_start3A_164 : memref<200xi32, #tpu.memory_space<vmem>>) semaphore(%arg8 : memref<!tpu.dma_semaphore, #tpu.memory_space<semaphore_mem>>)
    %dma_start3A_168 = arith.constant 1 : i32
    %dma_start3A_169 = arith.constant 3 : i32
    %dma_start3A_170 = arith.constant 1 : i32
    %dma_start3A_171 = arith.constant 3 : i32
    %dma_start3A_172 = arith.constant 0 : i32
    %dma_start3A_173 = arith.constant 0 : i32
    %dma_start3A_174 = arith.constant 0 : i32
    %dma_start3A_175 = tpu.memref_slice %arg6[%dma_start3A_170, %dma_start3A_172, %dma_start3A_173, %dma_start3A_174] : memref<4x4x200x32xf32, #tpu.memory_space<vmem>> -> memref<1x4x200x32xf32, #tpu.memory_space<vmem>>
    %dma_start3A_176 = tpu.memref_squeeze %dma_start3A_175 : memref<1x4x200x32xf32, #tpu.memory_space<vmem>> -> memref<4x200x32xf32, #tpu.memory_space<vmem>>
    %dma_start3A_177 = arith.constant 0 : i32
    %dma_start3A_178 = arith.constant 0 : i32
    %dma_start3A_179 = tpu.memref_slice %dma_start3A_176[%dma_start3A_171, %dma_start3A_177, %dma_start3A_178] : memref<4x200x32xf32, #tpu.memory_space<vmem>> -> memref<1x200x32xf32, #tpu.memory_space<vmem>>
    %dma_start3A_180 = tpu.memref_squeeze %dma_start3A_179 : memref<1x200x32xf32, #tpu.memory_space<vmem>> -> memref<200x32xf32, #tpu.memory_space<vmem>>
    %dma_start3A_181 = arith.constant 0 : i32
    %dma_start3A_182 = arith.constant 0 : i32
    %dma_start3A_183 = tpu.memref_slice %arg5[%dma_start3A_168, %dma_start3A_181, %dma_start3A_182] : memref<4x4x200xi32, #tpu.memory_space<vmem>> -> memref<1x4x200xi32, #tpu.memory_space<vmem>>
    %dma_start3A_184 = tpu.memref_squeeze %dma_start3A_183 : memref<1x4x200xi32, #tpu.memory_space<vmem>> -> memref<4x200xi32, #tpu.memory_space<vmem>>
    %dma_start3A_185 = arith.constant 0 : i32
    %dma_start3A_186 = tpu.memref_slice %dma_start3A_184[%dma_start3A_169, %dma_start3A_185] : memref<4x200xi32, #tpu.memory_space<vmem>> -> memref<1x200xi32, #tpu.memory_space<vmem>>
    %dma_start3A_187 = tpu.memref_squeeze %dma_start3A_186 : memref<1x200xi32, #tpu.memory_space<vmem>> -> memref<200xi32, #tpu.memory_space<vmem>>
    %dma_start3A_188 = arith.constant 0 : i32
    %dma_start3A_189 = arith.constant 0 : i32
    %dma_start3A_190 = tpu.memref_slice %arg3[%dma_start3A_188, %dma_start3A_189] : memref<1000000x32xf32, #tpu.memory_space<hbm>> -> memref<1000000x32xf32, #tpu.memory_space<hbm>>
    tpu.enqueue_indirect_dma source(%dma_start3A_190 : memref<1000000x32xf32, #tpu.memory_space<hbm>>) target(%dma_start3A_180 : memref<200x32xf32, #tpu.memory_space<vmem>>) offsets(%dma_start3A_187 : memref<200xi32, #tpu.memory_space<vmem>>) semaphore(%arg8 : memref<!tpu.dma_semaphore, #tpu.memory_space<semaphore_mem>>)
    %add3A_191 = arith.constant 8 : i32
    %add3A_192 = arith.addi %mul3A_2, %add3A_191 : i32
    %run_scoped3A_193 = arith.constant 2 : i32
    "tpu.region"() ({
      %run_scoped3A_461 = tpu.sem_alloc : memref<!tpu.dma_semaphore, #tpu.memory_space<semaphore_mem>>
      %dma_start3A_462 = arith.constant 0 : i32
      %dma_start3A_463 = arith.constant 0 : i32
      %dma_start3A_464 = tpu.memref_slice %arg5[%run_scoped3A_193, %dma_start3A_462, %dma_start3A_463] : memref<4x4x200xi32, #tpu.memory_space<vmem>> -> memref<1x4x200xi32, #tpu.memory_space<vmem>>
      %dma_start3A_465 = tpu.memref_squeeze %dma_start3A_464 : memref<1x4x200xi32, #tpu.memory_space<vmem>> -> memref<4x200xi32, #tpu.memory_space<vmem>>
      %dma_start3A_466 = arith.constant 0 : i32
      %dma_start3A_467 = tpu.memref_slice %arg2[%add3A_192, %dma_start3A_466] : memref<4096x200xi32, #tpu.memory_space<hbm>> -> memref<4x200xi32, #tpu.memory_space<hbm>>
      %dma_start3A_468 = arith.constant 0 : i32
      %dma_start3A_469 = arith.constant 0 : i32
      %dma_start3A_470 = tpu.memref_slice %arg5[%run_scoped3A_193, %dma_start3A_468, %dma_start3A_469] : memref<4x4x200xi32, #tpu.memory_space<vmem>> -> memref<1x4x200xi32, #tpu.memory_space<vmem>>
      %dma_start3A_471 = tpu.memref_squeeze %dma_start3A_470 : memref<1x4x200xi32, #tpu.memory_space<vmem>> -> memref<4x200xi32, #tpu.memory_space<vmem>>
      %dma_start3A_472 = arith.constant 0 : i32
      %dma_start3A_473 = tpu.memref_slice %arg2[%add3A_192, %dma_start3A_472] : memref<4096x200xi32, #tpu.memory_space<hbm>> -> memref<4x200xi32, #tpu.memory_space<hbm>>
      tpu.enqueue_dma source(%dma_start3A_473 : memref<4x200xi32, #tpu.memory_space<hbm>>) target(%dma_start3A_471 : memref<4x200xi32, #tpu.memory_space<vmem>>) target_semaphore(%run_scoped3A_461 : memref<!tpu.dma_semaphore, #tpu.memory_space<semaphore_mem>>)
      %dma_wait3A_474 = arith.constant 0 : i32
      %dma_wait3A_475 = arith.constant 0 : i32
      %dma_wait3A_476 = tpu.memref_slice %arg5[%run_scoped3A_193, %dma_wait3A_474, %dma_wait3A_475] : memref<4x4x200xi32, #tpu.memory_space<vmem>> -> memref<1x4x200xi32, #tpu.memory_space<vmem>>
      %dma_wait3A_477 = tpu.memref_squeeze %dma_wait3A_476 : memref<1x4x200xi32, #tpu.memory_space<vmem>> -> memref<4x200xi32, #tpu.memory_space<vmem>>
      %dma_wait3A_478 = arith.constant 0 : i32
      %dma_wait3A_479 = tpu.memref_slice %arg2[%add3A_192, %dma_wait3A_478] : memref<4096x200xi32, #tpu.memory_space<hbm>> -> memref<4x200xi32, #tpu.memory_space<hbm>>
      %dma_wait3A_480 = arith.constant 0 : i32
      %dma_wait3A_481 = arith.constant 0 : i32
      %dma_wait3A_482 = tpu.memref_slice %arg5[%run_scoped3A_193, %dma_wait3A_480, %dma_wait3A_481] : memref<4x4x200xi32, #tpu.memory_space<vmem>> -> memref<1x4x200xi32, #tpu.memory_space<vmem>>
      %dma_wait3A_483 = tpu.memref_squeeze %dma_wait3A_482 : memref<1x4x200xi32, #tpu.memory_space<vmem>> -> memref<4x200xi32, #tpu.memory_space<vmem>>
      %dma_wait3A_484 = arith.constant 0 : i32
      %dma_wait3A_485 = tpu.memref_slice %arg2[%add3A_192, %dma_wait3A_484] : memref<4096x200xi32, #tpu.memory_space<hbm>> -> memref<4x200xi32, #tpu.memory_space<hbm>>
      tpu.wait_dma2 semaphore(%run_scoped3A_461 : memref<!tpu.dma_semaphore, #tpu.memory_space<semaphore_mem>>) src(%dma_wait3A_485 : memref<4x200xi32, #tpu.memory_space<hbm>>) dst(%dma_wait3A_483 : memref<4x200xi32, #tpu.memory_space<vmem>>)
      tpu.yield
    }) : () -> ()
    %dma_start3A_194 = arith.constant 2 : i32
    %dma_start3A_195 = arith.constant 0 : i32
    %dma_start3A_196 = arith.constant 2 : i32
    %dma_start3A_197 = arith.constant 0 : i32
    %dma_start3A_198 = arith.constant 0 : i32
    %dma_start3A_199 = arith.constant 0 : i32
    %dma_start3A_200 = arith.constant 0 : i32
    %dma_start3A_201 = tpu.memref_slice %arg6[%dma_start3A_196, %dma_start3A_198, %dma_start3A_199, %dma_start3A_200] : memref<4x4x200x32xf32, #tpu.memory_space<vmem>> -> memref<1x4x200x32xf32, #tpu.memory_space<vmem>>
    %dma_start3A_202 = tpu.memref_squeeze %dma_start3A_201 : memref<1x4x200x32xf32, #tpu.memory_space<vmem>> -> memref<4x200x32xf32, #tpu.memory_space<vmem>>
    %dma_start3A_203 = arith.constant 0 : i32
    %dma_start3A_204 = arith.constant 0 : i32
    %dma_start3A_205 = tpu.memref_slice %dma_start3A_202[%dma_start3A_197, %dma_start3A_203, %dma_start3A_204] : memref<4x200x32xf32, #tpu.memory_space<vmem>> -> memref<1x200x32xf32, #tpu.memory_space<vmem>>
    %dma_start3A_206 = tpu.memref_squeeze %dma_start3A_205 : memref<1x200x32xf32, #tpu.memory_space<vmem>> -> memref<200x32xf32, #tpu.memory_space<vmem>>
    %dma_start3A_207 = arith.constant 0 : i32
    %dma_start3A_208 = arith.constant 0 : i32
    %dma_start3A_209 = tpu.memref_slice %arg5[%dma_start3A_194, %dma_start3A_207, %dma_start3A_208] : memref<4x4x200xi32, #tpu.memory_space<vmem>> -> memref<1x4x200xi32, #tpu.memory_space<vmem>>
    %dma_start3A_210 = tpu.memref_squeeze %dma_start3A_209 : memref<1x4x200xi32, #tpu.memory_space<vmem>> -> memref<4x200xi32, #tpu.memory_space<vmem>>
    %dma_start3A_211 = arith.constant 0 : i32
    %dma_start3A_212 = tpu.memref_slice %dma_start3A_210[%dma_start3A_195, %dma_start3A_211] : memref<4x200xi32, #tpu.memory_space<vmem>> -> memref<1x200xi32, #tpu.memory_space<vmem>>
    %dma_start3A_213 = tpu.memref_squeeze %dma_start3A_212 : memref<1x200xi32, #tpu.memory_space<vmem>> -> memref<200xi32, #tpu.memory_space<vmem>>
    %dma_start3A_214 = arith.constant 0 : i32
    %dma_start3A_215 = arith.constant 0 : i32
    %dma_start3A_216 = tpu.memref_slice %arg3[%dma_start3A_214, %dma_start3A_215] : memref<1000000x32xf32, #tpu.memory_space<hbm>> -> memref<1000000x32xf32, #tpu.memory_space<hbm>>
    tpu.enqueue_indirect_dma source(%dma_start3A_216 : memref<1000000x32xf32, #tpu.memory_space<hbm>>) target(%dma_start3A_206 : memref<200x32xf32, #tpu.memory_space<vmem>>) offsets(%dma_start3A_213 : memref<200xi32, #tpu.memory_space<vmem>>) semaphore(%arg9 : memref<!tpu.dma_semaphore, #tpu.memory_space<semaphore_mem>>)
    %dma_start3A_217 = arith.constant 2 : i32
    %dma_start3A_218 = arith.constant 1 : i32
    %dma_start3A_219 = arith.constant 2 : i32
    %dma_start3A_220 = arith.constant 1 : i32
    %dma_start3A_221 = arith.constant 0 : i32
    %dma_start3A_222 = arith.constant 0 : i32
    %dma_start3A_223 = arith.constant 0 : i32
    %dma_start3A_224 = tpu.memref_slice %arg6[%dma_start3A_219, %dma_start3A_221, %dma_start3A_222, %dma_start3A_223] : memref<4x4x200x32xf32, #tpu.memory_space<vmem>> -> memref<1x4x200x32xf32, #tpu.memory_space<vmem>>
    %dma_start3A_225 = tpu.memref_squeeze %dma_start3A_224 : memref<1x4x200x32xf32, #tpu.memory_space<vmem>> -> memref<4x200x32xf32, #tpu.memory_space<vmem>>
    %dma_start3A_226 = arith.constant 0 : i32
    %dma_start3A_227 = arith.constant 0 : i32
    %dma_start3A_228 = tpu.memref_slice %dma_start3A_225[%dma_start3A_220, %dma_start3A_226, %dma_start3A_227] : memref<4x200x32xf32, #tpu.memory_space<vmem>> -> memref<1x200x32xf32, #tpu.memory_space<vmem>>
    %dma_start3A_229 = tpu.memref_squeeze %dma_start3A_228 : memref<1x200x32xf32, #tpu.memory_space<vmem>> -> memref<200x32xf32, #tpu.memory_space<vmem>>
    %dma_start3A_230 = arith.constant 0 : i32
    %dma_start3A_231 = arith.constant 0 : i32
    %dma_start3A_232 = tpu.memref_slice %arg5[%dma_start3A_217, %dma_start3A_230, %dma_start3A_231] : memref<4x4x200xi32, #tpu.memory_space<vmem>> -> memref<1x4x200xi32, #tpu.memory_space<vmem>>
    %dma_start3A_233 = tpu.memref_squeeze %dma_start3A_232 : memref<1x4x200xi32, #tpu.memory_space<vmem>> -> memref<4x200xi32, #tpu.memory_space<vmem>>
    %dma_start3A_234 = arith.constant 0 : i32
    %dma_start3A_235 = tpu.memref_slice %dma_start3A_233[%dma_start3A_218, %dma_start3A_234] : memref<4x200xi32, #tpu.memory_space<vmem>> -> memref<1x200xi32, #tpu.memory_space<vmem>>
    %dma_start3A_236 = tpu.memref_squeeze %dma_start3A_235 : memref<1x200xi32, #tpu.memory_space<vmem>> -> memref<200xi32, #tpu.memory_space<vmem>>
    %dma_start3A_237 = arith.constant 0 : i32
    %dma_start3A_238 = arith.constant 0 : i32
    %dma_start3A_239 = tpu.memref_slice %arg3[%dma_start3A_237, %dma_start3A_238] : memref<1000000x32xf32, #tpu.memory_space<hbm>> -> memref<1000000x32xf32, #tpu.memory_space<hbm>>
    tpu.enqueue_indirect_dma source(%dma_start3A_239 : memref<1000000x32xf32, #tpu.memory_space<hbm>>) target(%dma_start3A_229 : memref<200x32xf32, #tpu.memory_space<vmem>>) offsets(%dma_start3A_236 : memref<200xi32, #tpu.memory_space<vmem>>) semaphore(%arg9 : memref<!tpu.dma_semaphore, #tpu.memory_space<semaphore_mem>>)
    %dma_start3A_240 = arith.constant 2 : i32
    %dma_start3A_241 = arith.constant 2 : i32
    %dma_start3A_242 = arith.constant 2 : i32
    %dma_start3A_243 = arith.constant 2 : i32
    %dma_start3A_244 = arith.constant 0 : i32
    %dma_start3A_245 = arith.constant 0 : i32
    %dma_start3A_246 = arith.constant 0 : i32
    %dma_start3A_247 = tpu.memref_slice %arg6[%dma_start3A_242, %dma_start3A_244, %dma_start3A_245, %dma_start3A_246] : memref<4x4x200x32xf32, #tpu.memory_space<vmem>> -> memref<1x4x200x32xf32, #tpu.memory_space<vmem>>
    %dma_start3A_248 = tpu.memref_squeeze %dma_start3A_247 : memref<1x4x200x32xf32, #tpu.memory_space<vmem>> -> memref<4x200x32xf32, #tpu.memory_space<vmem>>
    %dma_start3A_249 = arith.constant 0 : i32
    %dma_start3A_250 = arith.constant 0 : i32
    %dma_start3A_251 = tpu.memref_slice %dma_start3A_248[%dma_start3A_243, %dma_start3A_249, %dma_start3A_250] : memref<4x200x32xf32, #tpu.memory_space<vmem>> -> memref<1x200x32xf32, #tpu.memory_space<vmem>>
    %dma_start3A_252 = tpu.memref_squeeze %dma_start3A_251 : memref<1x200x32xf32, #tpu.memory_space<vmem>> -> memref<200x32xf32, #tpu.memory_space<vmem>>
    %dma_start3A_253 = arith.constant 0 : i32
    %dma_start3A_254 = arith.constant 0 : i32
    %dma_start3A_255 = tpu.memref_slice %arg5[%dma_start3A_240, %dma_start3A_253, %dma_start3A_254] : memref<4x4x200xi32, #tpu.memory_space<vmem>> -> memref<1x4x200xi32, #tpu.memory_space<vmem>>
    %dma_start3A_256 = tpu.memref_squeeze %dma_start3A_255 : memref<1x4x200xi32, #tpu.memory_space<vmem>> -> memref<4x200xi32, #tpu.memory_space<vmem>>
    %dma_start3A_257 = arith.constant 0 : i32
    %dma_start3A_258 = tpu.memref_slice %dma_start3A_256[%dma_start3A_241, %dma_start3A_257] : memref<4x200xi32, #tpu.memory_space<vmem>> -> memref<1x200xi32, #tpu.memory_space<vmem>>
    %dma_start3A_259 = tpu.memref_squeeze %dma_start3A_258 : memref<1x200xi32, #tpu.memory_space<vmem>> -> memref<200xi32, #tpu.memory_space<vmem>>
    %dma_start3A_260 = arith.constant 0 : i32
    %dma_start3A_261 = arith.constant 0 : i32
    %dma_start3A_262 = tpu.memref_slice %arg3[%dma_start3A_260, %dma_start3A_261] : memref<1000000x32xf32, #tpu.memory_space<hbm>> -> memref<1000000x32xf32, #tpu.memory_space<hbm>>
    tpu.enqueue_indirect_dma source(%dma_start3A_262 : memref<1000000x32xf32, #tpu.memory_space<hbm>>) target(%dma_start3A_252 : memref<200x32xf32, #tpu.memory_space<vmem>>) offsets(%dma_start3A_259 : memref<200xi32, #tpu.memory_space<vmem>>) semaphore(%arg9 : memref<!tpu.dma_semaphore, #tpu.memory_space<semaphore_mem>>)
    %dma_start3A_263 = arith.constant 2 : i32
    %dma_start3A_264 = arith.constant 3 : i32
    %dma_start3A_265 = arith.constant 2 : i32
    %dma_start3A_266 = arith.constant 3 : i32
    %dma_start3A_267 = arith.constant 0 : i32
    %dma_start3A_268 = arith.constant 0 : i32
    %dma_start3A_269 = arith.constant 0 : i32
    %dma_start3A_270 = tpu.memref_slice %arg6[%dma_start3A_265, %dma_start3A_267, %dma_start3A_268, %dma_start3A_269] : memref<4x4x200x32xf32, #tpu.memory_space<vmem>> -> memref<1x4x200x32xf32, #tpu.memory_space<vmem>>
    %dma_start3A_271 = tpu.memref_squeeze %dma_start3A_270 : memref<1x4x200x32xf32, #tpu.memory_space<vmem>> -> memref<4x200x32xf32, #tpu.memory_space<vmem>>
    %dma_start3A_272 = arith.constant 0 : i32
    %dma_start3A_273 = arith.constant 0 : i32
    %dma_start3A_274 = tpu.memref_slice %dma_start3A_271[%dma_start3A_266, %dma_start3A_272, %dma_start3A_273] : memref<4x200x32xf32, #tpu.memory_space<vmem>> -> memref<1x200x32xf32, #tpu.memory_space<vmem>>
    %dma_start3A_275 = tpu.memref_squeeze %dma_start3A_274 : memref<1x200x32xf32, #tpu.memory_space<vmem>> -> memref<200x32xf32, #tpu.memory_space<vmem>>
    %dma_start3A_276 = arith.constant 0 : i32
    %dma_start3A_277 = arith.constant 0 : i32
    %dma_start3A_278 = tpu.memref_slice %arg5[%dma_start3A_263, %dma_start3A_276, %dma_start3A_277] : memref<4x4x200xi32, #tpu.memory_space<vmem>> -> memref<1x4x200xi32, #tpu.memory_space<vmem>>
    %dma_start3A_279 = tpu.memref_squeeze %dma_start3A_278 : memref<1x4x200xi32, #tpu.memory_space<vmem>> -> memref<4x200xi32, #tpu.memory_space<vmem>>
    %dma_start3A_280 = arith.constant 0 : i32
    %dma_start3A_281 = tpu.memref_slice %dma_start3A_279[%dma_start3A_264, %dma_start3A_280] : memref<4x200xi32, #tpu.memory_space<vmem>> -> memref<1x200xi32, #tpu.memory_space<vmem>>
    %dma_start3A_282 = tpu.memref_squeeze %dma_start3A_281 : memref<1x200xi32, #tpu.memory_space<vmem>> -> memref<200xi32, #tpu.memory_space<vmem>>
    %dma_start3A_283 = arith.constant 0 : i32
    %dma_start3A_284 = arith.constant 0 : i32
    %dma_start3A_285 = tpu.memref_slice %arg3[%dma_start3A_283, %dma_start3A_284] : memref<1000000x32xf32, #tpu.memory_space<hbm>> -> memref<1000000x32xf32, #tpu.memory_space<hbm>>
    tpu.enqueue_indirect_dma source(%dma_start3A_285 : memref<1000000x32xf32, #tpu.memory_space<hbm>>) target(%dma_start3A_275 : memref<200x32xf32, #tpu.memory_space<vmem>>) offsets(%dma_start3A_282 : memref<200xi32, #tpu.memory_space<vmem>>) semaphore(%arg9 : memref<!tpu.dma_semaphore, #tpu.memory_space<semaphore_mem>>)
    %add3A_286 = arith.constant 12 : i32
    %add3A_287 = arith.addi %mul3A_2, %add3A_286 : i32
    %run_scoped3A_288 = arith.constant 3 : i32
    "tpu.region"() ({
      %run_scoped3A_461 = tpu.sem_alloc : memref<!tpu.dma_semaphore, #tpu.memory_space<semaphore_mem>>
      %dma_start3A_462 = arith.constant 0 : i32
      %dma_start3A_463 = arith.constant 0 : i32
      %dma_start3A_464 = tpu.memref_slice %arg5[%run_scoped3A_288, %dma_start3A_462, %dma_start3A_463] : memref<4x4x200xi32, #tpu.memory_space<vmem>> -> memref<1x4x200xi32, #tpu.memory_space<vmem>>
      %dma_start3A_465 = tpu.memref_squeeze %dma_start3A_464 : memref<1x4x200xi32, #tpu.memory_space<vmem>> -> memref<4x200xi32, #tpu.memory_space<vmem>>
      %dma_start3A_466 = arith.constant 0 : i32
      %dma_start3A_467 = tpu.memref_slice %arg2[%add3A_287, %dma_start3A_466] : memref<4096x200xi32, #tpu.memory_space<hbm>> -> memref<4x200xi32, #tpu.memory_space<hbm>>
      %dma_start3A_468 = arith.constant 0 : i32
      %dma_start3A_469 = arith.constant 0 : i32
      %dma_start3A_470 = tpu.memref_slice %arg5[%run_scoped3A_288, %dma_start3A_468, %dma_start3A_469] : memref<4x4x200xi32, #tpu.memory_space<vmem>> -> memref<1x4x200xi32, #tpu.memory_space<vmem>>
      %dma_start3A_471 = tpu.memref_squeeze %dma_start3A_470 : memref<1x4x200xi32, #tpu.memory_space<vmem>> -> memref<4x200xi32, #tpu.memory_space<vmem>>
      %dma_start3A_472 = arith.constant 0 : i32
      %dma_start3A_473 = tpu.memref_slice %arg2[%add3A_287, %dma_start3A_472] : memref<4096x200xi32, #tpu.memory_space<hbm>> -> memref<4x200xi32, #tpu.memory_space<hbm>>
      tpu.enqueue_dma source(%dma_start3A_473 : memref<4x200xi32, #tpu.memory_space<hbm>>) target(%dma_start3A_471 : memref<4x200xi32, #tpu.memory_space<vmem>>) target_semaphore(%run_scoped3A_461 : memref<!tpu.dma_semaphore, #tpu.memory_space<semaphore_mem>>)
      %dma_wait3A_474 = arith.constant 0 : i32
      %dma_wait3A_475 = arith.constant 0 : i32
      %dma_wait3A_476 = tpu.memref_slice %arg5[%run_scoped3A_288, %dma_wait3A_474, %dma_wait3A_475] : memref<4x4x200xi32, #tpu.memory_space<vmem>> -> memref<1x4x200xi32, #tpu.memory_space<vmem>>
      %dma_wait3A_477 = tpu.memref_squeeze %dma_wait3A_476 : memref<1x4x200xi32, #tpu.memory_space<vmem>> -> memref<4x200xi32, #tpu.memory_space<vmem>>
      %dma_wait3A_478 = arith.constant 0 : i32
      %dma_wait3A_479 = tpu.memref_slice %arg2[%add3A_287, %dma_wait3A_478] : memref<4096x200xi32, #tpu.memory_space<hbm>> -> memref<4x200xi32, #tpu.memory_space<hbm>>
      %dma_wait3A_480 = arith.constant 0 : i32
      %dma_wait3A_481 = arith.constant 0 : i32
      %dma_wait3A_482 = tpu.memref_slice %arg5[%run_scoped3A_288, %dma_wait3A_480, %dma_wait3A_481] : memref<4x4x200xi32, #tpu.memory_space<vmem>> -> memref<1x4x200xi32, #tpu.memory_space<vmem>>
      %dma_wait3A_483 = tpu.memref_squeeze %dma_wait3A_482 : memref<1x4x200xi32, #tpu.memory_space<vmem>> -> memref<4x200xi32, #tpu.memory_space<vmem>>
      %dma_wait3A_484 = arith.constant 0 : i32
      %dma_wait3A_485 = tpu.memref_slice %arg2[%add3A_287, %dma_wait3A_484] : memref<4096x200xi32, #tpu.memory_space<hbm>> -> memref<4x200xi32, #tpu.memory_space<hbm>>
      tpu.wait_dma2 semaphore(%run_scoped3A_461 : memref<!tpu.dma_semaphore, #tpu.memory_space<semaphore_mem>>) src(%dma_wait3A_485 : memref<4x200xi32, #tpu.memory_space<hbm>>) dst(%dma_wait3A_483 : memref<4x200xi32, #tpu.memory_space<vmem>>)
      tpu.yield
    }) : () -> ()
    %dma_start3A_289 = arith.constant 3 : i32
    %dma_start3A_290 = arith.constant 0 : i32
    %dma_start3A_291 = arith.constant 3 : i32
    %dma_start3A_292 = arith.constant 0 : i32
    %dma_start3A_293 = arith.constant 0 : i32
    %dma_start3A_294 = arith.constant 0 : i32
    %dma_start3A_295 = arith.constant 0 : i32
    %dma_start3A_296 = tpu.memref_slice %arg6[%dma_start3A_291, %dma_start3A_293, %dma_start3A_294, %dma_start3A_295] : memref<4x4x200x32xf32, #tpu.memory_space<vmem>> -> memref<1x4x200x32xf32, #tpu.memory_space<vmem>>
    %dma_start3A_297 = tpu.memref_squeeze %dma_start3A_296 : memref<1x4x200x32xf32, #tpu.memory_space<vmem>> -> memref<4x200x32xf32, #tpu.memory_space<vmem>>
    %dma_start3A_298 = arith.constant 0 : i32
    %dma_start3A_299 = arith.constant 0 : i32
    %dma_start3A_300 = tpu.memref_slice %dma_start3A_297[%dma_start3A_292, %dma_start3A_298, %dma_start3A_299] : memref<4x200x32xf32, #tpu.memory_space<vmem>> -> memref<1x200x32xf32, #tpu.memory_space<vmem>>
    %dma_start3A_301 = tpu.memref_squeeze %dma_start3A_300 : memref<1x200x32xf32, #tpu.memory_space<vmem>> -> memref<200x32xf32, #tpu.memory_space<vmem>>
    %dma_start3A_302 = arith.constant 0 : i32
    %dma_start3A_303 = arith.constant 0 : i32
    %dma_start3A_304 = tpu.memref_slice %arg5[%dma_start3A_289, %dma_start3A_302, %dma_start3A_303] : memref<4x4x200xi32, #tpu.memory_space<vmem>> -> memref<1x4x200xi32, #tpu.memory_space<vmem>>
    %dma_start3A_305 = tpu.memref_squeeze %dma_start3A_304 : memref<1x4x200xi32, #tpu.memory_space<vmem>> -> memref<4x200xi32, #tpu.memory_space<vmem>>
    %dma_start3A_306 = arith.constant 0 : i32
    %dma_start3A_307 = tpu.memref_slice %dma_start3A_305[%dma_start3A_290, %dma_start3A_306] : memref<4x200xi32, #tpu.memory_space<vmem>> -> memref<1x200xi32, #tpu.memory_space<vmem>>
    %dma_start3A_308 = tpu.memref_squeeze %dma_start3A_307 : memref<1x200xi32, #tpu.memory_space<vmem>> -> memref<200xi32, #tpu.memory_space<vmem>>
    %dma_start3A_309 = arith.constant 0 : i32
    %dma_start3A_310 = arith.constant 0 : i32
    %dma_start3A_311 = tpu.memref_slice %arg3[%dma_start3A_309, %dma_start3A_310] : memref<1000000x32xf32, #tpu.memory_space<hbm>> -> memref<1000000x32xf32, #tpu.memory_space<hbm>>
    tpu.enqueue_indirect_dma source(%dma_start3A_311 : memref<1000000x32xf32, #tpu.memory_space<hbm>>) target(%dma_start3A_301 : memref<200x32xf32, #tpu.memory_space<vmem>>) offsets(%dma_start3A_308 : memref<200xi32, #tpu.memory_space<vmem>>) semaphore(%arg10 : memref<!tpu.dma_semaphore, #tpu.memory_space<semaphore_mem>>)
    %dma_start3A_312 = arith.constant 3 : i32
    %dma_start3A_313 = arith.constant 1 : i32
    %dma_start3A_314 = arith.constant 3 : i32
    %dma_start3A_315 = arith.constant 1 : i32
    %dma_start3A_316 = arith.constant 0 : i32
    %dma_start3A_317 = arith.constant 0 : i32
    %dma_start3A_318 = arith.constant 0 : i32
    %dma_start3A_319 = tpu.memref_slice %arg6[%dma_start3A_314, %dma_start3A_316, %dma_start3A_317, %dma_start3A_318] : memref<4x4x200x32xf32, #tpu.memory_space<vmem>> -> memref<1x4x200x32xf32, #tpu.memory_space<vmem>>
    %dma_start3A_320 = tpu.memref_squeeze %dma_start3A_319 : memref<1x4x200x32xf32, #tpu.memory_space<vmem>> -> memref<4x200x32xf32, #tpu.memory_space<vmem>>
    %dma_start3A_321 = arith.constant 0 : i32
    %dma_start3A_322 = arith.constant 0 : i32
    %dma_start3A_323 = tpu.memref_slice %dma_start3A_320[%dma_start3A_315, %dma_start3A_321, %dma_start3A_322] : memref<4x200x32xf32, #tpu.memory_space<vmem>> -> memref<1x200x32xf32, #tpu.memory_space<vmem>>
    %dma_start3A_324 = tpu.memref_squeeze %dma_start3A_323 : memref<1x200x32xf32, #tpu.memory_space<vmem>> -> memref<200x32xf32, #tpu.memory_space<vmem>>
    %dma_start3A_325 = arith.constant 0 : i32
    %dma_start3A_326 = arith.constant 0 : i32
    %dma_start3A_327 = tpu.memref_slice %arg5[%dma_start3A_312, %dma_start3A_325, %dma_start3A_326] : memref<4x4x200xi32, #tpu.memory_space<vmem>> -> memref<1x4x200xi32, #tpu.memory_space<vmem>>
    %dma_start3A_328 = tpu.memref_squeeze %dma_start3A_327 : memref<1x4x200xi32, #tpu.memory_space<vmem>> -> memref<4x200xi32, #tpu.memory_space<vmem>>
    %dma_start3A_329 = arith.constant 0 : i32
    %dma_start3A_330 = tpu.memref_slice %dma_start3A_328[%dma_start3A_313, %dma_start3A_329] : memref<4x200xi32, #tpu.memory_space<vmem>> -> memref<1x200xi32, #tpu.memory_space<vmem>>
    %dma_start3A_331 = tpu.memref_squeeze %dma_start3A_330 : memref<1x200xi32, #tpu.memory_space<vmem>> -> memref<200xi32, #tpu.memory_space<vmem>>
    %dma_start3A_332 = arith.constant 0 : i32
    %dma_start3A_333 = arith.constant 0 : i32
    %dma_start3A_334 = tpu.memref_slice %arg3[%dma_start3A_332, %dma_start3A_333] : memref<1000000x32xf32, #tpu.memory_space<hbm>> -> memref<1000000x32xf32, #tpu.memory_space<hbm>>
    tpu.enqueue_indirect_dma source(%dma_start3A_334 : memref<1000000x32xf32, #tpu.memory_space<hbm>>) target(%dma_start3A_324 : memref<200x32xf32, #tpu.memory_space<vmem>>) offsets(%dma_start3A_331 : memref<200xi32, #tpu.memory_space<vmem>>) semaphore(%arg10 : memref<!tpu.dma_semaphore, #tpu.memory_space<semaphore_mem>>)
    %dma_start3A_335 = arith.constant 3 : i32
    %dma_start3A_336 = arith.constant 2 : i32
    %dma_start3A_337 = arith.constant 3 : i32
    %dma_start3A_338 = arith.constant 2 : i32
    %dma_start3A_339 = arith.constant 0 : i32
    %dma_start3A_340 = arith.constant 0 : i32
    %dma_start3A_341 = arith.constant 0 : i32
    %dma_start3A_342 = tpu.memref_slice %arg6[%dma_start3A_337, %dma_start3A_339, %dma_start3A_340, %dma_start3A_341] : memref<4x4x200x32xf32, #tpu.memory_space<vmem>> -> memref<1x4x200x32xf32, #tpu.memory_space<vmem>>
    %dma_start3A_343 = tpu.memref_squeeze %dma_start3A_342 : memref<1x4x200x32xf32, #tpu.memory_space<vmem>> -> memref<4x200x32xf32, #tpu.memory_space<vmem>>
    %dma_start3A_344 = arith.constant 0 : i32
    %dma_start3A_345 = arith.constant 0 : i32
    %dma_start3A_346 = tpu.memref_slice %dma_start3A_343[%dma_start3A_338, %dma_start3A_344, %dma_start3A_345] : memref<4x200x32xf32, #tpu.memory_space<vmem>> -> memref<1x200x32xf32, #tpu.memory_space<vmem>>
    %dma_start3A_347 = tpu.memref_squeeze %dma_start3A_346 : memref<1x200x32xf32, #tpu.memory_space<vmem>> -> memref<200x32xf32, #tpu.memory_space<vmem>>
    %dma_start3A_348 = arith.constant 0 : i32
    %dma_start3A_349 = arith.constant 0 : i32
    %dma_start3A_350 = tpu.memref_slice %arg5[%dma_start3A_335, %dma_start3A_348, %dma_start3A_349] : memref<4x4x200xi32, #tpu.memory_space<vmem>> -> memref<1x4x200xi32, #tpu.memory_space<vmem>>
    %dma_start3A_351 = tpu.memref_squeeze %dma_start3A_350 : memref<1x4x200xi32, #tpu.memory_space<vmem>> -> memref<4x200xi32, #tpu.memory_space<vmem>>
    %dma_start3A_352 = arith.constant 0 : i32
    %dma_start3A_353 = tpu.memref_slice %dma_start3A_351[%dma_start3A_336, %dma_start3A_352] : memref<4x200xi32, #tpu.memory_space<vmem>> -> memref<1x200xi32, #tpu.memory_space<vmem>>
    %dma_start3A_354 = tpu.memref_squeeze %dma_start3A_353 : memref<1x200xi32, #tpu.memory_space<vmem>> -> memref<200xi32, #tpu.memory_space<vmem>>
    %dma_start3A_355 = arith.constant 0 : i32
    %dma_start3A_356 = arith.constant 0 : i32
    %dma_start3A_357 = tpu.memref_slice %arg3[%dma_start3A_355, %dma_start3A_356] : memref<1000000x32xf32, #tpu.memory_space<hbm>> -> memref<1000000x32xf32, #tpu.memory_space<hbm>>
    tpu.enqueue_indirect_dma source(%dma_start3A_357 : memref<1000000x32xf32, #tpu.memory_space<hbm>>) target(%dma_start3A_347 : memref<200x32xf32, #tpu.memory_space<vmem>>) offsets(%dma_start3A_354 : memref<200xi32, #tpu.memory_space<vmem>>) semaphore(%arg10 : memref<!tpu.dma_semaphore, #tpu.memory_space<semaphore_mem>>)
    %dma_start3A_358 = arith.constant 3 : i32
    %dma_start3A_359 = arith.constant 3 : i32
    %dma_start3A_360 = arith.constant 3 : i32
    %dma_start3A_361 = arith.constant 3 : i32
    %dma_start3A_362 = arith.constant 0 : i32
    %dma_start3A_363 = arith.constant 0 : i32
    %dma_start3A_364 = arith.constant 0 : i32
    %dma_start3A_365 = tpu.memref_slice %arg6[%dma_start3A_360, %dma_start3A_362, %dma_start3A_363, %dma_start3A_364] : memref<4x4x200x32xf32, #tpu.memory_space<vmem>> -> memref<1x4x200x32xf32, #tpu.memory_space<vmem>>
    %dma_start3A_366 = tpu.memref_squeeze %dma_start3A_365 : memref<1x4x200x32xf32, #tpu.memory_space<vmem>> -> memref<4x200x32xf32, #tpu.memory_space<vmem>>
    %dma_start3A_367 = arith.constant 0 : i32
    %dma_start3A_368 = arith.constant 0 : i32
    %dma_start3A_369 = tpu.memref_slice %dma_start3A_366[%dma_start3A_361, %dma_start3A_367, %dma_start3A_368] : memref<4x200x32xf32, #tpu.memory_space<vmem>> -> memref<1x200x32xf32, #tpu.memory_space<vmem>>
    %dma_start3A_370 = tpu.memref_squeeze %dma_start3A_369 : memref<1x200x32xf32, #tpu.memory_space<vmem>> -> memref<200x32xf32, #tpu.memory_space<vmem>>
    %dma_start3A_371 = arith.constant 0 : i32
    %dma_start3A_372 = arith.constant 0 : i32
    %dma_start3A_373 = tpu.memref_slice %arg5[%dma_start3A_358, %dma_start3A_371, %dma_start3A_372] : memref<4x4x200xi32, #tpu.memory_space<vmem>> -> memref<1x4x200xi32, #tpu.memory_space<vmem>>
    %dma_start3A_374 = tpu.memref_squeeze %dma_start3A_373 : memref<1x4x200xi32, #tpu.memory_space<vmem>> -> memref<4x200xi32, #tpu.memory_space<vmem>>
    %dma_start3A_375 = arith.constant 0 : i32
    %dma_start3A_376 = tpu.memref_slice %dma_start3A_374[%dma_start3A_359, %dma_start3A_375] : memref<4x200xi32, #tpu.memory_space<vmem>> -> memref<1x200xi32, #tpu.memory_space<vmem>>
    %dma_start3A_377 = tpu.memref_squeeze %dma_start3A_376 : memref<1x200xi32, #tpu.memory_space<vmem>> -> memref<200xi32, #tpu.memory_space<vmem>>
    %dma_start3A_378 = arith.constant 0 : i32
    %dma_start3A_379 = arith.constant 0 : i32
    %dma_start3A_380 = tpu.memref_slice %arg3[%dma_start3A_378, %dma_start3A_379] : memref<1000000x32xf32, #tpu.memory_space<hbm>> -> memref<1000000x32xf32, #tpu.memory_space<hbm>>
    tpu.enqueue_indirect_dma source(%dma_start3A_380 : memref<1000000x32xf32, #tpu.memory_space<hbm>>) target(%dma_start3A_370 : memref<200x32xf32, #tpu.memory_space<vmem>>) offsets(%dma_start3A_377 : memref<200xi32, #tpu.memory_space<vmem>>) semaphore(%arg10 : memref<!tpu.dma_semaphore, #tpu.memory_space<semaphore_mem>>)
    %scan3A = arith.constant 0 : i32
    %scan3A_381 = arith.constant 0 : i32
    %scan3A_382 = arith.constant 8 : i32
    %scan3A_383 = arith.addi %scan3A_381, %scan3A_382 : i32
    %scan3A_384 = arith.constant 1 : i32
    scf.for %scan3A_461 = %scan3A_381 to %scan3A_383 step %scan3A_384  : i32 {
      %mul3A_462 = arith.constant 4 : i32
      %mul3A_463 = arith.muli %scan3A_461, %mul3A_462 : i32
      %add3A_464 = arith.constant 0 : i32
      %add3A_465 = arith.addi %mul3A_463, %add3A_464 : i32
      %mul3A_466 = arith.constant 4 : i32
      %mul3A_467 = arith.muli %add3A_465, %mul3A_466 : i32
      %add3A_468 = arith.addi %mul3A_2, %mul3A_467 : i32
      %dma_wait3A_469 = arith.constant 0 : i32
      %dma_wait3A_470 = arith.constant 0 : i32
      %dma_wait3A_471 = arith.constant 0 : i32
      %dma_wait3A_472 = arith.constant 0 : i32
      %dma_wait3A_473 = arith.constant 0 : i32
      %dma_wait3A_474 = arith.constant 0 : i32
      %dma_wait3A_475 = arith.constant 0 : i32
      %dma_wait3A_476 = tpu.memref_slice %arg6[%dma_wait3A_471, %dma_wait3A_473, %dma_wait3A_474, %dma_wait3A_475] : memref<4x4x200x32xf32, #tpu.memory_space<vmem>> -> memref<1x4x200x32xf32, #tpu.memory_space<vmem>>
      %dma_wait3A_477 = tpu.memref_squeeze %dma_wait3A_476 : memref<1x4x200x32xf32, #tpu.memory_space<vmem>> -> memref<4x200x32xf32, #tpu.memory_space<vmem>>
      %dma_wait3A_478 = arith.constant 0 : i32
      %dma_wait3A_479 = arith.constant 0 : i32
      %dma_wait3A_480 = tpu.memref_slice %dma_wait3A_477[%dma_wait3A_472, %dma_wait3A_478, %dma_wait3A_479] : memref<4x200x32xf32, #tpu.memory_space<vmem>> -> memref<1x200x32xf32, #tpu.memory_space<vmem>>
      %dma_wait3A_481 = tpu.memref_squeeze %dma_wait3A_480 : memref<1x200x32xf32, #tpu.memory_space<vmem>> -> memref<200x32xf32, #tpu.memory_space<vmem>>
      %dma_wait3A_482 = arith.constant 0 : i32
      %dma_wait3A_483 = arith.constant 0 : i32
      %dma_wait3A_484 = tpu.memref_slice %arg5[%dma_wait3A_469, %dma_wait3A_482, %dma_wait3A_483] : memref<4x4x200xi32, #tpu.memory_space<vmem>> -> memref<1x4x200xi32, #tpu.memory_space<vmem>>
      %dma_wait3A_485 = tpu.memref_squeeze %dma_wait3A_484 : memref<1x4x200xi32, #tpu.memory_space<vmem>> -> memref<4x200xi32, #tpu.memory_space<vmem>>
      %dma_wait3A_486 = arith.constant 0 : i32
      %dma_wait3A_487 = tpu.memref_slice %dma_wait3A_485[%dma_wait3A_470, %dma_wait3A_486] : memref<4x200xi32, #tpu.memory_space<vmem>> -> memref<1x200xi32, #tpu.memory_space<vmem>>
      %dma_wait3A_488 = tpu.memref_squeeze %dma_wait3A_487 : memref<1x200xi32, #tpu.memory_space<vmem>> -> memref<200xi32, #tpu.memory_space<vmem>>
      %dma_wait3A_489 = arith.constant 0 : i32
      %dma_wait3A_490 = arith.constant 0 : i32
      %dma_wait3A_491 = tpu.memref_slice %arg3[%dma_wait3A_489, %dma_wait3A_490] : memref<1000000x32xf32, #tpu.memory_space<hbm>> -> memref<1000000x32xf32, #tpu.memory_space<hbm>>
      tpu.wait_indirect_dma semaphore(%arg7 : memref<!tpu.dma_semaphore, #tpu.memory_space<semaphore_mem>>) src(%dma_wait3A_491 : memref<1000000x32xf32, #tpu.memory_space<hbm>>) dst(%dma_wait3A_481 : memref<200x32xf32, #tpu.memory_space<vmem>>)
      %dma_wait3A_492 = arith.constant 0 : i32
      %dma_wait3A_493 = arith.constant 1 : i32
      %dma_wait3A_494 = arith.constant 0 : i32
      %dma_wait3A_495 = arith.constant 1 : i32
      %dma_wait3A_496 = arith.constant 0 : i32
      %dma_wait3A_497 = arith.constant 0 : i32
      %dma_wait3A_498 = arith.constant 0 : i32
      %dma_wait3A_499 = tpu.memref_slice %arg6[%dma_wait3A_494, %dma_wait3A_496, %dma_wait3A_497, %dma_wait3A_498] : memref<4x4x200x32xf32, #tpu.memory_space<vmem>> -> memref<1x4x200x32xf32, #tpu.memory_space<vmem>>
      %dma_wait3A_500 = tpu.memref_squeeze %dma_wait3A_499 : memref<1x4x200x32xf32, #tpu.memory_space<vmem>> -> memref<4x200x32xf32, #tpu.memory_space<vmem>>
      %dma_wait3A_501 = arith.constant 0 : i32
      %dma_wait3A_502 = arith.constant 0 : i32
      %dma_wait3A_503 = tpu.memref_slice %dma_wait3A_500[%dma_wait3A_495, %dma_wait3A_501, %dma_wait3A_502] : memref<4x200x32xf32, #tpu.memory_space<vmem>> -> memref<1x200x32xf32, #tpu.memory_space<vmem>>
      %dma_wait3A_504 = tpu.memref_squeeze %dma_wait3A_503 : memref<1x200x32xf32, #tpu.memory_space<vmem>> -> memref<200x32xf32, #tpu.memory_space<vmem>>
      %dma_wait3A_505 = arith.constant 0 : i32
      %dma_wait3A_506 = arith.constant 0 : i32
      %dma_wait3A_507 = tpu.memref_slice %arg5[%dma_wait3A_492, %dma_wait3A_505, %dma_wait3A_506] : memref<4x4x200xi32, #tpu.memory_space<vmem>> -> memref<1x4x200xi32, #tpu.memory_space<vmem>>
      %dma_wait3A_508 = tpu.memref_squeeze %dma_wait3A_507 : memref<1x4x200xi32, #tpu.memory_space<vmem>> -> memref<4x200xi32, #tpu.memory_space<vmem>>
      %dma_wait3A_509 = arith.constant 0 : i32
      %dma_wait3A_510 = tpu.memref_slice %dma_wait3A_508[%dma_wait3A_493, %dma_wait3A_509] : memref<4x200xi32, #tpu.memory_space<vmem>> -> memref<1x200xi32, #tpu.memory_space<vmem>>
      %dma_wait3A_511 = tpu.memref_squeeze %dma_wait3A_510 : memref<1x200xi32, #tpu.memory_space<vmem>> -> memref<200xi32, #tpu.memory_space<vmem>>
      %dma_wait3A_512 = arith.constant 0 : i32
      %dma_wait3A_513 = arith.constant 0 : i32
      %dma_wait3A_514 = tpu.memref_slice %arg3[%dma_wait3A_512, %dma_wait3A_513] : memref<1000000x32xf32, #tpu.memory_space<hbm>> -> memref<1000000x32xf32, #tpu.memory_space<hbm>>
      tpu.wait_indirect_dma semaphore(%arg7 : memref<!tpu.dma_semaphore, #tpu.memory_space<semaphore_mem>>) src(%dma_wait3A_514 : memref<1000000x32xf32, #tpu.memory_space<hbm>>) dst(%dma_wait3A_504 : memref<200x32xf32, #tpu.memory_space<vmem>>)
      %dma_wait3A_515 = arith.constant 0 : i32
      %dma_wait3A_516 = arith.constant 2 : i32
      %dma_wait3A_517 = arith.constant 0 : i32
      %dma_wait3A_518 = arith.constant 2 : i32
      %dma_wait3A_519 = arith.constant 0 : i32
      %dma_wait3A_520 = arith.constant 0 : i32
      %dma_wait3A_521 = arith.constant 0 : i32
      %dma_wait3A_522 = tpu.memref_slice %arg6[%dma_wait3A_517, %dma_wait3A_519, %dma_wait3A_520, %dma_wait3A_521] : memref<4x4x200x32xf32, #tpu.memory_space<vmem>> -> memref<1x4x200x32xf32, #tpu.memory_space<vmem>>
      %dma_wait3A_523 = tpu.memref_squeeze %dma_wait3A_522 : memref<1x4x200x32xf32, #tpu.memory_space<vmem>> -> memref<4x200x32xf32, #tpu.memory_space<vmem>>
      %dma_wait3A_524 = arith.constant 0 : i32
      %dma_wait3A_525 = arith.constant 0 : i32
      %dma_wait3A_526 = tpu.memref_slice %dma_wait3A_523[%dma_wait3A_518, %dma_wait3A_524, %dma_wait3A_525] : memref<4x200x32xf32, #tpu.memory_space<vmem>> -> memref<1x200x32xf32, #tpu.memory_space<vmem>>
      %dma_wait3A_527 = tpu.memref_squeeze %dma_wait3A_526 : memref<1x200x32xf32, #tpu.memory_space<vmem>> -> memref<200x32xf32, #tpu.memory_space<vmem>>
      %dma_wait3A_528 = arith.constant 0 : i32
      %dma_wait3A_529 = arith.constant 0 : i32
      %dma_wait3A_530 = tpu.memref_slice %arg5[%dma_wait3A_515, %dma_wait3A_528, %dma_wait3A_529] : memref<4x4x200xi32, #tpu.memory_space<vmem>> -> memref<1x4x200xi32, #tpu.memory_space<vmem>>
      %dma_wait3A_531 = tpu.memref_squeeze %dma_wait3A_530 : memref<1x4x200xi32, #tpu.memory_space<vmem>> -> memref<4x200xi32, #tpu.memory_space<vmem>>
      %dma_wait3A_532 = arith.constant 0 : i32
      %dma_wait3A_533 = tpu.memref_slice %dma_wait3A_531[%dma_wait3A_516, %dma_wait3A_532] : memref<4x200xi32, #tpu.memory_space<vmem>> -> memref<1x200xi32, #tpu.memory_space<vmem>>
      %dma_wait3A_534 = tpu.memref_squeeze %dma_wait3A_533 : memref<1x200xi32, #tpu.memory_space<vmem>> -> memref<200xi32, #tpu.memory_space<vmem>>
      %dma_wait3A_535 = arith.constant 0 : i32
      %dma_wait3A_536 = arith.constant 0 : i32
      %dma_wait3A_537 = tpu.memref_slice %arg3[%dma_wait3A_535, %dma_wait3A_536] : memref<1000000x32xf32, #tpu.memory_space<hbm>> -> memref<1000000x32xf32, #tpu.memory_space<hbm>>
      tpu.wait_indirect_dma semaphore(%arg7 : memref<!tpu.dma_semaphore, #tpu.memory_space<semaphore_mem>>) src(%dma_wait3A_537 : memref<1000000x32xf32, #tpu.memory_space<hbm>>) dst(%dma_wait3A_527 : memref<200x32xf32, #tpu.memory_space<vmem>>)
      %dma_wait3A_538 = arith.constant 0 : i32
      %dma_wait3A_539 = arith.constant 3 : i32
      %dma_wait3A_540 = arith.constant 0 : i32
      %dma_wait3A_541 = arith.constant 3 : i32
      %dma_wait3A_542 = arith.constant 0 : i32
      %dma_wait3A_543 = arith.constant 0 : i32
      %dma_wait3A_544 = arith.constant 0 : i32
      %dma_wait3A_545 = tpu.memref_slice %arg6[%dma_wait3A_540, %dma_wait3A_542, %dma_wait3A_543, %dma_wait3A_544] : memref<4x4x200x32xf32, #tpu.memory_space<vmem>> -> memref<1x4x200x32xf32, #tpu.memory_space<vmem>>
      %dma_wait3A_546 = tpu.memref_squeeze %dma_wait3A_545 : memref<1x4x200x32xf32, #tpu.memory_space<vmem>> -> memref<4x200x32xf32, #tpu.memory_space<vmem>>
      %dma_wait3A_547 = arith.constant 0 : i32
      %dma_wait3A_548 = arith.constant 0 : i32
      %dma_wait3A_549 = tpu.memref_slice %dma_wait3A_546[%dma_wait3A_541, %dma_wait3A_547, %dma_wait3A_548] : memref<4x200x32xf32, #tpu.memory_space<vmem>> -> memref<1x200x32xf32, #tpu.memory_space<vmem>>
      %dma_wait3A_550 = tpu.memref_squeeze %dma_wait3A_549 : memref<1x200x32xf32, #tpu.memory_space<vmem>> -> memref<200x32xf32, #tpu.memory_space<vmem>>
      %dma_wait3A_551 = arith.constant 0 : i32
      %dma_wait3A_552 = arith.constant 0 : i32
      %dma_wait3A_553 = tpu.memref_slice %arg5[%dma_wait3A_538, %dma_wait3A_551, %dma_wait3A_552] : memref<4x4x200xi32, #tpu.memory_space<vmem>> -> memref<1x4x200xi32, #tpu.memory_space<vmem>>
      %dma_wait3A_554 = tpu.memref_squeeze %dma_wait3A_553 : memref<1x4x200xi32, #tpu.memory_space<vmem>> -> memref<4x200xi32, #tpu.memory_space<vmem>>
      %dma_wait3A_555 = arith.constant 0 : i32
      %dma_wait3A_556 = tpu.memref_slice %dma_wait3A_554[%dma_wait3A_539, %dma_wait3A_555] : memref<4x200xi32, #tpu.memory_space<vmem>> -> memref<1x200xi32, #tpu.memory_space<vmem>>
      %dma_wait3A_557 = tpu.memref_squeeze %dma_wait3A_556 : memref<1x200xi32, #tpu.memory_space<vmem>> -> memref<200xi32, #tpu.memory_space<vmem>>
      %dma_wait3A_558 = arith.constant 0 : i32
      %dma_wait3A_559 = arith.constant 0 : i32
      %dma_wait3A_560 = tpu.memref_slice %arg3[%dma_wait3A_558, %dma_wait3A_559] : memref<1000000x32xf32, #tpu.memory_space<hbm>> -> memref<1000000x32xf32, #tpu.memory_space<hbm>>
      tpu.wait_indirect_dma semaphore(%arg7 : memref<!tpu.dma_semaphore, #tpu.memory_space<semaphore_mem>>) src(%dma_wait3A_560 : memref<1000000x32xf32, #tpu.memory_space<hbm>>) dst(%dma_wait3A_550 : memref<200x32xf32, #tpu.memory_space<vmem>>)
      %dma_start3A_561 = arith.constant 0 : i32
      %dma_start3A_562 = arith.constant 0 : i32
      %dma_start3A_563 = arith.constant 0 : i32
      %dma_start3A_564 = arith.constant 0 : i32
      %dma_start3A_565 = tpu.memref_slice %arg6[%dma_start3A_561, %dma_start3A_562, %dma_start3A_563, %dma_start3A_564] : memref<4x4x200x32xf32, #tpu.memory_space<vmem>> -> memref<1x4x200x32xf32, #tpu.memory_space<vmem>>
      %dma_start3A_566 = tpu.memref_squeeze %dma_start3A_565 : memref<1x4x200x32xf32, #tpu.memory_space<vmem>> -> memref<4x200x32xf32, #tpu.memory_space<vmem>>
      %dma_start3A_567 = arith.constant 0 : i32
      %dma_start3A_568 = arith.constant 0 : i32
      %dma_start3A_569 = tpu.memref_slice %arg4[%add3A_468, %dma_start3A_567, %dma_start3A_568] : memref<4096x200x32xf32, #tpu.memory_space<hbm>> -> memref<4x200x32xf32, #tpu.memory_space<hbm>>
      %dma_start3A_570 = arith.constant 0 : i32
      %dma_start3A_571 = arith.constant 0 : i32
      %dma_start3A_572 = tpu.memref_slice %arg4[%add3A_468, %dma_start3A_570, %dma_start3A_571] : memref<4096x200x32xf32, #tpu.memory_space<hbm>> -> memref<4x200x32xf32, #tpu.memory_space<hbm>>
      %dma_start3A_573 = arith.constant 0 : i32
      %dma_start3A_574 = arith.constant 0 : i32
      %dma_start3A_575 = arith.constant 0 : i32
      %dma_start3A_576 = tpu.memref_slice %arg6[%dma_start3A_561, %dma_start3A_573, %dma_start3A_574, %dma_start3A_575] : memref<4x4x200x32xf32, #tpu.memory_space<vmem>> -> memref<1x4x200x32xf32, #tpu.memory_space<vmem>>
      %dma_start3A_577 = tpu.memref_squeeze %dma_start3A_576 : memref<1x4x200x32xf32, #tpu.memory_space<vmem>> -> memref<4x200x32xf32, #tpu.memory_space<vmem>>
      tpu.enqueue_dma source(%dma_start3A_577 : memref<4x200x32xf32, #tpu.memory_space<vmem>>) target(%dma_start3A_572 : memref<4x200x32xf32, #tpu.memory_space<hbm>>) target_semaphore(%arg11 : memref<!tpu.dma_semaphore, #tpu.memory_space<semaphore_mem>>)
      %lt3A = arith.constant 7 : i32
      %lt3A_578 = arith.cmpi slt, %scan3A_461, %lt3A : i32
      %convert_element_type3A = arith.extui %lt3A_578 : i1 to i32
      %cond3A = arith.constant 0 : i32
      %cond3A_579 = arith.cmpi ne, %convert_element_type3A, %cond3A : i32
      scf.if %cond3A_579 {
        %add3A_943 = arith.constant 4 : i32
        %add3A_944 = arith.addi %add3A_465, %add3A_943 : i32
        %mul3A_945 = arith.constant 4 : i32
        %mul3A_946 = arith.muli %add3A_944, %mul3A_945 : i32
        %add3A_947 = arith.addi %mul3A_2, %mul3A_946 : i32
        %dma_wait3A_948 = arith.constant 0 : i32
        %dma_wait3A_949 = arith.constant 0 : i32
        %dma_wait3A_950 = arith.constant 0 : i32
        %dma_wait3A_951 = arith.constant 0 : i32
        %dma_wait3A_952 = tpu.memref_slice %arg6[%dma_wait3A_948, %dma_wait3A_949, %dma_wait3A_950, %dma_wait3A_951] : memref<4x4x200x32xf32, #tpu.memory_space<vmem>> -> memref<1x4x200x32xf32, #tpu.memory_space<vmem>>
        %dma_wait3A_953 = tpu.memref_squeeze %dma_wait3A_952 : memref<1x4x200x32xf32, #tpu.memory_space<vmem>> -> memref<4x200x32xf32, #tpu.memory_space<vmem>>
        %dma_wait3A_954 = arith.constant 0 : i32
        %dma_wait3A_955 = arith.constant 0 : i32
        %dma_wait3A_956 = tpu.memref_slice %arg4[%add3A_468, %dma_wait3A_954, %dma_wait3A_955] : memref<4096x200x32xf32, #tpu.memory_space<hbm>> -> memref<4x200x32xf32, #tpu.memory_space<hbm>>
        %dma_wait3A_957 = arith.constant 0 : i32
        %dma_wait3A_958 = arith.constant 0 : i32
        %dma_wait3A_959 = tpu.memref_slice %arg4[%add3A_468, %dma_wait3A_957, %dma_wait3A_958] : memref<4096x200x32xf32, #tpu.memory_space<hbm>> -> memref<4x200x32xf32, #tpu.memory_space<hbm>>
        %dma_wait3A_960 = arith.constant 0 : i32
        %dma_wait3A_961 = arith.constant 0 : i32
        %dma_wait3A_962 = arith.constant 0 : i32
        %dma_wait3A_963 = tpu.memref_slice %arg6[%dma_wait3A_948, %dma_wait3A_960, %dma_wait3A_961, %dma_wait3A_962] : memref<4x4x200x32xf32, #tpu.memory_space<vmem>> -> memref<1x4x200x32xf32, #tpu.memory_space<vmem>>
        %dma_wait3A_964 = tpu.memref_squeeze %dma_wait3A_963 : memref<1x4x200x32xf32, #tpu.memory_space<vmem>> -> memref<4x200x32xf32, #tpu.memory_space<vmem>>
        tpu.wait_dma2 semaphore(%arg11 : memref<!tpu.dma_semaphore, #tpu.memory_space<semaphore_mem>>) src(%dma_wait3A_964 : memref<4x200x32xf32, #tpu.memory_space<vmem>>) dst(%dma_wait3A_959 : memref<4x200x32xf32, #tpu.memory_space<hbm>>)
        %run_scoped3A_965 = arith.constant 0 : i32
        "tpu.region"() ({
          %run_scoped3A_1058 = tpu.sem_alloc : memref<!tpu.dma_semaphore, #tpu.memory_space<semaphore_mem>>
          %dma_start3A_1059 = arith.constant 0 : i32
          %dma_start3A_1060 = arith.constant 0 : i32
          %dma_start3A_1061 = tpu.memref_slice %arg5[%run_scoped3A_965, %dma_start3A_1059, %dma_start3A_1060] : memref<4x4x200xi32, #tpu.memory_space<vmem>> -> memref<1x4x200xi32, #tpu.memory_space<vmem>>
          %dma_start3A_1062 = tpu.memref_squeeze %dma_start3A_1061 : memref<1x4x200xi32, #tpu.memory_space<vmem>> -> memref<4x200xi32, #tpu.memory_space<vmem>>
          %dma_start3A_1063 = arith.constant 0 : i32
          %dma_start3A_1064 = tpu.memref_slice %arg2[%add3A_947, %dma_start3A_1063] : memref<4096x200xi32, #tpu.memory_space<hbm>> -> memref<4x200xi32, #tpu.memory_space<hbm>>
          %dma_start3A_1065 = arith.constant 0 : i32
          %dma_start3A_1066 = arith.constant 0 : i32
          %dma_start3A_1067 = tpu.memref_slice %arg5[%run_scoped3A_965, %dma_start3A_1065, %dma_start3A_1066] : memref<4x4x200xi32, #tpu.memory_space<vmem>> -> memref<1x4x200xi32, #tpu.memory_space<vmem>>
          %dma_start3A_1068 = tpu.memref_squeeze %dma_start3A_1067 : memref<1x4x200xi32, #tpu.memory_space<vmem>> -> memref<4x200xi32, #tpu.memory_space<vmem>>
          %dma_start3A_1069 = arith.constant 0 : i32
          %dma_start3A_1070 = tpu.memref_slice %arg2[%add3A_947, %dma_start3A_1069] : memref<4096x200xi32, #tpu.memory_space<hbm>> -> memref<4x200xi32, #tpu.memory_space<hbm>>
          tpu.enqueue_dma source(%dma_start3A_1070 : memref<4x200xi32, #tpu.memory_space<hbm>>) target(%dma_start3A_1068 : memref<4x200xi32, #tpu.memory_space<vmem>>) target_semaphore(%run_scoped3A_1058 : memref<!tpu.dma_semaphore, #tpu.memory_space<semaphore_mem>>)
          %dma_wait3A_1071 = arith.constant 0 : i32
          %dma_wait3A_1072 = arith.constant 0 : i32
          %dma_wait3A_1073 = tpu.memref_slice %arg5[%run_scoped3A_965, %dma_wait3A_1071, %dma_wait3A_1072] : memref<4x4x200xi32, #tpu.memory_space<vmem>> -> memref<1x4x200xi32, #tpu.memory_space<vmem>>
          %dma_wait3A_1074 = tpu.memref_squeeze %dma_wait3A_1073 : memref<1x4x200xi32, #tpu.memory_space<vmem>> -> memref<4x200xi32, #tpu.memory_space<vmem>>
          %dma_wait3A_1075 = arith.constant 0 : i32
          %dma_wait3A_1076 = tpu.memref_slice %arg2[%add3A_947, %dma_wait3A_1075] : memref<4096x200xi32, #tpu.memory_space<hbm>> -> memref<4x200xi32, #tpu.memory_space<hbm>>
          %dma_wait3A_1077 = arith.constant 0 : i32
          %dma_wait3A_1078 = arith.constant 0 : i32
          %dma_wait3A_1079 = tpu.memref_slice %arg5[%run_scoped3A_965, %dma_wait3A_1077, %dma_wait3A_1078] : memref<4x4x200xi32, #tpu.memory_space<vmem>> -> memref<1x4x200xi32, #tpu.memory_space<vmem>>
          %dma_wait3A_1080 = tpu.memref_squeeze %dma_wait3A_1079 : memref<1x4x200xi32, #tpu.memory_space<vmem>> -> memref<4x200xi32, #tpu.memory_space<vmem>>
          %dma_wait3A_1081 = arith.constant 0 : i32
          %dma_wait3A_1082 = tpu.memref_slice %arg2[%add3A_947, %dma_wait3A_1081] : memref<4096x200xi32, #tpu.memory_space<hbm>> -> memref<4x200xi32, #tpu.memory_space<hbm>>
          tpu.wait_dma2 semaphore(%run_scoped3A_1058 : memref<!tpu.dma_semaphore, #tpu.memory_space<semaphore_mem>>) src(%dma_wait3A_1082 : memref<4x200xi32, #tpu.memory_space<hbm>>) dst(%dma_wait3A_1080 : memref<4x200xi32, #tpu.memory_space<vmem>>)
          tpu.yield
        }) : () -> ()
        %dma_start3A_966 = arith.constant 0 : i32
        %dma_start3A_967 = arith.constant 0 : i32
        %dma_start3A_968 = arith.constant 0 : i32
        %dma_start3A_969 = arith.constant 0 : i32
        %dma_start3A_970 = arith.constant 0 : i32
        %dma_start3A_971 = arith.constant 0 : i32
        %dma_start3A_972 = arith.constant 0 : i32
        %dma_start3A_973 = tpu.memref_slice %arg6[%dma_start3A_968, %dma_start3A_970, %dma_start3A_971, %dma_start3A_972] : memref<4x4x200x32xf32, #tpu.memory_space<vmem>> -> memref<1x4x200x32xf32, #tpu.memory_space<vmem>>
        %dma_start3A_974 = tpu.memref_squeeze %dma_start3A_973 : memref<1x4x200x32xf32, #tpu.memory_space<vmem>> -> memref<4x200x32xf32, #tpu.memory_space<vmem>>
        %dma_start3A_975 = arith.constant 0 : i32
        %dma_start3A_976 = arith.constant 0 : i32
        %dma_start3A_977 = tpu.memref_slice %dma_start3A_974[%dma_start3A_969, %dma_start3A_975, %dma_start3A_976] : memref<4x200x32xf32, #tpu.memory_space<vmem>> -> memref<1x200x32xf32, #tpu.memory_space<vmem>>
        %dma_start3A_978 = tpu.memref_squeeze %dma_start3A_977 : memref<1x200x32xf32, #tpu.memory_space<vmem>> -> memref<200x32xf32, #tpu.memory_space<vmem>>
        %dma_start3A_979 = arith.constant 0 : i32
        %dma_start3A_980 = arith.constant 0 : i32
        %dma_start3A_981 = tpu.memref_slice %arg5[%dma_start3A_966, %dma_start3A_979, %dma_start3A_980] : memref<4x4x200xi32, #tpu.memory_space<vmem>> -> memref<1x4x200xi32, #tpu.memory_space<vmem>>
        %dma_start3A_982 = tpu.memref_squeeze %dma_start3A_981 : memref<1x4x200xi32, #tpu.memory_space<vmem>> -> memref<4x200xi32, #tpu.memory_space<vmem>>
        %dma_start3A_983 = arith.constant 0 : i32
        %dma_start3A_984 = tpu.memref_slice %dma_start3A_982[%dma_start3A_967, %dma_start3A_983] : memref<4x200xi32, #tpu.memory_space<vmem>> -> memref<1x200xi32, #tpu.memory_space<vmem>>
        %dma_start3A_985 = tpu.memref_squeeze %dma_start3A_984 : memref<1x200xi32, #tpu.memory_space<vmem>> -> memref<200xi32, #tpu.memory_space<vmem>>
        %dma_start3A_986 = arith.constant 0 : i32
        %dma_start3A_987 = arith.constant 0 : i32
        %dma_start3A_988 = tpu.memref_slice %arg3[%dma_start3A_986, %dma_start3A_987] : memref<1000000x32xf32, #tpu.memory_space<hbm>> -> memref<1000000x32xf32, #tpu.memory_space<hbm>>
        tpu.enqueue_indirect_dma source(%dma_start3A_988 : memref<1000000x32xf32, #tpu.memory_space<hbm>>) target(%dma_start3A_978 : memref<200x32xf32, #tpu.memory_space<vmem>>) offsets(%dma_start3A_985 : memref<200xi32, #tpu.memory_space<vmem>>) semaphore(%arg7 : memref<!tpu.dma_semaphore, #tpu.memory_space<semaphore_mem>>)
        %dma_start3A_989 = arith.constant 0 : i32
        %dma_start3A_990 = arith.constant 1 : i32
        %dma_start3A_991 = arith.constant 0 : i32
        %dma_start3A_992 = arith.constant 1 : i32
        %dma_start3A_993 = arith.constant 0 : i32
        %dma_start3A_994 = arith.constant 0 : i32
        %dma_start3A_995 = arith.constant 0 : i32
        %dma_start3A_996 = tpu.memref_slice %arg6[%dma_start3A_991, %dma_start3A_993, %dma_start3A_994, %dma_start3A_995] : memref<4x4x200x32xf32, #tpu.memory_space<vmem>> -> memref<1x4x200x32xf32, #tpu.memory_space<vmem>>
        %dma_start3A_997 = tpu.memref_squeeze %dma_start3A_996 : memref<1x4x200x32xf32, #tpu.memory_space<vmem>> -> memref<4x200x32xf32, #tpu.memory_space<vmem>>
        %dma_start3A_998 = arith.constant 0 : i32
        %dma_start3A_999 = arith.constant 0 : i32
        %dma_start3A_1000 = tpu.memref_slice %dma_start3A_997[%dma_start3A_992, %dma_start3A_998, %dma_start3A_999] : memref<4x200x32xf32, #tpu.memory_space<vmem>> -> memref<1x200x32xf32, #tpu.memory_space<vmem>>
        %dma_start3A_1001 = tpu.memref_squeeze %dma_start3A_1000 : memref<1x200x32xf32, #tpu.memory_space<vmem>> -> memref<200x32xf32, #tpu.memory_space<vmem>>
        %dma_start3A_1002 = arith.constant 0 : i32
        %dma_start3A_1003 = arith.constant 0 : i32
        %dma_start3A_1004 = tpu.memref_slice %arg5[%dma_start3A_989, %dma_start3A_1002, %dma_start3A_1003] : memref<4x4x200xi32, #tpu.memory_space<vmem>> -> memref<1x4x200xi32, #tpu.memory_space<vmem>>
        %dma_start3A_1005 = tpu.memref_squeeze %dma_start3A_1004 : memref<1x4x200xi32, #tpu.memory_space<vmem>> -> memref<4x200xi32, #tpu.memory_space<vmem>>
        %dma_start3A_1006 = arith.constant 0 : i32
        %dma_start3A_1007 = tpu.memref_slice %dma_start3A_1005[%dma_start3A_990, %dma_start3A_1006] : memref<4x200xi32, #tpu.memory_space<vmem>> -> memref<1x200xi32, #tpu.memory_space<vmem>>
        %dma_start3A_1008 = tpu.memref_squeeze %dma_start3A_1007 : memref<1x200xi32, #tpu.memory_space<vmem>> -> memref<200xi32, #tpu.memory_space<vmem>>
        %dma_start3A_1009 = arith.constant 0 : i32
        %dma_start3A_1010 = arith.constant 0 : i32
        %dma_start3A_1011 = tpu.memref_slice %arg3[%dma_start3A_1009, %dma_start3A_1010] : memref<1000000x32xf32, #tpu.memory_space<hbm>> -> memref<1000000x32xf32, #tpu.memory_space<hbm>>
        tpu.enqueue_indirect_dma source(%dma_start3A_1011 : memref<1000000x32xf32, #tpu.memory_space<hbm>>) target(%dma_start3A_1001 : memref<200x32xf32, #tpu.memory_space<vmem>>) offsets(%dma_start3A_1008 : memref<200xi32, #tpu.memory_space<vmem>>) semaphore(%arg7 : memref<!tpu.dma_semaphore, #tpu.memory_space<semaphore_mem>>)
        %dma_start3A_1012 = arith.constant 0 : i32
        %dma_start3A_1013 = arith.constant 2 : i32
        %dma_start3A_1014 = arith.constant 0 : i32
        %dma_start3A_1015 = arith.constant 2 : i32
        %dma_start3A_1016 = arith.constant 0 : i32
        %dma_start3A_1017 = arith.constant 0 : i32
        %dma_start3A_1018 = arith.constant 0 : i32
        %dma_start3A_1019 = tpu.memref_slice %arg6[%dma_start3A_1014, %dma_start3A_1016, %dma_start3A_1017, %dma_start3A_1018] : memref<4x4x200x32xf32, #tpu.memory_space<vmem>> -> memref<1x4x200x32xf32, #tpu.memory_space<vmem>>
        %dma_start3A_1020 = tpu.memref_squeeze %dma_start3A_1019 : memref<1x4x200x32xf32, #tpu.memory_space<vmem>> -> memref<4x200x32xf32, #tpu.memory_space<vmem>>
        %dma_start3A_1021 = arith.constant 0 : i32
        %dma_start3A_1022 = arith.constant 0 : i32
        %dma_start3A_1023 = tpu.memref_slice %dma_start3A_1020[%dma_start3A_1015, %dma_start3A_1021, %dma_start3A_1022] : memref<4x200x32xf32, #tpu.memory_space<vmem>> -> memref<1x200x32xf32, #tpu.memory_space<vmem>>
        %dma_start3A_1024 = tpu.memref_squeeze %dma_start3A_1023 : memref<1x200x32xf32, #tpu.memory_space<vmem>> -> memref<200x32xf32, #tpu.memory_space<vmem>>
        %dma_start3A_1025 = arith.constant 0 : i32
        %dma_start3A_1026 = arith.constant 0 : i32
        %dma_start3A_1027 = tpu.memref_slice %arg5[%dma_start3A_1012, %dma_start3A_1025, %dma_start3A_1026] : memref<4x4x200xi32, #tpu.memory_space<vmem>> -> memref<1x4x200xi32, #tpu.memory_space<vmem>>
        %dma_start3A_1028 = tpu.memref_squeeze %dma_start3A_1027 : memref<1x4x200xi32, #tpu.memory_space<vmem>> -> memref<4x200xi32, #tpu.memory_space<vmem>>
        %dma_start3A_1029 = arith.constant 0 : i32
        %dma_start3A_1030 = tpu.memref_slice %dma_start3A_1028[%dma_start3A_1013, %dma_start3A_1029] : memref<4x200xi32, #tpu.memory_space<vmem>> -> memref<1x200xi32, #tpu.memory_space<vmem>>
        %dma_start3A_1031 = tpu.memref_squeeze %dma_start3A_1030 : memref<1x200xi32, #tpu.memory_space<vmem>> -> memref<200xi32, #tpu.memory_space<vmem>>
        %dma_start3A_1032 = arith.constant 0 : i32
        %dma_start3A_1033 = arith.constant 0 : i32
        %dma_start3A_1034 = tpu.memref_slice %arg3[%dma_start3A_1032, %dma_start3A_1033] : memref<1000000x32xf32, #tpu.memory_space<hbm>> -> memref<1000000x32xf32, #tpu.memory_space<hbm>>
        tpu.enqueue_indirect_dma source(%dma_start3A_1034 : memref<1000000x32xf32, #tpu.memory_space<hbm>>) target(%dma_start3A_1024 : memref<200x32xf32, #tpu.memory_space<vmem>>) offsets(%dma_start3A_1031 : memref<200xi32, #tpu.memory_space<vmem>>) semaphore(%arg7 : memref<!tpu.dma_semaphore, #tpu.memory_space<semaphore_mem>>)
        %dma_start3A_1035 = arith.constant 0 : i32
        %dma_start3A_1036 = arith.constant 3 : i32
        %dma_start3A_1037 = arith.constant 0 : i32
        %dma_start3A_1038 = arith.constant 3 : i32
        %dma_start3A_1039 = arith.constant 0 : i32
        %dma_start3A_1040 = arith.constant 0 : i32
        %dma_start3A_1041 = arith.constant 0 : i32
        %dma_start3A_1042 = tpu.memref_slice %arg6[%dma_start3A_1037, %dma_start3A_1039, %dma_start3A_1040, %dma_start3A_1041] : memref<4x4x200x32xf32, #tpu.memory_space<vmem>> -> memref<1x4x200x32xf32, #tpu.memory_space<vmem>>
        %dma_start3A_1043 = tpu.memref_squeeze %dma_start3A_1042 : memref<1x4x200x32xf32, #tpu.memory_space<vmem>> -> memref<4x200x32xf32, #tpu.memory_space<vmem>>
        %dma_start3A_1044 = arith.constant 0 : i32
        %dma_start3A_1045 = arith.constant 0 : i32
        %dma_start3A_1046 = tpu.memref_slice %dma_start3A_1043[%dma_start3A_1038, %dma_start3A_1044, %dma_start3A_1045] : memref<4x200x32xf32, #tpu.memory_space<vmem>> -> memref<1x200x32xf32, #tpu.memory_space<vmem>>
        %dma_start3A_1047 = tpu.memref_squeeze %dma_start3A_1046 : memref<1x200x32xf32, #tpu.memory_space<vmem>> -> memref<200x32xf32, #tpu.memory_space<vmem>>
        %dma_start3A_1048 = arith.constant 0 : i32
        %dma_start3A_1049 = arith.constant 0 : i32
        %dma_start3A_1050 = tpu.memref_slice %arg5[%dma_start3A_1035, %dma_start3A_1048, %dma_start3A_1049] : memref<4x4x200xi32, #tpu.memory_space<vmem>> -> memref<1x4x200xi32, #tpu.memory_space<vmem>>
        %dma_start3A_1051 = tpu.memref_squeeze %dma_start3A_1050 : memref<1x4x200xi32, #tpu.memory_space<vmem>> -> memref<4x200xi32, #tpu.memory_space<vmem>>
        %dma_start3A_1052 = arith.constant 0 : i32
        %dma_start3A_1053 = tpu.memref_slice %dma_start3A_1051[%dma_start3A_1036, %dma_start3A_1052] : memref<4x200xi32, #tpu.memory_space<vmem>> -> memref<1x200xi32, #tpu.memory_space<vmem>>
        %dma_start3A_1054 = tpu.memref_squeeze %dma_start3A_1053 : memref<1x200xi32, #tpu.memory_space<vmem>> -> memref<200xi32, #tpu.memory_space<vmem>>
        %dma_start3A_1055 = arith.constant 0 : i32
        %dma_start3A_1056 = arith.constant 0 : i32
        %dma_start3A_1057 = tpu.memref_slice %arg3[%dma_start3A_1055, %dma_start3A_1056] : memref<1000000x32xf32, #tpu.memory_space<hbm>> -> memref<1000000x32xf32, #tpu.memory_space<hbm>>
        tpu.enqueue_indirect_dma source(%dma_start3A_1057 : memref<1000000x32xf32, #tpu.memory_space<hbm>>) target(%dma_start3A_1047 : memref<200x32xf32, #tpu.memory_space<vmem>>) offsets(%dma_start3A_1054 : memref<200xi32, #tpu.memory_space<vmem>>) semaphore(%arg7 : memref<!tpu.dma_semaphore, #tpu.memory_space<semaphore_mem>>)
      } else {
      }
      %mul3A_580 = arith.constant 4 : i32
      %mul3A_581 = arith.muli %scan3A_461, %mul3A_580 : i32
      %add3A_582 = arith.constant 1 : i32
      %add3A_583 = arith.addi %mul3A_581, %add3A_582 : i32
      %mul3A_584 = arith.constant 4 : i32
      %mul3A_585 = arith.muli %add3A_583, %mul3A_584 : i32
      %add3A_586 = arith.addi %mul3A_2, %mul3A_585 : i32
      %dma_wait3A_587 = arith.constant 1 : i32
      %dma_wait3A_588 = arith.constant 0 : i32
      %dma_wait3A_589 = arith.constant 1 : i32
      %dma_wait3A_590 = arith.constant 0 : i32
      %dma_wait3A_591 = arith.constant 0 : i32
      %dma_wait3A_592 = arith.constant 0 : i32
      %dma_wait3A_593 = arith.constant 0 : i32
      %dma_wait3A_594 = tpu.memref_slice %arg6[%dma_wait3A_589, %dma_wait3A_591, %dma_wait3A_592, %dma_wait3A_593] : memref<4x4x200x32xf32, #tpu.memory_space<vmem>> -> memref<1x4x200x32xf32, #tpu.memory_space<vmem>>
      %dma_wait3A_595 = tpu.memref_squeeze %dma_wait3A_594 : memref<1x4x200x32xf32, #tpu.memory_space<vmem>> -> memref<4x200x32xf32, #tpu.memory_space<vmem>>
      %dma_wait3A_596 = arith.constant 0 : i32
      %dma_wait3A_597 = arith.constant 0 : i32
      %dma_wait3A_598 = tpu.memref_slice %dma_wait3A_595[%dma_wait3A_590, %dma_wait3A_596, %dma_wait3A_597] : memref<4x200x32xf32, #tpu.memory_space<vmem>> -> memref<1x200x32xf32, #tpu.memory_space<vmem>>
      %dma_wait3A_599 = tpu.memref_squeeze %dma_wait3A_598 : memref<1x200x32xf32, #tpu.memory_space<vmem>> -> memref<200x32xf32, #tpu.memory_space<vmem>>
      %dma_wait3A_600 = arith.constant 0 : i32
      %dma_wait3A_601 = arith.constant 0 : i32
      %dma_wait3A_602 = tpu.memref_slice %arg5[%dma_wait3A_587, %dma_wait3A_600, %dma_wait3A_601] : memref<4x4x200xi32, #tpu.memory_space<vmem>> -> memref<1x4x200xi32, #tpu.memory_space<vmem>>
      %dma_wait3A_603 = tpu.memref_squeeze %dma_wait3A_602 : memref<1x4x200xi32, #tpu.memory_space<vmem>> -> memref<4x200xi32, #tpu.memory_space<vmem>>
      %dma_wait3A_604 = arith.constant 0 : i32
      %dma_wait3A_605 = tpu.memref_slice %dma_wait3A_603[%dma_wait3A_588, %dma_wait3A_604] : memref<4x200xi32, #tpu.memory_space<vmem>> -> memref<1x200xi32, #tpu.memory_space<vmem>>
      %dma_wait3A_606 = tpu.memref_squeeze %dma_wait3A_605 : memref<1x200xi32, #tpu.memory_space<vmem>> -> memref<200xi32, #tpu.memory_space<vmem>>
      %dma_wait3A_607 = arith.constant 0 : i32
      %dma_wait3A_608 = arith.constant 0 : i32
      %dma_wait3A_609 = tpu.memref_slice %arg3[%dma_wait3A_607, %dma_wait3A_608] : memref<1000000x32xf32, #tpu.memory_space<hbm>> -> memref<1000000x32xf32, #tpu.memory_space<hbm>>
      tpu.wait_indirect_dma semaphore(%arg8 : memref<!tpu.dma_semaphore, #tpu.memory_space<semaphore_mem>>) src(%dma_wait3A_609 : memref<1000000x32xf32, #tpu.memory_space<hbm>>) dst(%dma_wait3A_599 : memref<200x32xf32, #tpu.memory_space<vmem>>)
      %dma_wait3A_610 = arith.constant 1 : i32
      %dma_wait3A_611 = arith.constant 1 : i32
      %dma_wait3A_612 = arith.constant 1 : i32
      %dma_wait3A_613 = arith.constant 1 : i32
      %dma_wait3A_614 = arith.constant 0 : i32
      %dma_wait3A_615 = arith.constant 0 : i32
      %dma_wait3A_616 = arith.constant 0 : i32
      %dma_wait3A_617 = tpu.memref_slice %arg6[%dma_wait3A_612, %dma_wait3A_614, %dma_wait3A_615, %dma_wait3A_616] : memref<4x4x200x32xf32, #tpu.memory_space<vmem>> -> memref<1x4x200x32xf32, #tpu.memory_space<vmem>>
      %dma_wait3A_618 = tpu.memref_squeeze %dma_wait3A_617 : memref<1x4x200x32xf32, #tpu.memory_space<vmem>> -> memref<4x200x32xf32, #tpu.memory_space<vmem>>
      %dma_wait3A_619 = arith.constant 0 : i32
      %dma_wait3A_620 = arith.constant 0 : i32
      %dma_wait3A_621 = tpu.memref_slice %dma_wait3A_618[%dma_wait3A_613, %dma_wait3A_619, %dma_wait3A_620] : memref<4x200x32xf32, #tpu.memory_space<vmem>> -> memref<1x200x32xf32, #tpu.memory_space<vmem>>
      %dma_wait3A_622 = tpu.memref_squeeze %dma_wait3A_621 : memref<1x200x32xf32, #tpu.memory_space<vmem>> -> memref<200x32xf32, #tpu.memory_space<vmem>>
      %dma_wait3A_623 = arith.constant 0 : i32
      %dma_wait3A_624 = arith.constant 0 : i32
      %dma_wait3A_625 = tpu.memref_slice %arg5[%dma_wait3A_610, %dma_wait3A_623, %dma_wait3A_624] : memref<4x4x200xi32, #tpu.memory_space<vmem>> -> memref<1x4x200xi32, #tpu.memory_space<vmem>>
      %dma_wait3A_626 = tpu.memref_squeeze %dma_wait3A_625 : memref<1x4x200xi32, #tpu.memory_space<vmem>> -> memref<4x200xi32, #tpu.memory_space<vmem>>
      %dma_wait3A_627 = arith.constant 0 : i32
      %dma_wait3A_628 = tpu.memref_slice %dma_wait3A_626[%dma_wait3A_611, %dma_wait3A_627] : memref<4x200xi32, #tpu.memory_space<vmem>> -> memref<1x200xi32, #tpu.memory_space<vmem>>
      %dma_wait3A_629 = tpu.memref_squeeze %dma_wait3A_628 : memref<1x200xi32, #tpu.memory_space<vmem>> -> memref<200xi32, #tpu.memory_space<vmem>>
      %dma_wait3A_630 = arith.constant 0 : i32
      %dma_wait3A_631 = arith.constant 0 : i32
      %dma_wait3A_632 = tpu.memref_slice %arg3[%dma_wait3A_630, %dma_wait3A_631] : memref<1000000x32xf32, #tpu.memory_space<hbm>> -> memref<1000000x32xf32, #tpu.memory_space<hbm>>
      tpu.wait_indirect_dma semaphore(%arg8 : memref<!tpu.dma_semaphore, #tpu.memory_space<semaphore_mem>>) src(%dma_wait3A_632 : memref<1000000x32xf32, #tpu.memory_space<hbm>>) dst(%dma_wait3A_622 : memref<200x32xf32, #tpu.memory_space<vmem>>)
      %dma_wait3A_633 = arith.constant 1 : i32
      %dma_wait3A_634 = arith.constant 2 : i32
      %dma_wait3A_635 = arith.constant 1 : i32
      %dma_wait3A_636 = arith.constant 2 : i32
      %dma_wait3A_637 = arith.constant 0 : i32
      %dma_wait3A_638 = arith.constant 0 : i32
      %dma_wait3A_639 = arith.constant 0 : i32
      %dma_wait3A_640 = tpu.memref_slice %arg6[%dma_wait3A_635, %dma_wait3A_637, %dma_wait3A_638, %dma_wait3A_639] : memref<4x4x200x32xf32, #tpu.memory_space<vmem>> -> memref<1x4x200x32xf32, #tpu.memory_space<vmem>>
      %dma_wait3A_641 = tpu.memref_squeeze %dma_wait3A_640 : memref<1x4x200x32xf32, #tpu.memory_space<vmem>> -> memref<4x200x32xf32, #tpu.memory_space<vmem>>
      %dma_wait3A_642 = arith.constant 0 : i32
      %dma_wait3A_643 = arith.constant 0 : i32
      %dma_wait3A_644 = tpu.memref_slice %dma_wait3A_641[%dma_wait3A_636, %dma_wait3A_642, %dma_wait3A_643] : memref<4x200x32xf32, #tpu.memory_space<vmem>> -> memref<1x200x32xf32, #tpu.memory_space<vmem>>
      %dma_wait3A_645 = tpu.memref_squeeze %dma_wait3A_644 : memref<1x200x32xf32, #tpu.memory_space<vmem>> -> memref<200x32xf32, #tpu.memory_space<vmem>>
      %dma_wait3A_646 = arith.constant 0 : i32
      %dma_wait3A_647 = arith.constant 0 : i32
      %dma_wait3A_648 = tpu.memref_slice %arg5[%dma_wait3A_633, %dma_wait3A_646, %dma_wait3A_647] : memref<4x4x200xi32, #tpu.memory_space<vmem>> -> memref<1x4x200xi32, #tpu.memory_space<vmem>>
      %dma_wait3A_649 = tpu.memref_squeeze %dma_wait3A_648 : memref<1x4x200xi32, #tpu.memory_space<vmem>> -> memref<4x200xi32, #tpu.memory_space<vmem>>
      %dma_wait3A_650 = arith.constant 0 : i32
      %dma_wait3A_651 = tpu.memref_slice %dma_wait3A_649[%dma_wait3A_634, %dma_wait3A_650] : memref<4x200xi32, #tpu.memory_space<vmem>> -> memref<1x200xi32, #tpu.memory_space<vmem>>
      %dma_wait3A_652 = tpu.memref_squeeze %dma_wait3A_651 : memref<1x200xi32, #tpu.memory_space<vmem>> -> memref<200xi32, #tpu.memory_space<vmem>>
      %dma_wait3A_653 = arith.constant 0 : i32
      %dma_wait3A_654 = arith.constant 0 : i32
      %dma_wait3A_655 = tpu.memref_slice %arg3[%dma_wait3A_653, %dma_wait3A_654] : memref<1000000x32xf32, #tpu.memory_space<hbm>> -> memref<1000000x32xf32, #tpu.memory_space<hbm>>
      tpu.wait_indirect_dma semaphore(%arg8 : memref<!tpu.dma_semaphore, #tpu.memory_space<semaphore_mem>>) src(%dma_wait3A_655 : memref<1000000x32xf32, #tpu.memory_space<hbm>>) dst(%dma_wait3A_645 : memref<200x32xf32, #tpu.memory_space<vmem>>)
      %dma_wait3A_656 = arith.constant 1 : i32
      %dma_wait3A_657 = arith.constant 3 : i32
      %dma_wait3A_658 = arith.constant 1 : i32
      %dma_wait3A_659 = arith.constant 3 : i32
      %dma_wait3A_660 = arith.constant 0 : i32
      %dma_wait3A_661 = arith.constant 0 : i32
      %dma_wait3A_662 = arith.constant 0 : i32
      %dma_wait3A_663 = tpu.memref_slice %arg6[%dma_wait3A_658, %dma_wait3A_660, %dma_wait3A_661, %dma_wait3A_662] : memref<4x4x200x32xf32, #tpu.memory_space<vmem>> -> memref<1x4x200x32xf32, #tpu.memory_space<vmem>>
      %dma_wait3A_664 = tpu.memref_squeeze %dma_wait3A_663 : memref<1x4x200x32xf32, #tpu.memory_space<vmem>> -> memref<4x200x32xf32, #tpu.memory_space<vmem>>
      %dma_wait3A_665 = arith.constant 0 : i32
      %dma_wait3A_666 = arith.constant 0 : i32
      %dma_wait3A_667 = tpu.memref_slice %dma_wait3A_664[%dma_wait3A_659, %dma_wait3A_665, %dma_wait3A_666] : memref<4x200x32xf32, #tpu.memory_space<vmem>> -> memref<1x200x32xf32, #tpu.memory_space<vmem>>
      %dma_wait3A_668 = tpu.memref_squeeze %dma_wait3A_667 : memref<1x200x32xf32, #tpu.memory_space<vmem>> -> memref<200x32xf32, #tpu.memory_space<vmem>>
      %dma_wait3A_669 = arith.constant 0 : i32
      %dma_wait3A_670 = arith.constant 0 : i32
      %dma_wait3A_671 = tpu.memref_slice %arg5[%dma_wait3A_656, %dma_wait3A_669, %dma_wait3A_670] : memref<4x4x200xi32, #tpu.memory_space<vmem>> -> memref<1x4x200xi32, #tpu.memory_space<vmem>>
      %dma_wait3A_672 = tpu.memref_squeeze %dma_wait3A_671 : memref<1x4x200xi32, #tpu.memory_space<vmem>> -> memref<4x200xi32, #tpu.memory_space<vmem>>
      %dma_wait3A_673 = arith.constant 0 : i32
      %dma_wait3A_674 = tpu.memref_slice %dma_wait3A_672[%dma_wait3A_657, %dma_wait3A_673] : memref<4x200xi32, #tpu.memory_space<vmem>> -> memref<1x200xi32, #tpu.memory_space<vmem>>
      %dma_wait3A_675 = tpu.memref_squeeze %dma_wait3A_674 : memref<1x200xi32, #tpu.memory_space<vmem>> -> memref<200xi32, #tpu.memory_space<vmem>>
      %dma_wait3A_676 = arith.constant 0 : i32
      %dma_wait3A_677 = arith.constant 0 : i32
      %dma_wait3A_678 = tpu.memref_slice %arg3[%dma_wait3A_676, %dma_wait3A_677] : memref<1000000x32xf32, #tpu.memory_space<hbm>> -> memref<1000000x32xf32, #tpu.memory_space<hbm>>
      tpu.wait_indirect_dma semaphore(%arg8 : memref<!tpu.dma_semaphore, #tpu.memory_space<semaphore_mem>>) src(%dma_wait3A_678 : memref<1000000x32xf32, #tpu.memory_space<hbm>>) dst(%dma_wait3A_668 : memref<200x32xf32, #tpu.memory_space<vmem>>)
      %dma_start3A_679 = arith.constant 1 : i32
      %dma_start3A_680 = arith.constant 0 : i32
      %dma_start3A_681 = arith.constant 0 : i32
      %dma_start3A_682 = arith.constant 0 : i32
      %dma_start3A_683 = tpu.memref_slice %arg6[%dma_start3A_679, %dma_start3A_680, %dma_start3A_681, %dma_start3A_682] : memref<4x4x200x32xf32, #tpu.memory_space<vmem>> -> memref<1x4x200x32xf32, #tpu.memory_space<vmem>>
      %dma_start3A_684 = tpu.memref_squeeze %dma_start3A_683 : memref<1x4x200x32xf32, #tpu.memory_space<vmem>> -> memref<4x200x32xf32, #tpu.memory_space<vmem>>
      %dma_start3A_685 = arith.constant 0 : i32
      %dma_start3A_686 = arith.constant 0 : i32
      %dma_start3A_687 = tpu.memref_slice %arg4[%add3A_586, %dma_start3A_685, %dma_start3A_686] : memref<4096x200x32xf32, #tpu.memory_space<hbm>> -> memref<4x200x32xf32, #tpu.memory_space<hbm>>
      %dma_start3A_688 = arith.constant 0 : i32
      %dma_start3A_689 = arith.constant 0 : i32
      %dma_start3A_690 = tpu.memref_slice %arg4[%add3A_586, %dma_start3A_688, %dma_start3A_689] : memref<4096x200x32xf32, #tpu.memory_space<hbm>> -> memref<4x200x32xf32, #tpu.memory_space<hbm>>
      %dma_start3A_691 = arith.constant 0 : i32
      %dma_start3A_692 = arith.constant 0 : i32
      %dma_start3A_693 = arith.constant 0 : i32
      %dma_start3A_694 = tpu.memref_slice %arg6[%dma_start3A_679, %dma_start3A_691, %dma_start3A_692, %dma_start3A_693] : memref<4x4x200x32xf32, #tpu.memory_space<vmem>> -> memref<1x4x200x32xf32, #tpu.memory_space<vmem>>
      %dma_start3A_695 = tpu.memref_squeeze %dma_start3A_694 : memref<1x4x200x32xf32, #tpu.memory_space<vmem>> -> memref<4x200x32xf32, #tpu.memory_space<vmem>>
      tpu.enqueue_dma source(%dma_start3A_695 : memref<4x200x32xf32, #tpu.memory_space<vmem>>) target(%dma_start3A_690 : memref<4x200x32xf32, #tpu.memory_space<hbm>>) target_semaphore(%arg12 : memref<!tpu.dma_semaphore, #tpu.memory_space<semaphore_mem>>)
      %lt3A_696 = arith.constant 7 : i32
      %lt3A_697 = arith.cmpi slt, %scan3A_461, %lt3A_696 : i32
      %convert_element_type3A_698 = arith.extui %lt3A_697 : i1 to i32
      %cond3A_699 = arith.constant 0 : i32
      %cond3A_700 = arith.cmpi ne, %convert_element_type3A_698, %cond3A_699 : i32
      scf.if %cond3A_700 {
        %add3A_943 = arith.constant 4 : i32
        %add3A_944 = arith.addi %add3A_583, %add3A_943 : i32
        %mul3A_945 = arith.constant 4 : i32
        %mul3A_946 = arith.muli %add3A_944, %mul3A_945 : i32
        %add3A_947 = arith.addi %mul3A_2, %mul3A_946 : i32
        %dma_wait3A_948 = arith.constant 1 : i32
        %dma_wait3A_949 = arith.constant 0 : i32
        %dma_wait3A_950 = arith.constant 0 : i32
        %dma_wait3A_951 = arith.constant 0 : i32
        %dma_wait3A_952 = tpu.memref_slice %arg6[%dma_wait3A_948, %dma_wait3A_949, %dma_wait3A_950, %dma_wait3A_951] : memref<4x4x200x32xf32, #tpu.memory_space<vmem>> -> memref<1x4x200x32xf32, #tpu.memory_space<vmem>>
        %dma_wait3A_953 = tpu.memref_squeeze %dma_wait3A_952 : memref<1x4x200x32xf32, #tpu.memory_space<vmem>> -> memref<4x200x32xf32, #tpu.memory_space<vmem>>
        %dma_wait3A_954 = arith.constant 0 : i32
        %dma_wait3A_955 = arith.constant 0 : i32
        %dma_wait3A_956 = tpu.memref_slice %arg4[%add3A_586, %dma_wait3A_954, %dma_wait3A_955] : memref<4096x200x32xf32, #tpu.memory_space<hbm>> -> memref<4x200x32xf32, #tpu.memory_space<hbm>>
        %dma_wait3A_957 = arith.constant 0 : i32
        %dma_wait3A_958 = arith.constant 0 : i32
        %dma_wait3A_959 = tpu.memref_slice %arg4[%add3A_586, %dma_wait3A_957, %dma_wait3A_958] : memref<4096x200x32xf32, #tpu.memory_space<hbm>> -> memref<4x200x32xf32, #tpu.memory_space<hbm>>
        %dma_wait3A_960 = arith.constant 0 : i32
        %dma_wait3A_961 = arith.constant 0 : i32
        %dma_wait3A_962 = arith.constant 0 : i32
        %dma_wait3A_963 = tpu.memref_slice %arg6[%dma_wait3A_948, %dma_wait3A_960, %dma_wait3A_961, %dma_wait3A_962] : memref<4x4x200x32xf32, #tpu.memory_space<vmem>> -> memref<1x4x200x32xf32, #tpu.memory_space<vmem>>
        %dma_wait3A_964 = tpu.memref_squeeze %dma_wait3A_963 : memref<1x4x200x32xf32, #tpu.memory_space<vmem>> -> memref<4x200x32xf32, #tpu.memory_space<vmem>>
        tpu.wait_dma2 semaphore(%arg12 : memref<!tpu.dma_semaphore, #tpu.memory_space<semaphore_mem>>) src(%dma_wait3A_964 : memref<4x200x32xf32, #tpu.memory_space<vmem>>) dst(%dma_wait3A_959 : memref<4x200x32xf32, #tpu.memory_space<hbm>>)
        %run_scoped3A_965 = arith.constant 1 : i32
        "tpu.region"() ({
          %run_scoped3A_1058 = tpu.sem_alloc : memref<!tpu.dma_semaphore, #tpu.memory_space<semaphore_mem>>
          %dma_start3A_1059 = arith.constant 0 : i32
          %dma_start3A_1060 = arith.constant 0 : i32
          %dma_start3A_1061 = tpu.memref_slice %arg5[%run_scoped3A_965, %dma_start3A_1059, %dma_start3A_1060] : memref<4x4x200xi32, #tpu.memory_space<vmem>> -> memref<1x4x200xi32, #tpu.memory_space<vmem>>
          %dma_start3A_1062 = tpu.memref_squeeze %dma_start3A_1061 : memref<1x4x200xi32, #tpu.memory_space<vmem>> -> memref<4x200xi32, #tpu.memory_space<vmem>>
          %dma_start3A_1063 = arith.constant 0 : i32
          %dma_start3A_1064 = tpu.memref_slice %arg2[%add3A_947, %dma_start3A_1063] : memref<4096x200xi32, #tpu.memory_space<hbm>> -> memref<4x200xi32, #tpu.memory_space<hbm>>
          %dma_start3A_1065 = arith.constant 0 : i32
          %dma_start3A_1066 = arith.constant 0 : i32
          %dma_start3A_1067 = tpu.memref_slice %arg5[%run_scoped3A_965, %dma_start3A_1065, %dma_start3A_1066] : memref<4x4x200xi32, #tpu.memory_space<vmem>> -> memref<1x4x200xi32, #tpu.memory_space<vmem>>
          %dma_start3A_1068 = tpu.memref_squeeze %dma_start3A_1067 : memref<1x4x200xi32, #tpu.memory_space<vmem>> -> memref<4x200xi32, #tpu.memory_space<vmem>>
          %dma_start3A_1069 = arith.constant 0 : i32
          %dma_start3A_1070 = tpu.memref_slice %arg2[%add3A_947, %dma_start3A_1069] : memref<4096x200xi32, #tpu.memory_space<hbm>> -> memref<4x200xi32, #tpu.memory_space<hbm>>
          tpu.enqueue_dma source(%dma_start3A_1070 : memref<4x200xi32, #tpu.memory_space<hbm>>) target(%dma_start3A_1068 : memref<4x200xi32, #tpu.memory_space<vmem>>) target_semaphore(%run_scoped3A_1058 : memref<!tpu.dma_semaphore, #tpu.memory_space<semaphore_mem>>)
          %dma_wait3A_1071 = arith.constant 0 : i32
          %dma_wait3A_1072 = arith.constant 0 : i32
          %dma_wait3A_1073 = tpu.memref_slice %arg5[%run_scoped3A_965, %dma_wait3A_1071, %dma_wait3A_1072] : memref<4x4x200xi32, #tpu.memory_space<vmem>> -> memref<1x4x200xi32, #tpu.memory_space<vmem>>
          %dma_wait3A_1074 = tpu.memref_squeeze %dma_wait3A_1073 : memref<1x4x200xi32, #tpu.memory_space<vmem>> -> memref<4x200xi32, #tpu.memory_space<vmem>>
          %dma_wait3A_1075 = arith.constant 0 : i32
          %dma_wait3A_1076 = tpu.memref_slice %arg2[%add3A_947, %dma_wait3A_1075] : memref<4096x200xi32, #tpu.memory_space<hbm>> -> memref<4x200xi32, #tpu.memory_space<hbm>>
          %dma_wait3A_1077 = arith.constant 0 : i32
          %dma_wait3A_1078 = arith.constant 0 : i32
          %dma_wait3A_1079 = tpu.memref_slice %arg5[%run_scoped3A_965, %dma_wait3A_1077, %dma_wait3A_1078] : memref<4x4x200xi32, #tpu.memory_space<vmem>> -> memref<1x4x200xi32, #tpu.memory_space<vmem>>
          %dma_wait3A_1080 = tpu.memref_squeeze %dma_wait3A_1079 : memref<1x4x200xi32, #tpu.memory_space<vmem>> -> memref<4x200xi32, #tpu.memory_space<vmem>>
          %dma_wait3A_1081 = arith.constant 0 : i32
          %dma_wait3A_1082 = tpu.memref_slice %arg2[%add3A_947, %dma_wait3A_1081] : memref<4096x200xi32, #tpu.memory_space<hbm>> -> memref<4x200xi32, #tpu.memory_space<hbm>>
          tpu.wait_dma2 semaphore(%run_scoped3A_1058 : memref<!tpu.dma_semaphore, #tpu.memory_space<semaphore_mem>>) src(%dma_wait3A_1082 : memref<4x200xi32, #tpu.memory_space<hbm>>) dst(%dma_wait3A_1080 : memref<4x200xi32, #tpu.memory_space<vmem>>)
          tpu.yield
        }) : () -> ()
        %dma_start3A_966 = arith.constant 1 : i32
        %dma_start3A_967 = arith.constant 0 : i32
        %dma_start3A_968 = arith.constant 1 : i32
        %dma_start3A_969 = arith.constant 0 : i32
        %dma_start3A_970 = arith.constant 0 : i32
        %dma_start3A_971 = arith.constant 0 : i32
        %dma_start3A_972 = arith.constant 0 : i32
        %dma_start3A_973 = tpu.memref_slice %arg6[%dma_start3A_968, %dma_start3A_970, %dma_start3A_971, %dma_start3A_972] : memref<4x4x200x32xf32, #tpu.memory_space<vmem>> -> memref<1x4x200x32xf32, #tpu.memory_space<vmem>>
        %dma_start3A_974 = tpu.memref_squeeze %dma_start3A_973 : memref<1x4x200x32xf32, #tpu.memory_space<vmem>> -> memref<4x200x32xf32, #tpu.memory_space<vmem>>
        %dma_start3A_975 = arith.constant 0 : i32
        %dma_start3A_976 = arith.constant 0 : i32
        %dma_start3A_977 = tpu.memref_slice %dma_start3A_974[%dma_start3A_969, %dma_start3A_975, %dma_start3A_976] : memref<4x200x32xf32, #tpu.memory_space<vmem>> -> memref<1x200x32xf32, #tpu.memory_space<vmem>>
        %dma_start3A_978 = tpu.memref_squeeze %dma_start3A_977 : memref<1x200x32xf32, #tpu.memory_space<vmem>> -> memref<200x32xf32, #tpu.memory_space<vmem>>
        %dma_start3A_979 = arith.constant 0 : i32
        %dma_start3A_980 = arith.constant 0 : i32
        %dma_start3A_981 = tpu.memref_slice %arg5[%dma_start3A_966, %dma_start3A_979, %dma_start3A_980] : memref<4x4x200xi32, #tpu.memory_space<vmem>> -> memref<1x4x200xi32, #tpu.memory_space<vmem>>
        %dma_start3A_982 = tpu.memref_squeeze %dma_start3A_981 : memref<1x4x200xi32, #tpu.memory_space<vmem>> -> memref<4x200xi32, #tpu.memory_space<vmem>>
        %dma_start3A_983 = arith.constant 0 : i32
        %dma_start3A_984 = tpu.memref_slice %dma_start3A_982[%dma_start3A_967, %dma_start3A_983] : memref<4x200xi32, #tpu.memory_space<vmem>> -> memref<1x200xi32, #tpu.memory_space<vmem>>
        %dma_start3A_985 = tpu.memref_squeeze %dma_start3A_984 : memref<1x200xi32, #tpu.memory_space<vmem>> -> memref<200xi32, #tpu.memory_space<vmem>>
        %dma_start3A_986 = arith.constant 0 : i32
        %dma_start3A_987 = arith.constant 0 : i32
        %dma_start3A_988 = tpu.memref_slice %arg3[%dma_start3A_986, %dma_start3A_987] : memref<1000000x32xf32, #tpu.memory_space<hbm>> -> memref<1000000x32xf32, #tpu.memory_space<hbm>>
        tpu.enqueue_indirect_dma source(%dma_start3A_988 : memref<1000000x32xf32, #tpu.memory_space<hbm>>) target(%dma_start3A_978 : memref<200x32xf32, #tpu.memory_space<vmem>>) offsets(%dma_start3A_985 : memref<200xi32, #tpu.memory_space<vmem>>) semaphore(%arg8 : memref<!tpu.dma_semaphore, #tpu.memory_space<semaphore_mem>>)
        %dma_start3A_989 = arith.constant 1 : i32
        %dma_start3A_990 = arith.constant 1 : i32
        %dma_start3A_991 = arith.constant 1 : i32
        %dma_start3A_992 = arith.constant 1 : i32
        %dma_start3A_993 = arith.constant 0 : i32
        %dma_start3A_994 = arith.constant 0 : i32
        %dma_start3A_995 = arith.constant 0 : i32
        %dma_start3A_996 = tpu.memref_slice %arg6[%dma_start3A_991, %dma_start3A_993, %dma_start3A_994, %dma_start3A_995] : memref<4x4x200x32xf32, #tpu.memory_space<vmem>> -> memref<1x4x200x32xf32, #tpu.memory_space<vmem>>
        %dma_start3A_997 = tpu.memref_squeeze %dma_start3A_996 : memref<1x4x200x32xf32, #tpu.memory_space<vmem>> -> memref<4x200x32xf32, #tpu.memory_space<vmem>>
        %dma_start3A_998 = arith.constant 0 : i32
        %dma_start3A_999 = arith.constant 0 : i32
        %dma_start3A_1000 = tpu.memref_slice %dma_start3A_997[%dma_start3A_992, %dma_start3A_998, %dma_start3A_999] : memref<4x200x32xf32, #tpu.memory_space<vmem>> -> memref<1x200x32xf32, #tpu.memory_space<vmem>>
        %dma_start3A_1001 = tpu.memref_squeeze %dma_start3A_1000 : memref<1x200x32xf32, #tpu.memory_space<vmem>> -> memref<200x32xf32, #tpu.memory_space<vmem>>
        %dma_start3A_1002 = arith.constant 0 : i32
        %dma_start3A_1003 = arith.constant 0 : i32
        %dma_start3A_1004 = tpu.memref_slice %arg5[%dma_start3A_989, %dma_start3A_1002, %dma_start3A_1003] : memref<4x4x200xi32, #tpu.memory_space<vmem>> -> memref<1x4x200xi32, #tpu.memory_space<vmem>>
        %dma_start3A_1005 = tpu.memref_squeeze %dma_start3A_1004 : memref<1x4x200xi32, #tpu.memory_space<vmem>> -> memref<4x200xi32, #tpu.memory_space<vmem>>
        %dma_start3A_1006 = arith.constant 0 : i32
        %dma_start3A_1007 = tpu.memref_slice %dma_start3A_1005[%dma_start3A_990, %dma_start3A_1006] : memref<4x200xi32, #tpu.memory_space<vmem>> -> memref<1x200xi32, #tpu.memory_space<vmem>>
        %dma_start3A_1008 = tpu.memref_squeeze %dma_start3A_1007 : memref<1x200xi32, #tpu.memory_space<vmem>> -> memref<200xi32, #tpu.memory_space<vmem>>
        %dma_start3A_1009 = arith.constant 0 : i32
        %dma_start3A_1010 = arith.constant 0 : i32
        %dma_start3A_1011 = tpu.memref_slice %arg3[%dma_start3A_1009, %dma_start3A_1010] : memref<1000000x32xf32, #tpu.memory_space<hbm>> -> memref<1000000x32xf32, #tpu.memory_space<hbm>>
        tpu.enqueue_indirect_dma source(%dma_start3A_1011 : memref<1000000x32xf32, #tpu.memory_space<hbm>>) target(%dma_start3A_1001 : memref<200x32xf32, #tpu.memory_space<vmem>>) offsets(%dma_start3A_1008 : memref<200xi32, #tpu.memory_space<vmem>>) semaphore(%arg8 : memref<!tpu.dma_semaphore, #tpu.memory_space<semaphore_mem>>)
        %dma_start3A_1012 = arith.constant 1 : i32
        %dma_start3A_1013 = arith.constant 2 : i32
        %dma_start3A_1014 = arith.constant 1 : i32
        %dma_start3A_1015 = arith.constant 2 : i32
        %dma_start3A_1016 = arith.constant 0 : i32
        %dma_start3A_1017 = arith.constant 0 : i32
        %dma_start3A_1018 = arith.constant 0 : i32
        %dma_start3A_1019 = tpu.memref_slice %arg6[%dma_start3A_1014, %dma_start3A_1016, %dma_start3A_1017, %dma_start3A_1018] : memref<4x4x200x32xf32, #tpu.memory_space<vmem>> -> memref<1x4x200x32xf32, #tpu.memory_space<vmem>>
        %dma_start3A_1020 = tpu.memref_squeeze %dma_start3A_1019 : memref<1x4x200x32xf32, #tpu.memory_space<vmem>> -> memref<4x200x32xf32, #tpu.memory_space<vmem>>
        %dma_start3A_1021 = arith.constant 0 : i32
        %dma_start3A_1022 = arith.constant 0 : i32
        %dma_start3A_1023 = tpu.memref_slice %dma_start3A_1020[%dma_start3A_1015, %dma_start3A_1021, %dma_start3A_1022] : memref<4x200x32xf32, #tpu.memory_space<vmem>> -> memref<1x200x32xf32, #tpu.memory_space<vmem>>
        %dma_start3A_1024 = tpu.memref_squeeze %dma_start3A_1023 : memref<1x200x32xf32, #tpu.memory_space<vmem>> -> memref<200x32xf32, #tpu.memory_space<vmem>>
        %dma_start3A_1025 = arith.constant 0 : i32
        %dma_start3A_1026 = arith.constant 0 : i32
        %dma_start3A_1027 = tpu.memref_slice %arg5[%dma_start3A_1012, %dma_start3A_1025, %dma_start3A_1026] : memref<4x4x200xi32, #tpu.memory_space<vmem>> -> memref<1x4x200xi32, #tpu.memory_space<vmem>>
        %dma_start3A_1028 = tpu.memref_squeeze %dma_start3A_1027 : memref<1x4x200xi32, #tpu.memory_space<vmem>> -> memref<4x200xi32, #tpu.memory_space<vmem>>
        %dma_start3A_1029 = arith.constant 0 : i32
        %dma_start3A_1030 = tpu.memref_slice %dma_start3A_1028[%dma_start3A_1013, %dma_start3A_1029] : memref<4x200xi32, #tpu.memory_space<vmem>> -> memref<1x200xi32, #tpu.memory_space<vmem>>
        %dma_start3A_1031 = tpu.memref_squeeze %dma_start3A_1030 : memref<1x200xi32, #tpu.memory_space<vmem>> -> memref<200xi32, #tpu.memory_space<vmem>>
        %dma_start3A_1032 = arith.constant 0 : i32
        %dma_start3A_1033 = arith.constant 0 : i32
        %dma_start3A_1034 = tpu.memref_slice %arg3[%dma_start3A_1032, %dma_start3A_1033] : memref<1000000x32xf32, #tpu.memory_space<hbm>> -> memref<1000000x32xf32, #tpu.memory_space<hbm>>
        tpu.enqueue_indirect_dma source(%dma_start3A_1034 : memref<1000000x32xf32, #tpu.memory_space<hbm>>) target(%dma_start3A_1024 : memref<200x32xf32, #tpu.memory_space<vmem>>) offsets(%dma_start3A_1031 : memref<200xi32, #tpu.memory_space<vmem>>) semaphore(%arg8 : memref<!tpu.dma_semaphore, #tpu.memory_space<semaphore_mem>>)
        %dma_start3A_1035 = arith.constant 1 : i32
        %dma_start3A_1036 = arith.constant 3 : i32
        %dma_start3A_1037 = arith.constant 1 : i32
        %dma_start3A_1038 = arith.constant 3 : i32
        %dma_start3A_1039 = arith.constant 0 : i32
        %dma_start3A_1040 = arith.constant 0 : i32
        %dma_start3A_1041 = arith.constant 0 : i32
        %dma_start3A_1042 = tpu.memref_slice %arg6[%dma_start3A_1037, %dma_start3A_1039, %dma_start3A_1040, %dma_start3A_1041] : memref<4x4x200x32xf32, #tpu.memory_space<vmem>> -> memref<1x4x200x32xf32, #tpu.memory_space<vmem>>
        %dma_start3A_1043 = tpu.memref_squeeze %dma_start3A_1042 : memref<1x4x200x32xf32, #tpu.memory_space<vmem>> -> memref<4x200x32xf32, #tpu.memory_space<vmem>>
        %dma_start3A_1044 = arith.constant 0 : i32
        %dma_start3A_1045 = arith.constant 0 : i32
        %dma_start3A_1046 = tpu.memref_slice %dma_start3A_1043[%dma_start3A_1038, %dma_start3A_1044, %dma_start3A_1045] : memref<4x200x32xf32, #tpu.memory_space<vmem>> -> memref<1x200x32xf32, #tpu.memory_space<vmem>>
        %dma_start3A_1047 = tpu.memref_squeeze %dma_start3A_1046 : memref<1x200x32xf32, #tpu.memory_space<vmem>> -> memref<200x32xf32, #tpu.memory_space<vmem>>
        %dma_start3A_1048 = arith.constant 0 : i32
        %dma_start3A_1049 = arith.constant 0 : i32
        %dma_start3A_1050 = tpu.memref_slice %arg5[%dma_start3A_1035, %dma_start3A_1048, %dma_start3A_1049] : memref<4x4x200xi32, #tpu.memory_space<vmem>> -> memref<1x4x200xi32, #tpu.memory_space<vmem>>
        %dma_start3A_1051 = tpu.memref_squeeze %dma_start3A_1050 : memref<1x4x200xi32, #tpu.memory_space<vmem>> -> memref<4x200xi32, #tpu.memory_space<vmem>>
        %dma_start3A_1052 = arith.constant 0 : i32
        %dma_start3A_1053 = tpu.memref_slice %dma_start3A_1051[%dma_start3A_1036, %dma_start3A_1052] : memref<4x200xi32, #tpu.memory_space<vmem>> -> memref<1x200xi32, #tpu.memory_space<vmem>>
        %dma_start3A_1054 = tpu.memref_squeeze %dma_start3A_1053 : memref<1x200xi32, #tpu.memory_space<vmem>> -> memref<200xi32, #tpu.memory_space<vmem>>
        %dma_start3A_1055 = arith.constant 0 : i32
        %dma_start3A_1056 = arith.constant 0 : i32
        %dma_start3A_1057 = tpu.memref_slice %arg3[%dma_start3A_1055, %dma_start3A_1056] : memref<1000000x32xf32, #tpu.memory_space<hbm>> -> memref<1000000x32xf32, #tpu.memory_space<hbm>>
        tpu.enqueue_indirect_dma source(%dma_start3A_1057 : memref<1000000x32xf32, #tpu.memory_space<hbm>>) target(%dma_start3A_1047 : memref<200x32xf32, #tpu.memory_space<vmem>>) offsets(%dma_start3A_1054 : memref<200xi32, #tpu.memory_space<vmem>>) semaphore(%arg8 : memref<!tpu.dma_semaphore, #tpu.memory_space<semaphore_mem>>)
      } else {
      }
      %mul3A_701 = arith.constant 4 : i32
      %mul3A_702 = arith.muli %scan3A_461, %mul3A_701 : i32
      %add3A_703 = arith.constant 2 : i32
      %add3A_704 = arith.addi %mul3A_702, %add3A_703 : i32
      %mul3A_705 = arith.constant 4 : i32
      %mul3A_706 = arith.muli %add3A_704, %mul3A_705 : i32
      %add3A_707 = arith.addi %mul3A_2, %mul3A_706 : i32
      %dma_wait3A_708 = arith.constant 2 : i32
      %dma_wait3A_709 = arith.constant 0 : i32
      %dma_wait3A_710 = arith.constant 2 : i32
      %dma_wait3A_711 = arith.constant 0 : i32
      %dma_wait3A_712 = arith.constant 0 : i32
      %dma_wait3A_713 = arith.constant 0 : i32
      %dma_wait3A_714 = arith.constant 0 : i32
      %dma_wait3A_715 = tpu.memref_slice %arg6[%dma_wait3A_710, %dma_wait3A_712, %dma_wait3A_713, %dma_wait3A_714] : memref<4x4x200x32xf32, #tpu.memory_space<vmem>> -> memref<1x4x200x32xf32, #tpu.memory_space<vmem>>
      %dma_wait3A_716 = tpu.memref_squeeze %dma_wait3A_715 : memref<1x4x200x32xf32, #tpu.memory_space<vmem>> -> memref<4x200x32xf32, #tpu.memory_space<vmem>>
      %dma_wait3A_717 = arith.constant 0 : i32
      %dma_wait3A_718 = arith.constant 0 : i32
      %dma_wait3A_719 = tpu.memref_slice %dma_wait3A_716[%dma_wait3A_711, %dma_wait3A_717, %dma_wait3A_718] : memref<4x200x32xf32, #tpu.memory_space<vmem>> -> memref<1x200x32xf32, #tpu.memory_space<vmem>>
      %dma_wait3A_720 = tpu.memref_squeeze %dma_wait3A_719 : memref<1x200x32xf32, #tpu.memory_space<vmem>> -> memref<200x32xf32, #tpu.memory_space<vmem>>
      %dma_wait3A_721 = arith.constant 0 : i32
      %dma_wait3A_722 = arith.constant 0 : i32
      %dma_wait3A_723 = tpu.memref_slice %arg5[%dma_wait3A_708, %dma_wait3A_721, %dma_wait3A_722] : memref<4x4x200xi32, #tpu.memory_space<vmem>> -> memref<1x4x200xi32, #tpu.memory_space<vmem>>
      %dma_wait3A_724 = tpu.memref_squeeze %dma_wait3A_723 : memref<1x4x200xi32, #tpu.memory_space<vmem>> -> memref<4x200xi32, #tpu.memory_space<vmem>>
      %dma_wait3A_725 = arith.constant 0 : i32
      %dma_wait3A_726 = tpu.memref_slice %dma_wait3A_724[%dma_wait3A_709, %dma_wait3A_725] : memref<4x200xi32, #tpu.memory_space<vmem>> -> memref<1x200xi32, #tpu.memory_space<vmem>>
      %dma_wait3A_727 = tpu.memref_squeeze %dma_wait3A_726 : memref<1x200xi32, #tpu.memory_space<vmem>> -> memref<200xi32, #tpu.memory_space<vmem>>
      %dma_wait3A_728 = arith.constant 0 : i32
      %dma_wait3A_729 = arith.constant 0 : i32
      %dma_wait3A_730 = tpu.memref_slice %arg3[%dma_wait3A_728, %dma_wait3A_729] : memref<1000000x32xf32, #tpu.memory_space<hbm>> -> memref<1000000x32xf32, #tpu.memory_space<hbm>>
      tpu.wait_indirect_dma semaphore(%arg9 : memref<!tpu.dma_semaphore, #tpu.memory_space<semaphore_mem>>) src(%dma_wait3A_730 : memref<1000000x32xf32, #tpu.memory_space<hbm>>) dst(%dma_wait3A_720 : memref<200x32xf32, #tpu.memory_space<vmem>>)
      %dma_wait3A_731 = arith.constant 2 : i32
      %dma_wait3A_732 = arith.constant 1 : i32
      %dma_wait3A_733 = arith.constant 2 : i32
      %dma_wait3A_734 = arith.constant 1 : i32
      %dma_wait3A_735 = arith.constant 0 : i32
      %dma_wait3A_736 = arith.constant 0 : i32
      %dma_wait3A_737 = arith.constant 0 : i32
      %dma_wait3A_738 = tpu.memref_slice %arg6[%dma_wait3A_733, %dma_wait3A_735, %dma_wait3A_736, %dma_wait3A_737] : memref<4x4x200x32xf32, #tpu.memory_space<vmem>> -> memref<1x4x200x32xf32, #tpu.memory_space<vmem>>
      %dma_wait3A_739 = tpu.memref_squeeze %dma_wait3A_738 : memref<1x4x200x32xf32, #tpu.memory_space<vmem>> -> memref<4x200x32xf32, #tpu.memory_space<vmem>>
      %dma_wait3A_740 = arith.constant 0 : i32
      %dma_wait3A_741 = arith.constant 0 : i32
      %dma_wait3A_742 = tpu.memref_slice %dma_wait3A_739[%dma_wait3A_734, %dma_wait3A_740, %dma_wait3A_741] : memref<4x200x32xf32, #tpu.memory_space<vmem>> -> memref<1x200x32xf32, #tpu.memory_space<vmem>>
      %dma_wait3A_743 = tpu.memref_squeeze %dma_wait3A_742 : memref<1x200x32xf32, #tpu.memory_space<vmem>> -> memref<200x32xf32, #tpu.memory_space<vmem>>
      %dma_wait3A_744 = arith.constant 0 : i32
      %dma_wait3A_745 = arith.constant 0 : i32
      %dma_wait3A_746 = tpu.memref_slice %arg5[%dma_wait3A_731, %dma_wait3A_744, %dma_wait3A_745] : memref<4x4x200xi32, #tpu.memory_space<vmem>> -> memref<1x4x200xi32, #tpu.memory_space<vmem>>
      %dma_wait3A_747 = tpu.memref_squeeze %dma_wait3A_746 : memref<1x4x200xi32, #tpu.memory_space<vmem>> -> memref<4x200xi32, #tpu.memory_space<vmem>>
      %dma_wait3A_748 = arith.constant 0 : i32
      %dma_wait3A_749 = tpu.memref_slice %dma_wait3A_747[%dma_wait3A_732, %dma_wait3A_748] : memref<4x200xi32, #tpu.memory_space<vmem>> -> memref<1x200xi32, #tpu.memory_space<vmem>>
      %dma_wait3A_750 = tpu.memref_squeeze %dma_wait3A_749 : memref<1x200xi32, #tpu.memory_space<vmem>> -> memref<200xi32, #tpu.memory_space<vmem>>
      %dma_wait3A_751 = arith.constant 0 : i32
      %dma_wait3A_752 = arith.constant 0 : i32
      %dma_wait3A_753 = tpu.memref_slice %arg3[%dma_wait3A_751, %dma_wait3A_752] : memref<1000000x32xf32, #tpu.memory_space<hbm>> -> memref<1000000x32xf32, #tpu.memory_space<hbm>>
      tpu.wait_indirect_dma semaphore(%arg9 : memref<!tpu.dma_semaphore, #tpu.memory_space<semaphore_mem>>) src(%dma_wait3A_753 : memref<1000000x32xf32, #tpu.memory_space<hbm>>) dst(%dma_wait3A_743 : memref<200x32xf32, #tpu.memory_space<vmem>>)
      %dma_wait3A_754 = arith.constant 2 : i32
      %dma_wait3A_755 = arith.constant 2 : i32
      %dma_wait3A_756 = arith.constant 2 : i32
      %dma_wait3A_757 = arith.constant 2 : i32
      %dma_wait3A_758 = arith.constant 0 : i32
      %dma_wait3A_759 = arith.constant 0 : i32
      %dma_wait3A_760 = arith.constant 0 : i32
      %dma_wait3A_761 = tpu.memref_slice %arg6[%dma_wait3A_756, %dma_wait3A_758, %dma_wait3A_759, %dma_wait3A_760] : memref<4x4x200x32xf32, #tpu.memory_space<vmem>> -> memref<1x4x200x32xf32, #tpu.memory_space<vmem>>
      %dma_wait3A_762 = tpu.memref_squeeze %dma_wait3A_761 : memref<1x4x200x32xf32, #tpu.memory_space<vmem>> -> memref<4x200x32xf32, #tpu.memory_space<vmem>>
      %dma_wait3A_763 = arith.constant 0 : i32
      %dma_wait3A_764 = arith.constant 0 : i32
      %dma_wait3A_765 = tpu.memref_slice %dma_wait3A_762[%dma_wait3A_757, %dma_wait3A_763, %dma_wait3A_764] : memref<4x200x32xf32, #tpu.memory_space<vmem>> -> memref<1x200x32xf32, #tpu.memory_space<vmem>>
      %dma_wait3A_766 = tpu.memref_squeeze %dma_wait3A_765 : memref<1x200x32xf32, #tpu.memory_space<vmem>> -> memref<200x32xf32, #tpu.memory_space<vmem>>
      %dma_wait3A_767 = arith.constant 0 : i32
      %dma_wait3A_768 = arith.constant 0 : i32
      %dma_wait3A_769 = tpu.memref_slice %arg5[%dma_wait3A_754, %dma_wait3A_767, %dma_wait3A_768] : memref<4x4x200xi32, #tpu.memory_space<vmem>> -> memref<1x4x200xi32, #tpu.memory_space<vmem>>
      %dma_wait3A_770 = tpu.memref_squeeze %dma_wait3A_769 : memref<1x4x200xi32, #tpu.memory_space<vmem>> -> memref<4x200xi32, #tpu.memory_space<vmem>>
      %dma_wait3A_771 = arith.constant 0 : i32
      %dma_wait3A_772 = tpu.memref_slice %dma_wait3A_770[%dma_wait3A_755, %dma_wait3A_771] : memref<4x200xi32, #tpu.memory_space<vmem>> -> memref<1x200xi32, #tpu.memory_space<vmem>>
      %dma_wait3A_773 = tpu.memref_squeeze %dma_wait3A_772 : memref<1x200xi32, #tpu.memory_space<vmem>> -> memref<200xi32, #tpu.memory_space<vmem>>
      %dma_wait3A_774 = arith.constant 0 : i32
      %dma_wait3A_775 = arith.constant 0 : i32
      %dma_wait3A_776 = tpu.memref_slice %arg3[%dma_wait3A_774, %dma_wait3A_775] : memref<1000000x32xf32, #tpu.memory_space<hbm>> -> memref<1000000x32xf32, #tpu.memory_space<hbm>>
      tpu.wait_indirect_dma semaphore(%arg9 : memref<!tpu.dma_semaphore, #tpu.memory_space<semaphore_mem>>) src(%dma_wait3A_776 : memref<1000000x32xf32, #tpu.memory_space<hbm>>) dst(%dma_wait3A_766 : memref<200x32xf32, #tpu.memory_space<vmem>>)
      %dma_wait3A_777 = arith.constant 2 : i32
      %dma_wait3A_778 = arith.constant 3 : i32
      %dma_wait3A_779 = arith.constant 2 : i32
      %dma_wait3A_780 = arith.constant 3 : i32
      %dma_wait3A_781 = arith.constant 0 : i32
      %dma_wait3A_782 = arith.constant 0 : i32
      %dma_wait3A_783 = arith.constant 0 : i32
      %dma_wait3A_784 = tpu.memref_slice %arg6[%dma_wait3A_779, %dma_wait3A_781, %dma_wait3A_782, %dma_wait3A_783] : memref<4x4x200x32xf32, #tpu.memory_space<vmem>> -> memref<1x4x200x32xf32, #tpu.memory_space<vmem>>
      %dma_wait3A_785 = tpu.memref_squeeze %dma_wait3A_784 : memref<1x4x200x32xf32, #tpu.memory_space<vmem>> -> memref<4x200x32xf32, #tpu.memory_space<vmem>>
      %dma_wait3A_786 = arith.constant 0 : i32
      %dma_wait3A_787 = arith.constant 0 : i32
      %dma_wait3A_788 = tpu.memref_slice %dma_wait3A_785[%dma_wait3A_780, %dma_wait3A_786, %dma_wait3A_787] : memref<4x200x32xf32, #tpu.memory_space<vmem>> -> memref<1x200x32xf32, #tpu.memory_space<vmem>>
      %dma_wait3A_789 = tpu.memref_squeeze %dma_wait3A_788 : memref<1x200x32xf32, #tpu.memory_space<vmem>> -> memref<200x32xf32, #tpu.memory_space<vmem>>
      %dma_wait3A_790 = arith.constant 0 : i32
      %dma_wait3A_791 = arith.constant 0 : i32
      %dma_wait3A_792 = tpu.memref_slice %arg5[%dma_wait3A_777, %dma_wait3A_790, %dma_wait3A_791] : memref<4x4x200xi32, #tpu.memory_space<vmem>> -> memref<1x4x200xi32, #tpu.memory_space<vmem>>
      %dma_wait3A_793 = tpu.memref_squeeze %dma_wait3A_792 : memref<1x4x200xi32, #tpu.memory_space<vmem>> -> memref<4x200xi32, #tpu.memory_space<vmem>>
      %dma_wait3A_794 = arith.constant 0 : i32
      %dma_wait3A_795 = tpu.memref_slice %dma_wait3A_793[%dma_wait3A_778, %dma_wait3A_794] : memref<4x200xi32, #tpu.memory_space<vmem>> -> memref<1x200xi32, #tpu.memory_space<vmem>>
      %dma_wait3A_796 = tpu.memref_squeeze %dma_wait3A_795 : memref<1x200xi32, #tpu.memory_space<vmem>> -> memref<200xi32, #tpu.memory_space<vmem>>
      %dma_wait3A_797 = arith.constant 0 : i32
      %dma_wait3A_798 = arith.constant 0 : i32
      %dma_wait3A_799 = tpu.memref_slice %arg3[%dma_wait3A_797, %dma_wait3A_798] : memref<1000000x32xf32, #tpu.memory_space<hbm>> -> memref<1000000x32xf32, #tpu.memory_space<hbm>>
      tpu.wait_indirect_dma semaphore(%arg9 : memref<!tpu.dma_semaphore, #tpu.memory_space<semaphore_mem>>) src(%dma_wait3A_799 : memref<1000000x32xf32, #tpu.memory_space<hbm>>) dst(%dma_wait3A_789 : memref<200x32xf32, #tpu.memory_space<vmem>>)
      %dma_start3A_800 = arith.constant 2 : i32
      %dma_start3A_801 = arith.constant 0 : i32
      %dma_start3A_802 = arith.constant 0 : i32
      %dma_start3A_803 = arith.constant 0 : i32
      %dma_start3A_804 = tpu.memref_slice %arg6[%dma_start3A_800, %dma_start3A_801, %dma_start3A_802, %dma_start3A_803] : memref<4x4x200x32xf32, #tpu.memory_space<vmem>> -> memref<1x4x200x32xf32, #tpu.memory_space<vmem>>
      %dma_start3A_805 = tpu.memref_squeeze %dma_start3A_804 : memref<1x4x200x32xf32, #tpu.memory_space<vmem>> -> memref<4x200x32xf32, #tpu.memory_space<vmem>>
      %dma_start3A_806 = arith.constant 0 : i32
      %dma_start3A_807 = arith.constant 0 : i32
      %dma_start3A_808 = tpu.memref_slice %arg4[%add3A_707, %dma_start3A_806, %dma_start3A_807] : memref<4096x200x32xf32, #tpu.memory_space<hbm>> -> memref<4x200x32xf32, #tpu.memory_space<hbm>>
      %dma_start3A_809 = arith.constant 0 : i32
      %dma_start3A_810 = arith.constant 0 : i32
      %dma_start3A_811 = tpu.memref_slice %arg4[%add3A_707, %dma_start3A_809, %dma_start3A_810] : memref<4096x200x32xf32, #tpu.memory_space<hbm>> -> memref<4x200x32xf32, #tpu.memory_space<hbm>>
      %dma_start3A_812 = arith.constant 0 : i32
      %dma_start3A_813 = arith.constant 0 : i32
      %dma_start3A_814 = arith.constant 0 : i32
      %dma_start3A_815 = tpu.memref_slice %arg6[%dma_start3A_800, %dma_start3A_812, %dma_start3A_813, %dma_start3A_814] : memref<4x4x200x32xf32, #tpu.memory_space<vmem>> -> memref<1x4x200x32xf32, #tpu.memory_space<vmem>>
      %dma_start3A_816 = tpu.memref_squeeze %dma_start3A_815 : memref<1x4x200x32xf32, #tpu.memory_space<vmem>> -> memref<4x200x32xf32, #tpu.memory_space<vmem>>
      tpu.enqueue_dma source(%dma_start3A_816 : memref<4x200x32xf32, #tpu.memory_space<vmem>>) target(%dma_start3A_811 : memref<4x200x32xf32, #tpu.memory_space<hbm>>) target_semaphore(%arg13 : memref<!tpu.dma_semaphore, #tpu.memory_space<semaphore_mem>>)
      %lt3A_817 = arith.constant 7 : i32
      %lt3A_818 = arith.cmpi slt, %scan3A_461, %lt3A_817 : i32
      %convert_element_type3A_819 = arith.extui %lt3A_818 : i1 to i32
      %cond3A_820 = arith.constant 0 : i32
      %cond3A_821 = arith.cmpi ne, %convert_element_type3A_819, %cond3A_820 : i32
      scf.if %cond3A_821 {
        %add3A_943 = arith.constant 4 : i32
        %add3A_944 = arith.addi %add3A_704, %add3A_943 : i32
        %mul3A_945 = arith.constant 4 : i32
        %mul3A_946 = arith.muli %add3A_944, %mul3A_945 : i32
        %add3A_947 = arith.addi %mul3A_2, %mul3A_946 : i32
        %dma_wait3A_948 = arith.constant 2 : i32
        %dma_wait3A_949 = arith.constant 0 : i32
        %dma_wait3A_950 = arith.constant 0 : i32
        %dma_wait3A_951 = arith.constant 0 : i32
        %dma_wait3A_952 = tpu.memref_slice %arg6[%dma_wait3A_948, %dma_wait3A_949, %dma_wait3A_950, %dma_wait3A_951] : memref<4x4x200x32xf32, #tpu.memory_space<vmem>> -> memref<1x4x200x32xf32, #tpu.memory_space<vmem>>
        %dma_wait3A_953 = tpu.memref_squeeze %dma_wait3A_952 : memref<1x4x200x32xf32, #tpu.memory_space<vmem>> -> memref<4x200x32xf32, #tpu.memory_space<vmem>>
        %dma_wait3A_954 = arith.constant 0 : i32
        %dma_wait3A_955 = arith.constant 0 : i32
        %dma_wait3A_956 = tpu.memref_slice %arg4[%add3A_707, %dma_wait3A_954, %dma_wait3A_955] : memref<4096x200x32xf32, #tpu.memory_space<hbm>> -> memref<4x200x32xf32, #tpu.memory_space<hbm>>
        %dma_wait3A_957 = arith.constant 0 : i32
        %dma_wait3A_958 = arith.constant 0 : i32
        %dma_wait3A_959 = tpu.memref_slice %arg4[%add3A_707, %dma_wait3A_957, %dma_wait3A_958] : memref<4096x200x32xf32, #tpu.memory_space<hbm>> -> memref<4x200x32xf32, #tpu.memory_space<hbm>>
        %dma_wait3A_960 = arith.constant 0 : i32
        %dma_wait3A_961 = arith.constant 0 : i32
        %dma_wait3A_962 = arith.constant 0 : i32
        %dma_wait3A_963 = tpu.memref_slice %arg6[%dma_wait3A_948, %dma_wait3A_960, %dma_wait3A_961, %dma_wait3A_962] : memref<4x4x200x32xf32, #tpu.memory_space<vmem>> -> memref<1x4x200x32xf32, #tpu.memory_space<vmem>>
        %dma_wait3A_964 = tpu.memref_squeeze %dma_wait3A_963 : memref<1x4x200x32xf32, #tpu.memory_space<vmem>> -> memref<4x200x32xf32, #tpu.memory_space<vmem>>
        tpu.wait_dma2 semaphore(%arg13 : memref<!tpu.dma_semaphore, #tpu.memory_space<semaphore_mem>>) src(%dma_wait3A_964 : memref<4x200x32xf32, #tpu.memory_space<vmem>>) dst(%dma_wait3A_959 : memref<4x200x32xf32, #tpu.memory_space<hbm>>)
        %run_scoped3A_965 = arith.constant 2 : i32
        "tpu.region"() ({
          %run_scoped3A_1058 = tpu.sem_alloc : memref<!tpu.dma_semaphore, #tpu.memory_space<semaphore_mem>>
          %dma_start3A_1059 = arith.constant 0 : i32
          %dma_start3A_1060 = arith.constant 0 : i32
          %dma_start3A_1061 = tpu.memref_slice %arg5[%run_scoped3A_965, %dma_start3A_1059, %dma_start3A_1060] : memref<4x4x200xi32, #tpu.memory_space<vmem>> -> memref<1x4x200xi32, #tpu.memory_space<vmem>>
          %dma_start3A_1062 = tpu.memref_squeeze %dma_start3A_1061 : memref<1x4x200xi32, #tpu.memory_space<vmem>> -> memref<4x200xi32, #tpu.memory_space<vmem>>
          %dma_start3A_1063 = arith.constant 0 : i32
          %dma_start3A_1064 = tpu.memref_slice %arg2[%add3A_947, %dma_start3A_1063] : memref<4096x200xi32, #tpu.memory_space<hbm>> -> memref<4x200xi32, #tpu.memory_space<hbm>>
          %dma_start3A_1065 = arith.constant 0 : i32
          %dma_start3A_1066 = arith.constant 0 : i32
          %dma_start3A_1067 = tpu.memref_slice %arg5[%run_scoped3A_965, %dma_start3A_1065, %dma_start3A_1066] : memref<4x4x200xi32, #tpu.memory_space<vmem>> -> memref<1x4x200xi32, #tpu.memory_space<vmem>>
          %dma_start3A_1068 = tpu.memref_squeeze %dma_start3A_1067 : memref<1x4x200xi32, #tpu.memory_space<vmem>> -> memref<4x200xi32, #tpu.memory_space<vmem>>
          %dma_start3A_1069 = arith.constant 0 : i32
          %dma_start3A_1070 = tpu.memref_slice %arg2[%add3A_947, %dma_start3A_1069] : memref<4096x200xi32, #tpu.memory_space<hbm>> -> memref<4x200xi32, #tpu.memory_space<hbm>>
          tpu.enqueue_dma source(%dma_start3A_1070 : memref<4x200xi32, #tpu.memory_space<hbm>>) target(%dma_start3A_1068 : memref<4x200xi32, #tpu.memory_space<vmem>>) target_semaphore(%run_scoped3A_1058 : memref<!tpu.dma_semaphore, #tpu.memory_space<semaphore_mem>>)
          %dma_wait3A_1071 = arith.constant 0 : i32
          %dma_wait3A_1072 = arith.constant 0 : i32
          %dma_wait3A_1073 = tpu.memref_slice %arg5[%run_scoped3A_965, %dma_wait3A_1071, %dma_wait3A_1072] : memref<4x4x200xi32, #tpu.memory_space<vmem>> -> memref<1x4x200xi32, #tpu.memory_space<vmem>>
          %dma_wait3A_1074 = tpu.memref_squeeze %dma_wait3A_1073 : memref<1x4x200xi32, #tpu.memory_space<vmem>> -> memref<4x200xi32, #tpu.memory_space<vmem>>
          %dma_wait3A_1075 = arith.constant 0 : i32
          %dma_wait3A_1076 = tpu.memref_slice %arg2[%add3A_947, %dma_wait3A_1075] : memref<4096x200xi32, #tpu.memory_space<hbm>> -> memref<4x200xi32, #tpu.memory_space<hbm>>
          %dma_wait3A_1077 = arith.constant 0 : i32
          %dma_wait3A_1078 = arith.constant 0 : i32
          %dma_wait3A_1079 = tpu.memref_slice %arg5[%run_scoped3A_965, %dma_wait3A_1077, %dma_wait3A_1078] : memref<4x4x200xi32, #tpu.memory_space<vmem>> -> memref<1x4x200xi32, #tpu.memory_space<vmem>>
          %dma_wait3A_1080 = tpu.memref_squeeze %dma_wait3A_1079 : memref<1x4x200xi32, #tpu.memory_space<vmem>> -> memref<4x200xi32, #tpu.memory_space<vmem>>
          %dma_wait3A_1081 = arith.constant 0 : i32
          %dma_wait3A_1082 = tpu.memref_slice %arg2[%add3A_947, %dma_wait3A_1081] : memref<4096x200xi32, #tpu.memory_space<hbm>> -> memref<4x200xi32, #tpu.memory_space<hbm>>
          tpu.wait_dma2 semaphore(%run_scoped3A_1058 : memref<!tpu.dma_semaphore, #tpu.memory_space<semaphore_mem>>) src(%dma_wait3A_1082 : memref<4x200xi32, #tpu.memory_space<hbm>>) dst(%dma_wait3A_1080 : memref<4x200xi32, #tpu.memory_space<vmem>>)
          tpu.yield
        }) : () -> ()
        %dma_start3A_966 = arith.constant 2 : i32
        %dma_start3A_967 = arith.constant 0 : i32
        %dma_start3A_968 = arith.constant 2 : i32
        %dma_start3A_969 = arith.constant 0 : i32
        %dma_start3A_970 = arith.constant 0 : i32
        %dma_start3A_971 = arith.constant 0 : i32
        %dma_start3A_972 = arith.constant 0 : i32
        %dma_start3A_973 = tpu.memref_slice %arg6[%dma_start3A_968, %dma_start3A_970, %dma_start3A_971, %dma_start3A_972] : memref<4x4x200x32xf32, #tpu.memory_space<vmem>> -> memref<1x4x200x32xf32, #tpu.memory_space<vmem>>
        %dma_start3A_974 = tpu.memref_squeeze %dma_start3A_973 : memref<1x4x200x32xf32, #tpu.memory_space<vmem>> -> memref<4x200x32xf32, #tpu.memory_space<vmem>>
        %dma_start3A_975 = arith.constant 0 : i32
        %dma_start3A_976 = arith.constant 0 : i32
        %dma_start3A_977 = tpu.memref_slice %dma_start3A_974[%dma_start3A_969, %dma_start3A_975, %dma_start3A_976] : memref<4x200x32xf32, #tpu.memory_space<vmem>> -> memref<1x200x32xf32, #tpu.memory_space<vmem>>
        %dma_start3A_978 = tpu.memref_squeeze %dma_start3A_977 : memref<1x200x32xf32, #tpu.memory_space<vmem>> -> memref<200x32xf32, #tpu.memory_space<vmem>>
        %dma_start3A_979 = arith.constant 0 : i32
        %dma_start3A_980 = arith.constant 0 : i32
        %dma_start3A_981 = tpu.memref_slice %arg5[%dma_start3A_966, %dma_start3A_979, %dma_start3A_980] : memref<4x4x200xi32, #tpu.memory_space<vmem>> -> memref<1x4x200xi32, #tpu.memory_space<vmem>>
        %dma_start3A_982 = tpu.memref_squeeze %dma_start3A_981 : memref<1x4x200xi32, #tpu.memory_space<vmem>> -> memref<4x200xi32, #tpu.memory_space<vmem>>
        %dma_start3A_983 = arith.constant 0 : i32
        %dma_start3A_984 = tpu.memref_slice %dma_start3A_982[%dma_start3A_967, %dma_start3A_983] : memref<4x200xi32, #tpu.memory_space<vmem>> -> memref<1x200xi32, #tpu.memory_space<vmem>>
        %dma_start3A_985 = tpu.memref_squeeze %dma_start3A_984 : memref<1x200xi32, #tpu.memory_space<vmem>> -> memref<200xi32, #tpu.memory_space<vmem>>
        %dma_start3A_986 = arith.constant 0 : i32
        %dma_start3A_987 = arith.constant 0 : i32
        %dma_start3A_988 = tpu.memref_slice %arg3[%dma_start3A_986, %dma_start3A_987] : memref<1000000x32xf32, #tpu.memory_space<hbm>> -> memref<1000000x32xf32, #tpu.memory_space<hbm>>
        tpu.enqueue_indirect_dma source(%dma_start3A_988 : memref<1000000x32xf32, #tpu.memory_space<hbm>>) target(%dma_start3A_978 : memref<200x32xf32, #tpu.memory_space<vmem>>) offsets(%dma_start3A_985 : memref<200xi32, #tpu.memory_space<vmem>>) semaphore(%arg9 : memref<!tpu.dma_semaphore, #tpu.memory_space<semaphore_mem>>)
        %dma_start3A_989 = arith.constant 2 : i32
        %dma_start3A_990 = arith.constant 1 : i32
        %dma_start3A_991 = arith.constant 2 : i32
        %dma_start3A_992 = arith.constant 1 : i32
        %dma_start3A_993 = arith.constant 0 : i32
        %dma_start3A_994 = arith.constant 0 : i32
        %dma_start3A_995 = arith.constant 0 : i32
        %dma_start3A_996 = tpu.memref_slice %arg6[%dma_start3A_991, %dma_start3A_993, %dma_start3A_994, %dma_start3A_995] : memref<4x4x200x32xf32, #tpu.memory_space<vmem>> -> memref<1x4x200x32xf32, #tpu.memory_space<vmem>>
        %dma_start3A_997 = tpu.memref_squeeze %dma_start3A_996 : memref<1x4x200x32xf32, #tpu.memory_space<vmem>> -> memref<4x200x32xf32, #tpu.memory_space<vmem>>
        %dma_start3A_998 = arith.constant 0 : i32
        %dma_start3A_999 = arith.constant 0 : i32
        %dma_start3A_1000 = tpu.memref_slice %dma_start3A_997[%dma_start3A_992, %dma_start3A_998, %dma_start3A_999] : memref<4x200x32xf32, #tpu.memory_space<vmem>> -> memref<1x200x32xf32, #tpu.memory_space<vmem>>
        %dma_start3A_1001 = tpu.memref_squeeze %dma_start3A_1000 : memref<1x200x32xf32, #tpu.memory_space<vmem>> -> memref<200x32xf32, #tpu.memory_space<vmem>>
        %dma_start3A_1002 = arith.constant 0 : i32
        %dma_start3A_1003 = arith.constant 0 : i32
        %dma_start3A_1004 = tpu.memref_slice %arg5[%dma_start3A_989, %dma_start3A_1002, %dma_start3A_1003] : memref<4x4x200xi32, #tpu.memory_space<vmem>> -> memref<1x4x200xi32, #tpu.memory_space<vmem>>
        %dma_start3A_1005 = tpu.memref_squeeze %dma_start3A_1004 : memref<1x4x200xi32, #tpu.memory_space<vmem>> -> memref<4x200xi32, #tpu.memory_space<vmem>>
        %dma_start3A_1006 = arith.constant 0 : i32
        %dma_start3A_1007 = tpu.memref_slice %dma_start3A_1005[%dma_start3A_990, %dma_start3A_1006] : memref<4x200xi32, #tpu.memory_space<vmem>> -> memref<1x200xi32, #tpu.memory_space<vmem>>
        %dma_start3A_1008 = tpu.memref_squeeze %dma_start3A_1007 : memref<1x200xi32, #tpu.memory_space<vmem>> -> memref<200xi32, #tpu.memory_space<vmem>>
        %dma_start3A_1009 = arith.constant 0 : i32
        %dma_start3A_1010 = arith.constant 0 : i32
        %dma_start3A_1011 = tpu.memref_slice %arg3[%dma_start3A_1009, %dma_start3A_1010] : memref<1000000x32xf32, #tpu.memory_space<hbm>> -> memref<1000000x32xf32, #tpu.memory_space<hbm>>
        tpu.enqueue_indirect_dma source(%dma_start3A_1011 : memref<1000000x32xf32, #tpu.memory_space<hbm>>) target(%dma_start3A_1001 : memref<200x32xf32, #tpu.memory_space<vmem>>) offsets(%dma_start3A_1008 : memref<200xi32, #tpu.memory_space<vmem>>) semaphore(%arg9 : memref<!tpu.dma_semaphore, #tpu.memory_space<semaphore_mem>>)
        %dma_start3A_1012 = arith.constant 2 : i32
        %dma_start3A_1013 = arith.constant 2 : i32
        %dma_start3A_1014 = arith.constant 2 : i32
        %dma_start3A_1015 = arith.constant 2 : i32
        %dma_start3A_1016 = arith.constant 0 : i32
        %dma_start3A_1017 = arith.constant 0 : i32
        %dma_start3A_1018 = arith.constant 0 : i32
        %dma_start3A_1019 = tpu.memref_slice %arg6[%dma_start3A_1014, %dma_start3A_1016, %dma_start3A_1017, %dma_start3A_1018] : memref<4x4x200x32xf32, #tpu.memory_space<vmem>> -> memref<1x4x200x32xf32, #tpu.memory_space<vmem>>
        %dma_start3A_1020 = tpu.memref_squeeze %dma_start3A_1019 : memref<1x4x200x32xf32, #tpu.memory_space<vmem>> -> memref<4x200x32xf32, #tpu.memory_space<vmem>>
        %dma_start3A_1021 = arith.constant 0 : i32
        %dma_start3A_1022 = arith.constant 0 : i32
        %dma_start3A_1023 = tpu.memref_slice %dma_start3A_1020[%dma_start3A_1015, %dma_start3A_1021, %dma_start3A_1022] : memref<4x200x32xf32, #tpu.memory_space<vmem>> -> memref<1x200x32xf32, #tpu.memory_space<vmem>>
        %dma_start3A_1024 = tpu.memref_squeeze %dma_start3A_1023 : memref<1x200x32xf32, #tpu.memory_space<vmem>> -> memref<200x32xf32, #tpu.memory_space<vmem>>
        %dma_start3A_1025 = arith.constant 0 : i32
        %dma_start3A_1026 = arith.constant 0 : i32
        %dma_start3A_1027 = tpu.memref_slice %arg5[%dma_start3A_1012, %dma_start3A_1025, %dma_start3A_1026] : memref<4x4x200xi32, #tpu.memory_space<vmem>> -> memref<1x4x200xi32, #tpu.memory_space<vmem>>
        %dma_start3A_1028 = tpu.memref_squeeze %dma_start3A_1027 : memref<1x4x200xi32, #tpu.memory_space<vmem>> -> memref<4x200xi32, #tpu.memory_space<vmem>>
        %dma_start3A_1029 = arith.constant 0 : i32
        %dma_start3A_1030 = tpu.memref_slice %dma_start3A_1028[%dma_start3A_1013, %dma_start3A_1029] : memref<4x200xi32, #tpu.memory_space<vmem>> -> memref<1x200xi32, #tpu.memory_space<vmem>>
        %dma_start3A_1031 = tpu.memref_squeeze %dma_start3A_1030 : memref<1x200xi32, #tpu.memory_space<vmem>> -> memref<200xi32, #tpu.memory_space<vmem>>
        %dma_start3A_1032 = arith.constant 0 : i32
        %dma_start3A_1033 = arith.constant 0 : i32
        %dma_start3A_1034 = tpu.memref_slice %arg3[%dma_start3A_1032, %dma_start3A_1033] : memref<1000000x32xf32, #tpu.memory_space<hbm>> -> memref<1000000x32xf32, #tpu.memory_space<hbm>>
        tpu.enqueue_indirect_dma source(%dma_start3A_1034 : memref<1000000x32xf32, #tpu.memory_space<hbm>>) target(%dma_start3A_1024 : memref<200x32xf32, #tpu.memory_space<vmem>>) offsets(%dma_start3A_1031 : memref<200xi32, #tpu.memory_space<vmem>>) semaphore(%arg9 : memref<!tpu.dma_semaphore, #tpu.memory_space<semaphore_mem>>)
        %dma_start3A_1035 = arith.constant 2 : i32
        %dma_start3A_1036 = arith.constant 3 : i32
        %dma_start3A_1037 = arith.constant 2 : i32
        %dma_start3A_1038 = arith.constant 3 : i32
        %dma_start3A_1039 = arith.constant 0 : i32
        %dma_start3A_1040 = arith.constant 0 : i32
        %dma_start3A_1041 = arith.constant 0 : i32
        %dma_start3A_1042 = tpu.memref_slice %arg6[%dma_start3A_1037, %dma_start3A_1039, %dma_start3A_1040, %dma_start3A_1041] : memref<4x4x200x32xf32, #tpu.memory_space<vmem>> -> memref<1x4x200x32xf32, #tpu.memory_space<vmem>>
        %dma_start3A_1043 = tpu.memref_squeeze %dma_start3A_1042 : memref<1x4x200x32xf32, #tpu.memory_space<vmem>> -> memref<4x200x32xf32, #tpu.memory_space<vmem>>
        %dma_start3A_1044 = arith.constant 0 : i32
        %dma_start3A_1045 = arith.constant 0 : i32
        %dma_start3A_1046 = tpu.memref_slice %dma_start3A_1043[%dma_start3A_1038, %dma_start3A_1044, %dma_start3A_1045] : memref<4x200x32xf32, #tpu.memory_space<vmem>> -> memref<1x200x32xf32, #tpu.memory_space<vmem>>
        %dma_start3A_1047 = tpu.memref_squeeze %dma_start3A_1046 : memref<1x200x32xf32, #tpu.memory_space<vmem>> -> memref<200x32xf32, #tpu.memory_space<vmem>>
        %dma_start3A_1048 = arith.constant 0 : i32
        %dma_start3A_1049 = arith.constant 0 : i32
        %dma_start3A_1050 = tpu.memref_slice %arg5[%dma_start3A_1035, %dma_start3A_1048, %dma_start3A_1049] : memref<4x4x200xi32, #tpu.memory_space<vmem>> -> memref<1x4x200xi32, #tpu.memory_space<vmem>>
        %dma_start3A_1051 = tpu.memref_squeeze %dma_start3A_1050 : memref<1x4x200xi32, #tpu.memory_space<vmem>> -> memref<4x200xi32, #tpu.memory_space<vmem>>
        %dma_start3A_1052 = arith.constant 0 : i32
        %dma_start3A_1053 = tpu.memref_slice %dma_start3A_1051[%dma_start3A_1036, %dma_start3A_1052] : memref<4x200xi32, #tpu.memory_space<vmem>> -> memref<1x200xi32, #tpu.memory_space<vmem>>
        %dma_start3A_1054 = tpu.memref_squeeze %dma_start3A_1053 : memref<1x200xi32, #tpu.memory_space<vmem>> -> memref<200xi32, #tpu.memory_space<vmem>>
        %dma_start3A_1055 = arith.constant 0 : i32
        %dma_start3A_1056 = arith.constant 0 : i32
        %dma_start3A_1057 = tpu.memref_slice %arg3[%dma_start3A_1055, %dma_start3A_1056] : memref<1000000x32xf32, #tpu.memory_space<hbm>> -> memref<1000000x32xf32, #tpu.memory_space<hbm>>
        tpu.enqueue_indirect_dma source(%dma_start3A_1057 : memref<1000000x32xf32, #tpu.memory_space<hbm>>) target(%dma_start3A_1047 : memref<200x32xf32, #tpu.memory_space<vmem>>) offsets(%dma_start3A_1054 : memref<200xi32, #tpu.memory_space<vmem>>) semaphore(%arg9 : memref<!tpu.dma_semaphore, #tpu.memory_space<semaphore_mem>>)
      } else {
      }
      %mul3A_822 = arith.constant 4 : i32
      %mul3A_823 = arith.muli %scan3A_461, %mul3A_822 : i32
      %add3A_824 = arith.constant 3 : i32
      %add3A_825 = arith.addi %mul3A_823, %add3A_824 : i32
      %mul3A_826 = arith.constant 4 : i32
      %mul3A_827 = arith.muli %add3A_825, %mul3A_826 : i32
      %add3A_828 = arith.addi %mul3A_2, %mul3A_827 : i32
      %dma_wait3A_829 = arith.constant 3 : i32
      %dma_wait3A_830 = arith.constant 0 : i32
      %dma_wait3A_831 = arith.constant 3 : i32
      %dma_wait3A_832 = arith.constant 0 : i32
      %dma_wait3A_833 = arith.constant 0 : i32
      %dma_wait3A_834 = arith.constant 0 : i32
      %dma_wait3A_835 = arith.constant 0 : i32
      %dma_wait3A_836 = tpu.memref_slice %arg6[%dma_wait3A_831, %dma_wait3A_833, %dma_wait3A_834, %dma_wait3A_835] : memref<4x4x200x32xf32, #tpu.memory_space<vmem>> -> memref<1x4x200x32xf32, #tpu.memory_space<vmem>>
      %dma_wait3A_837 = tpu.memref_squeeze %dma_wait3A_836 : memref<1x4x200x32xf32, #tpu.memory_space<vmem>> -> memref<4x200x32xf32, #tpu.memory_space<vmem>>
      %dma_wait3A_838 = arith.constant 0 : i32
      %dma_wait3A_839 = arith.constant 0 : i32
      %dma_wait3A_840 = tpu.memref_slice %dma_wait3A_837[%dma_wait3A_832, %dma_wait3A_838, %dma_wait3A_839] : memref<4x200x32xf32, #tpu.memory_space<vmem>> -> memref<1x200x32xf32, #tpu.memory_space<vmem>>
      %dma_wait3A_841 = tpu.memref_squeeze %dma_wait3A_840 : memref<1x200x32xf32, #tpu.memory_space<vmem>> -> memref<200x32xf32, #tpu.memory_space<vmem>>
      %dma_wait3A_842 = arith.constant 0 : i32
      %dma_wait3A_843 = arith.constant 0 : i32
      %dma_wait3A_844 = tpu.memref_slice %arg5[%dma_wait3A_829, %dma_wait3A_842, %dma_wait3A_843] : memref<4x4x200xi32, #tpu.memory_space<vmem>> -> memref<1x4x200xi32, #tpu.memory_space<vmem>>
      %dma_wait3A_845 = tpu.memref_squeeze %dma_wait3A_844 : memref<1x4x200xi32, #tpu.memory_space<vmem>> -> memref<4x200xi32, #tpu.memory_space<vmem>>
      %dma_wait3A_846 = arith.constant 0 : i32
      %dma_wait3A_847 = tpu.memref_slice %dma_wait3A_845[%dma_wait3A_830, %dma_wait3A_846] : memref<4x200xi32, #tpu.memory_space<vmem>> -> memref<1x200xi32, #tpu.memory_space<vmem>>
      %dma_wait3A_848 = tpu.memref_squeeze %dma_wait3A_847 : memref<1x200xi32, #tpu.memory_space<vmem>> -> memref<200xi32, #tpu.memory_space<vmem>>
      %dma_wait3A_849 = arith.constant 0 : i32
      %dma_wait3A_850 = arith.constant 0 : i32
      %dma_wait3A_851 = tpu.memref_slice %arg3[%dma_wait3A_849, %dma_wait3A_850] : memref<1000000x32xf32, #tpu.memory_space<hbm>> -> memref<1000000x32xf32, #tpu.memory_space<hbm>>
      tpu.wait_indirect_dma semaphore(%arg10 : memref<!tpu.dma_semaphore, #tpu.memory_space<semaphore_mem>>) src(%dma_wait3A_851 : memref<1000000x32xf32, #tpu.memory_space<hbm>>) dst(%dma_wait3A_841 : memref<200x32xf32, #tpu.memory_space<vmem>>)
      %dma_wait3A_852 = arith.constant 3 : i32
      %dma_wait3A_853 = arith.constant 1 : i32
      %dma_wait3A_854 = arith.constant 3 : i32
      %dma_wait3A_855 = arith.constant 1 : i32
      %dma_wait3A_856 = arith.constant 0 : i32
      %dma_wait3A_857 = arith.constant 0 : i32
      %dma_wait3A_858 = arith.constant 0 : i32
      %dma_wait3A_859 = tpu.memref_slice %arg6[%dma_wait3A_854, %dma_wait3A_856, %dma_wait3A_857, %dma_wait3A_858] : memref<4x4x200x32xf32, #tpu.memory_space<vmem>> -> memref<1x4x200x32xf32, #tpu.memory_space<vmem>>
      %dma_wait3A_860 = tpu.memref_squeeze %dma_wait3A_859 : memref<1x4x200x32xf32, #tpu.memory_space<vmem>> -> memref<4x200x32xf32, #tpu.memory_space<vmem>>
      %dma_wait3A_861 = arith.constant 0 : i32
      %dma_wait3A_862 = arith.constant 0 : i32
      %dma_wait3A_863 = tpu.memref_slice %dma_wait3A_860[%dma_wait3A_855, %dma_wait3A_861, %dma_wait3A_862] : memref<4x200x32xf32, #tpu.memory_space<vmem>> -> memref<1x200x32xf32, #tpu.memory_space<vmem>>
      %dma_wait3A_864 = tpu.memref_squeeze %dma_wait3A_863 : memref<1x200x32xf32, #tpu.memory_space<vmem>> -> memref<200x32xf32, #tpu.memory_space<vmem>>
      %dma_wait3A_865 = arith.constant 0 : i32
      %dma_wait3A_866 = arith.constant 0 : i32
      %dma_wait3A_867 = tpu.memref_slice %arg5[%dma_wait3A_852, %dma_wait3A_865, %dma_wait3A_866] : memref<4x4x200xi32, #tpu.memory_space<vmem>> -> memref<1x4x200xi32, #tpu.memory_space<vmem>>
      %dma_wait3A_868 = tpu.memref_squeeze %dma_wait3A_867 : memref<1x4x200xi32, #tpu.memory_space<vmem>> -> memref<4x200xi32, #tpu.memory_space<vmem>>
      %dma_wait3A_869 = arith.constant 0 : i32
      %dma_wait3A_870 = tpu.memref_slice %dma_wait3A_868[%dma_wait3A_853, %dma_wait3A_869] : memref<4x200xi32, #tpu.memory_space<vmem>> -> memref<1x200xi32, #tpu.memory_space<vmem>>
      %dma_wait3A_871 = tpu.memref_squeeze %dma_wait3A_870 : memref<1x200xi32, #tpu.memory_space<vmem>> -> memref<200xi32, #tpu.memory_space<vmem>>
      %dma_wait3A_872 = arith.constant 0 : i32
      %dma_wait3A_873 = arith.constant 0 : i32
      %dma_wait3A_874 = tpu.memref_slice %arg3[%dma_wait3A_872, %dma_wait3A_873] : memref<1000000x32xf32, #tpu.memory_space<hbm>> -> memref<1000000x32xf32, #tpu.memory_space<hbm>>
      tpu.wait_indirect_dma semaphore(%arg10 : memref<!tpu.dma_semaphore, #tpu.memory_space<semaphore_mem>>) src(%dma_wait3A_874 : memref<1000000x32xf32, #tpu.memory_space<hbm>>) dst(%dma_wait3A_864 : memref<200x32xf32, #tpu.memory_space<vmem>>)
      %dma_wait3A_875 = arith.constant 3 : i32
      %dma_wait3A_876 = arith.constant 2 : i32
      %dma_wait3A_877 = arith.constant 3 : i32
      %dma_wait3A_878 = arith.constant 2 : i32
      %dma_wait3A_879 = arith.constant 0 : i32
      %dma_wait3A_880 = arith.constant 0 : i32
      %dma_wait3A_881 = arith.constant 0 : i32
      %dma_wait3A_882 = tpu.memref_slice %arg6[%dma_wait3A_877, %dma_wait3A_879, %dma_wait3A_880, %dma_wait3A_881] : memref<4x4x200x32xf32, #tpu.memory_space<vmem>> -> memref<1x4x200x32xf32, #tpu.memory_space<vmem>>
      %dma_wait3A_883 = tpu.memref_squeeze %dma_wait3A_882 : memref<1x4x200x32xf32, #tpu.memory_space<vmem>> -> memref<4x200x32xf32, #tpu.memory_space<vmem>>
      %dma_wait3A_884 = arith.constant 0 : i32
      %dma_wait3A_885 = arith.constant 0 : i32
      %dma_wait3A_886 = tpu.memref_slice %dma_wait3A_883[%dma_wait3A_878, %dma_wait3A_884, %dma_wait3A_885] : memref<4x200x32xf32, #tpu.memory_space<vmem>> -> memref<1x200x32xf32, #tpu.memory_space<vmem>>
      %dma_wait3A_887 = tpu.memref_squeeze %dma_wait3A_886 : memref<1x200x32xf32, #tpu.memory_space<vmem>> -> memref<200x32xf32, #tpu.memory_space<vmem>>
      %dma_wait3A_888 = arith.constant 0 : i32
      %dma_wait3A_889 = arith.constant 0 : i32
      %dma_wait3A_890 = tpu.memref_slice %arg5[%dma_wait3A_875, %dma_wait3A_888, %dma_wait3A_889] : memref<4x4x200xi32, #tpu.memory_space<vmem>> -> memref<1x4x200xi32, #tpu.memory_space<vmem>>
      %dma_wait3A_891 = tpu.memref_squeeze %dma_wait3A_890 : memref<1x4x200xi32, #tpu.memory_space<vmem>> -> memref<4x200xi32, #tpu.memory_space<vmem>>
      %dma_wait3A_892 = arith.constant 0 : i32
      %dma_wait3A_893 = tpu.memref_slice %dma_wait3A_891[%dma_wait3A_876, %dma_wait3A_892] : memref<4x200xi32, #tpu.memory_space<vmem>> -> memref<1x200xi32, #tpu.memory_space<vmem>>
      %dma_wait3A_894 = tpu.memref_squeeze %dma_wait3A_893 : memref<1x200xi32, #tpu.memory_space<vmem>> -> memref<200xi32, #tpu.memory_space<vmem>>
      %dma_wait3A_895 = arith.constant 0 : i32
      %dma_wait3A_896 = arith.constant 0 : i32
      %dma_wait3A_897 = tpu.memref_slice %arg3[%dma_wait3A_895, %dma_wait3A_896] : memref<1000000x32xf32, #tpu.memory_space<hbm>> -> memref<1000000x32xf32, #tpu.memory_space<hbm>>
      tpu.wait_indirect_dma semaphore(%arg10 : memref<!tpu.dma_semaphore, #tpu.memory_space<semaphore_mem>>) src(%dma_wait3A_897 : memref<1000000x32xf32, #tpu.memory_space<hbm>>) dst(%dma_wait3A_887 : memref<200x32xf32, #tpu.memory_space<vmem>>)
      %dma_wait3A_898 = arith.constant 3 : i32
      %dma_wait3A_899 = arith.constant 3 : i32
      %dma_wait3A_900 = arith.constant 3 : i32
      %dma_wait3A_901 = arith.constant 3 : i32
      %dma_wait3A_902 = arith.constant 0 : i32
      %dma_wait3A_903 = arith.constant 0 : i32
      %dma_wait3A_904 = arith.constant 0 : i32
      %dma_wait3A_905 = tpu.memref_slice %arg6[%dma_wait3A_900, %dma_wait3A_902, %dma_wait3A_903, %dma_wait3A_904] : memref<4x4x200x32xf32, #tpu.memory_space<vmem>> -> memref<1x4x200x32xf32, #tpu.memory_space<vmem>>
      %dma_wait3A_906 = tpu.memref_squeeze %dma_wait3A_905 : memref<1x4x200x32xf32, #tpu.memory_space<vmem>> -> memref<4x200x32xf32, #tpu.memory_space<vmem>>
      %dma_wait3A_907 = arith.constant 0 : i32
      %dma_wait3A_908 = arith.constant 0 : i32
      %dma_wait3A_909 = tpu.memref_slice %dma_wait3A_906[%dma_wait3A_901, %dma_wait3A_907, %dma_wait3A_908] : memref<4x200x32xf32, #tpu.memory_space<vmem>> -> memref<1x200x32xf32, #tpu.memory_space<vmem>>
      %dma_wait3A_910 = tpu.memref_squeeze %dma_wait3A_909 : memref<1x200x32xf32, #tpu.memory_space<vmem>> -> memref<200x32xf32, #tpu.memory_space<vmem>>
      %dma_wait3A_911 = arith.constant 0 : i32
      %dma_wait3A_912 = arith.constant 0 : i32
      %dma_wait3A_913 = tpu.memref_slice %arg5[%dma_wait3A_898, %dma_wait3A_911, %dma_wait3A_912] : memref<4x4x200xi32, #tpu.memory_space<vmem>> -> memref<1x4x200xi32, #tpu.memory_space<vmem>>
      %dma_wait3A_914 = tpu.memref_squeeze %dma_wait3A_913 : memref<1x4x200xi32, #tpu.memory_space<vmem>> -> memref<4x200xi32, #tpu.memory_space<vmem>>
      %dma_wait3A_915 = arith.constant 0 : i32
      %dma_wait3A_916 = tpu.memref_slice %dma_wait3A_914[%dma_wait3A_899, %dma_wait3A_915] : memref<4x200xi32, #tpu.memory_space<vmem>> -> memref<1x200xi32, #tpu.memory_space<vmem>>
      %dma_wait3A_917 = tpu.memref_squeeze %dma_wait3A_916 : memref<1x200xi32, #tpu.memory_space<vmem>> -> memref<200xi32, #tpu.memory_space<vmem>>
      %dma_wait3A_918 = arith.constant 0 : i32
      %dma_wait3A_919 = arith.constant 0 : i32
      %dma_wait3A_920 = tpu.memref_slice %arg3[%dma_wait3A_918, %dma_wait3A_919] : memref<1000000x32xf32, #tpu.memory_space<hbm>> -> memref<1000000x32xf32, #tpu.memory_space<hbm>>
      tpu.wait_indirect_dma semaphore(%arg10 : memref<!tpu.dma_semaphore, #tpu.memory_space<semaphore_mem>>) src(%dma_wait3A_920 : memref<1000000x32xf32, #tpu.memory_space<hbm>>) dst(%dma_wait3A_910 : memref<200x32xf32, #tpu.memory_space<vmem>>)
      %dma_start3A_921 = arith.constant 3 : i32
      %dma_start3A_922 = arith.constant 0 : i32
      %dma_start3A_923 = arith.constant 0 : i32
      %dma_start3A_924 = arith.constant 0 : i32
      %dma_start3A_925 = tpu.memref_slice %arg6[%dma_start3A_921, %dma_start3A_922, %dma_start3A_923, %dma_start3A_924] : memref<4x4x200x32xf32, #tpu.memory_space<vmem>> -> memref<1x4x200x32xf32, #tpu.memory_space<vmem>>
      %dma_start3A_926 = tpu.memref_squeeze %dma_start3A_925 : memref<1x4x200x32xf32, #tpu.memory_space<vmem>> -> memref<4x200x32xf32, #tpu.memory_space<vmem>>
      %dma_start3A_927 = arith.constant 0 : i32
      %dma_start3A_928 = arith.constant 0 : i32
      %dma_start3A_929 = tpu.memref_slice %arg4[%add3A_828, %dma_start3A_927, %dma_start3A_928] : memref<4096x200x32xf32, #tpu.memory_space<hbm>> -> memref<4x200x32xf32, #tpu.memory_space<hbm>>
      %dma_start3A_930 = arith.constant 0 : i32
      %dma_start3A_931 = arith.constant 0 : i32
      %dma_start3A_932 = tpu.memref_slice %arg4[%add3A_828, %dma_start3A_930, %dma_start3A_931] : memref<4096x200x32xf32, #tpu.memory_space<hbm>> -> memref<4x200x32xf32, #tpu.memory_space<hbm>>
      %dma_start3A_933 = arith.constant 0 : i32
      %dma_start3A_934 = arith.constant 0 : i32
      %dma_start3A_935 = arith.constant 0 : i32
      %dma_start3A_936 = tpu.memref_slice %arg6[%dma_start3A_921, %dma_start3A_933, %dma_start3A_934, %dma_start3A_935] : memref<4x4x200x32xf32, #tpu.memory_space<vmem>> -> memref<1x4x200x32xf32, #tpu.memory_space<vmem>>
      %dma_start3A_937 = tpu.memref_squeeze %dma_start3A_936 : memref<1x4x200x32xf32, #tpu.memory_space<vmem>> -> memref<4x200x32xf32, #tpu.memory_space<vmem>>
      tpu.enqueue_dma source(%dma_start3A_937 : memref<4x200x32xf32, #tpu.memory_space<vmem>>) target(%dma_start3A_932 : memref<4x200x32xf32, #tpu.memory_space<hbm>>) target_semaphore(%arg14 : memref<!tpu.dma_semaphore, #tpu.memory_space<semaphore_mem>>)
      %lt3A_938 = arith.constant 7 : i32
      %lt3A_939 = arith.cmpi slt, %scan3A_461, %lt3A_938 : i32
      %convert_element_type3A_940 = arith.extui %lt3A_939 : i1 to i32
      %cond3A_941 = arith.constant 0 : i32
      %cond3A_942 = arith.cmpi ne, %convert_element_type3A_940, %cond3A_941 : i32
      scf.if %cond3A_942 {
        %add3A_943 = arith.constant 4 : i32
        %add3A_944 = arith.addi %add3A_825, %add3A_943 : i32
        %mul3A_945 = arith.constant 4 : i32
        %mul3A_946 = arith.muli %add3A_944, %mul3A_945 : i32
        %add3A_947 = arith.addi %mul3A_2, %mul3A_946 : i32
        %dma_wait3A_948 = arith.constant 3 : i32
        %dma_wait3A_949 = arith.constant 0 : i32
        %dma_wait3A_950 = arith.constant 0 : i32
        %dma_wait3A_951 = arith.constant 0 : i32
        %dma_wait3A_952 = tpu.memref_slice %arg6[%dma_wait3A_948, %dma_wait3A_949, %dma_wait3A_950, %dma_wait3A_951] : memref<4x4x200x32xf32, #tpu.memory_space<vmem>> -> memref<1x4x200x32xf32, #tpu.memory_space<vmem>>
        %dma_wait3A_953 = tpu.memref_squeeze %dma_wait3A_952 : memref<1x4x200x32xf32, #tpu.memory_space<vmem>> -> memref<4x200x32xf32, #tpu.memory_space<vmem>>
        %dma_wait3A_954 = arith.constant 0 : i32
        %dma_wait3A_955 = arith.constant 0 : i32
        %dma_wait3A_956 = tpu.memref_slice %arg4[%add3A_828, %dma_wait3A_954, %dma_wait3A_955] : memref<4096x200x32xf32, #tpu.memory_space<hbm>> -> memref<4x200x32xf32, #tpu.memory_space<hbm>>
        %dma_wait3A_957 = arith.constant 0 : i32
        %dma_wait3A_958 = arith.constant 0 : i32
        %dma_wait3A_959 = tpu.memref_slice %arg4[%add3A_828, %dma_wait3A_957, %dma_wait3A_958] : memref<4096x200x32xf32, #tpu.memory_space<hbm>> -> memref<4x200x32xf32, #tpu.memory_space<hbm>>
        %dma_wait3A_960 = arith.constant 0 : i32
        %dma_wait3A_961 = arith.constant 0 : i32
        %dma_wait3A_962 = arith.constant 0 : i32
        %dma_wait3A_963 = tpu.memref_slice %arg6[%dma_wait3A_948, %dma_wait3A_960, %dma_wait3A_961, %dma_wait3A_962] : memref<4x4x200x32xf32, #tpu.memory_space<vmem>> -> memref<1x4x200x32xf32, #tpu.memory_space<vmem>>
        %dma_wait3A_964 = tpu.memref_squeeze %dma_wait3A_963 : memref<1x4x200x32xf32, #tpu.memory_space<vmem>> -> memref<4x200x32xf32, #tpu.memory_space<vmem>>
        tpu.wait_dma2 semaphore(%arg14 : memref<!tpu.dma_semaphore, #tpu.memory_space<semaphore_mem>>) src(%dma_wait3A_964 : memref<4x200x32xf32, #tpu.memory_space<vmem>>) dst(%dma_wait3A_959 : memref<4x200x32xf32, #tpu.memory_space<hbm>>)
        %run_scoped3A_965 = arith.constant 3 : i32
        "tpu.region"() ({
          %run_scoped3A_1058 = tpu.sem_alloc : memref<!tpu.dma_semaphore, #tpu.memory_space<semaphore_mem>>
          %dma_start3A_1059 = arith.constant 0 : i32
          %dma_start3A_1060 = arith.constant 0 : i32
          %dma_start3A_1061 = tpu.memref_slice %arg5[%run_scoped3A_965, %dma_start3A_1059, %dma_start3A_1060] : memref<4x4x200xi32, #tpu.memory_space<vmem>> -> memref<1x4x200xi32, #tpu.memory_space<vmem>>
          %dma_start3A_1062 = tpu.memref_squeeze %dma_start3A_1061 : memref<1x4x200xi32, #tpu.memory_space<vmem>> -> memref<4x200xi32, #tpu.memory_space<vmem>>
          %dma_start3A_1063 = arith.constant 0 : i32
          %dma_start3A_1064 = tpu.memref_slice %arg2[%add3A_947, %dma_start3A_1063] : memref<4096x200xi32, #tpu.memory_space<hbm>> -> memref<4x200xi32, #tpu.memory_space<hbm>>
          %dma_start3A_1065 = arith.constant 0 : i32
          %dma_start3A_1066 = arith.constant 0 : i32
          %dma_start3A_1067 = tpu.memref_slice %arg5[%run_scoped3A_965, %dma_start3A_1065, %dma_start3A_1066] : memref<4x4x200xi32, #tpu.memory_space<vmem>> -> memref<1x4x200xi32, #tpu.memory_space<vmem>>
          %dma_start3A_1068 = tpu.memref_squeeze %dma_start3A_1067 : memref<1x4x200xi32, #tpu.memory_space<vmem>> -> memref<4x200xi32, #tpu.memory_space<vmem>>
          %dma_start3A_1069 = arith.constant 0 : i32
          %dma_start3A_1070 = tpu.memref_slice %arg2[%add3A_947, %dma_start3A_1069] : memref<4096x200xi32, #tpu.memory_space<hbm>> -> memref<4x200xi32, #tpu.memory_space<hbm>>
          tpu.enqueue_dma source(%dma_start3A_1070 : memref<4x200xi32, #tpu.memory_space<hbm>>) target(%dma_start3A_1068 : memref<4x200xi32, #tpu.memory_space<vmem>>) target_semaphore(%run_scoped3A_1058 : memref<!tpu.dma_semaphore, #tpu.memory_space<semaphore_mem>>)
          %dma_wait3A_1071 = arith.constant 0 : i32
          %dma_wait3A_1072 = arith.constant 0 : i32
          %dma_wait3A_1073 = tpu.memref_slice %arg5[%run_scoped3A_965, %dma_wait3A_1071, %dma_wait3A_1072] : memref<4x4x200xi32, #tpu.memory_space<vmem>> -> memref<1x4x200xi32, #tpu.memory_space<vmem>>
          %dma_wait3A_1074 = tpu.memref_squeeze %dma_wait3A_1073 : memref<1x4x200xi32, #tpu.memory_space<vmem>> -> memref<4x200xi32, #tpu.memory_space<vmem>>
          %dma_wait3A_1075 = arith.constant 0 : i32
          %dma_wait3A_1076 = tpu.memref_slice %arg2[%add3A_947, %dma_wait3A_1075] : memref<4096x200xi32, #tpu.memory_space<hbm>> -> memref<4x200xi32, #tpu.memory_space<hbm>>
          %dma_wait3A_1077 = arith.constant 0 : i32
          %dma_wait3A_1078 = arith.constant 0 : i32
          %dma_wait3A_1079 = tpu.memref_slice %arg5[%run_scoped3A_965, %dma_wait3A_1077, %dma_wait3A_1078] : memref<4x4x200xi32, #tpu.memory_space<vmem>> -> memref<1x4x200xi32, #tpu.memory_space<vmem>>
          %dma_wait3A_1080 = tpu.memref_squeeze %dma_wait3A_1079 : memref<1x4x200xi32, #tpu.memory_space<vmem>> -> memref<4x200xi32, #tpu.memory_space<vmem>>
          %dma_wait3A_1081 = arith.constant 0 : i32
          %dma_wait3A_1082 = tpu.memref_slice %arg2[%add3A_947, %dma_wait3A_1081] : memref<4096x200xi32, #tpu.memory_space<hbm>> -> memref<4x200xi32, #tpu.memory_space<hbm>>
          tpu.wait_dma2 semaphore(%run_scoped3A_1058 : memref<!tpu.dma_semaphore, #tpu.memory_space<semaphore_mem>>) src(%dma_wait3A_1082 : memref<4x200xi32, #tpu.memory_space<hbm>>) dst(%dma_wait3A_1080 : memref<4x200xi32, #tpu.memory_space<vmem>>)
          tpu.yield
        }) : () -> ()
        %dma_start3A_966 = arith.constant 3 : i32
        %dma_start3A_967 = arith.constant 0 : i32
        %dma_start3A_968 = arith.constant 3 : i32
        %dma_start3A_969 = arith.constant 0 : i32
        %dma_start3A_970 = arith.constant 0 : i32
        %dma_start3A_971 = arith.constant 0 : i32
        %dma_start3A_972 = arith.constant 0 : i32
        %dma_start3A_973 = tpu.memref_slice %arg6[%dma_start3A_968, %dma_start3A_970, %dma_start3A_971, %dma_start3A_972] : memref<4x4x200x32xf32, #tpu.memory_space<vmem>> -> memref<1x4x200x32xf32, #tpu.memory_space<vmem>>
        %dma_start3A_974 = tpu.memref_squeeze %dma_start3A_973 : memref<1x4x200x32xf32, #tpu.memory_space<vmem>> -> memref<4x200x32xf32, #tpu.memory_space<vmem>>
        %dma_start3A_975 = arith.constant 0 : i32
        %dma_start3A_976 = arith.constant 0 : i32
        %dma_start3A_977 = tpu.memref_slice %dma_start3A_974[%dma_start3A_969, %dma_start3A_975, %dma_start3A_976] : memref<4x200x32xf32, #tpu.memory_space<vmem>> -> memref<1x200x32xf32, #tpu.memory_space<vmem>>
        %dma_start3A_978 = tpu.memref_squeeze %dma_start3A_977 : memref<1x200x32xf32, #tpu.memory_space<vmem>> -> memref<200x32xf32, #tpu.memory_space<vmem>>
        %dma_start3A_979 = arith.constant 0 : i32
        %dma_start3A_980 = arith.constant 0 : i32
        %dma_start3A_981 = tpu.memref_slice %arg5[%dma_start3A_966, %dma_start3A_979, %dma_start3A_980] : memref<4x4x200xi32, #tpu.memory_space<vmem>> -> memref<1x4x200xi32, #tpu.memory_space<vmem>>
        %dma_start3A_982 = tpu.memref_squeeze %dma_start3A_981 : memref<1x4x200xi32, #tpu.memory_space<vmem>> -> memref<4x200xi32, #tpu.memory_space<vmem>>
        %dma_start3A_983 = arith.constant 0 : i32
        %dma_start3A_984 = tpu.memref_slice %dma_start3A_982[%dma_start3A_967, %dma_start3A_983] : memref<4x200xi32, #tpu.memory_space<vmem>> -> memref<1x200xi32, #tpu.memory_space<vmem>>
        %dma_start3A_985 = tpu.memref_squeeze %dma_start3A_984 : memref<1x200xi32, #tpu.memory_space<vmem>> -> memref<200xi32, #tpu.memory_space<vmem>>
        %dma_start3A_986 = arith.constant 0 : i32
        %dma_start3A_987 = arith.constant 0 : i32
        %dma_start3A_988 = tpu.memref_slice %arg3[%dma_start3A_986, %dma_start3A_987] : memref<1000000x32xf32, #tpu.memory_space<hbm>> -> memref<1000000x32xf32, #tpu.memory_space<hbm>>
        tpu.enqueue_indirect_dma source(%dma_start3A_988 : memref<1000000x32xf32, #tpu.memory_space<hbm>>) target(%dma_start3A_978 : memref<200x32xf32, #tpu.memory_space<vmem>>) offsets(%dma_start3A_985 : memref<200xi32, #tpu.memory_space<vmem>>) semaphore(%arg10 : memref<!tpu.dma_semaphore, #tpu.memory_space<semaphore_mem>>)
        %dma_start3A_989 = arith.constant 3 : i32
        %dma_start3A_990 = arith.constant 1 : i32
        %dma_start3A_991 = arith.constant 3 : i32
        %dma_start3A_992 = arith.constant 1 : i32
        %dma_start3A_993 = arith.constant 0 : i32
        %dma_start3A_994 = arith.constant 0 : i32
        %dma_start3A_995 = arith.constant 0 : i32
        %dma_start3A_996 = tpu.memref_slice %arg6[%dma_start3A_991, %dma_start3A_993, %dma_start3A_994, %dma_start3A_995] : memref<4x4x200x32xf32, #tpu.memory_space<vmem>> -> memref<1x4x200x32xf32, #tpu.memory_space<vmem>>
        %dma_start3A_997 = tpu.memref_squeeze %dma_start3A_996 : memref<1x4x200x32xf32, #tpu.memory_space<vmem>> -> memref<4x200x32xf32, #tpu.memory_space<vmem>>
        %dma_start3A_998 = arith.constant 0 : i32
        %dma_start3A_999 = arith.constant 0 : i32
        %dma_start3A_1000 = tpu.memref_slice %dma_start3A_997[%dma_start3A_992, %dma_start3A_998, %dma_start3A_999] : memref<4x200x32xf32, #tpu.memory_space<vmem>> -> memref<1x200x32xf32, #tpu.memory_space<vmem>>
        %dma_start3A_1001 = tpu.memref_squeeze %dma_start3A_1000 : memref<1x200x32xf32, #tpu.memory_space<vmem>> -> memref<200x32xf32, #tpu.memory_space<vmem>>
        %dma_start3A_1002 = arith.constant 0 : i32
        %dma_start3A_1003 = arith.constant 0 : i32
        %dma_start3A_1004 = tpu.memref_slice %arg5[%dma_start3A_989, %dma_start3A_1002, %dma_start3A_1003] : memref<4x4x200xi32, #tpu.memory_space<vmem>> -> memref<1x4x200xi32, #tpu.memory_space<vmem>>
        %dma_start3A_1005 = tpu.memref_squeeze %dma_start3A_1004 : memref<1x4x200xi32, #tpu.memory_space<vmem>> -> memref<4x200xi32, #tpu.memory_space<vmem>>
        %dma_start3A_1006 = arith.constant 0 : i32
        %dma_start3A_1007 = tpu.memref_slice %dma_start3A_1005[%dma_start3A_990, %dma_start3A_1006] : memref<4x200xi32, #tpu.memory_space<vmem>> -> memref<1x200xi32, #tpu.memory_space<vmem>>
        %dma_start3A_1008 = tpu.memref_squeeze %dma_start3A_1007 : memref<1x200xi32, #tpu.memory_space<vmem>> -> memref<200xi32, #tpu.memory_space<vmem>>
        %dma_start3A_1009 = arith.constant 0 : i32
        %dma_start3A_1010 = arith.constant 0 : i32
        %dma_start3A_1011 = tpu.memref_slice %arg3[%dma_start3A_1009, %dma_start3A_1010] : memref<1000000x32xf32, #tpu.memory_space<hbm>> -> memref<1000000x32xf32, #tpu.memory_space<hbm>>
        tpu.enqueue_indirect_dma source(%dma_start3A_1011 : memref<1000000x32xf32, #tpu.memory_space<hbm>>) target(%dma_start3A_1001 : memref<200x32xf32, #tpu.memory_space<vmem>>) offsets(%dma_start3A_1008 : memref<200xi32, #tpu.memory_space<vmem>>) semaphore(%arg10 : memref<!tpu.dma_semaphore, #tpu.memory_space<semaphore_mem>>)
        %dma_start3A_1012 = arith.constant 3 : i32
        %dma_start3A_1013 = arith.constant 2 : i32
        %dma_start3A_1014 = arith.constant 3 : i32
        %dma_start3A_1015 = arith.constant 2 : i32
        %dma_start3A_1016 = arith.constant 0 : i32
        %dma_start3A_1017 = arith.constant 0 : i32
        %dma_start3A_1018 = arith.constant 0 : i32
        %dma_start3A_1019 = tpu.memref_slice %arg6[%dma_start3A_1014, %dma_start3A_1016, %dma_start3A_1017, %dma_start3A_1018] : memref<4x4x200x32xf32, #tpu.memory_space<vmem>> -> memref<1x4x200x32xf32, #tpu.memory_space<vmem>>
        %dma_start3A_1020 = tpu.memref_squeeze %dma_start3A_1019 : memref<1x4x200x32xf32, #tpu.memory_space<vmem>> -> memref<4x200x32xf32, #tpu.memory_space<vmem>>
        %dma_start3A_1021 = arith.constant 0 : i32
        %dma_start3A_1022 = arith.constant 0 : i32
        %dma_start3A_1023 = tpu.memref_slice %dma_start3A_1020[%dma_start3A_1015, %dma_start3A_1021, %dma_start3A_1022] : memref<4x200x32xf32, #tpu.memory_space<vmem>> -> memref<1x200x32xf32, #tpu.memory_space<vmem>>
        %dma_start3A_1024 = tpu.memref_squeeze %dma_start3A_1023 : memref<1x200x32xf32, #tpu.memory_space<vmem>> -> memref<200x32xf32, #tpu.memory_space<vmem>>
        %dma_start3A_1025 = arith.constant 0 : i32
        %dma_start3A_1026 = arith.constant 0 : i32
        %dma_start3A_1027 = tpu.memref_slice %arg5[%dma_start3A_1012, %dma_start3A_1025, %dma_start3A_1026] : memref<4x4x200xi32, #tpu.memory_space<vmem>> -> memref<1x4x200xi32, #tpu.memory_space<vmem>>
        %dma_start3A_1028 = tpu.memref_squeeze %dma_start3A_1027 : memref<1x4x200xi32, #tpu.memory_space<vmem>> -> memref<4x200xi32, #tpu.memory_space<vmem>>
        %dma_start3A_1029 = arith.constant 0 : i32
        %dma_start3A_1030 = tpu.memref_slice %dma_start3A_1028[%dma_start3A_1013, %dma_start3A_1029] : memref<4x200xi32, #tpu.memory_space<vmem>> -> memref<1x200xi32, #tpu.memory_space<vmem>>
        %dma_start3A_1031 = tpu.memref_squeeze %dma_start3A_1030 : memref<1x200xi32, #tpu.memory_space<vmem>> -> memref<200xi32, #tpu.memory_space<vmem>>
        %dma_start3A_1032 = arith.constant 0 : i32
        %dma_start3A_1033 = arith.constant 0 : i32
        %dma_start3A_1034 = tpu.memref_slice %arg3[%dma_start3A_1032, %dma_start3A_1033] : memref<1000000x32xf32, #tpu.memory_space<hbm>> -> memref<1000000x32xf32, #tpu.memory_space<hbm>>
        tpu.enqueue_indirect_dma source(%dma_start3A_1034 : memref<1000000x32xf32, #tpu.memory_space<hbm>>) target(%dma_start3A_1024 : memref<200x32xf32, #tpu.memory_space<vmem>>) offsets(%dma_start3A_1031 : memref<200xi32, #tpu.memory_space<vmem>>) semaphore(%arg10 : memref<!tpu.dma_semaphore, #tpu.memory_space<semaphore_mem>>)
        %dma_start3A_1035 = arith.constant 3 : i32
        %dma_start3A_1036 = arith.constant 3 : i32
        %dma_start3A_1037 = arith.constant 3 : i32
        %dma_start3A_1038 = arith.constant 3 : i32
        %dma_start3A_1039 = arith.constant 0 : i32
        %dma_start3A_1040 = arith.constant 0 : i32
        %dma_start3A_1041 = arith.constant 0 : i32
        %dma_start3A_1042 = tpu.memref_slice %arg6[%dma_start3A_1037, %dma_start3A_1039, %dma_start3A_1040, %dma_start3A_1041] : memref<4x4x200x32xf32, #tpu.memory_space<vmem>> -> memref<1x4x200x32xf32, #tpu.memory_space<vmem>>
        %dma_start3A_1043 = tpu.memref_squeeze %dma_start3A_1042 : memref<1x4x200x32xf32, #tpu.memory_space<vmem>> -> memref<4x200x32xf32, #tpu.memory_space<vmem>>
        %dma_start3A_1044 = arith.constant 0 : i32
        %dma_start3A_1045 = arith.constant 0 : i32
        %dma_start3A_1046 = tpu.memref_slice %dma_start3A_1043[%dma_start3A_1038, %dma_start3A_1044, %dma_start3A_1045] : memref<4x200x32xf32, #tpu.memory_space<vmem>> -> memref<1x200x32xf32, #tpu.memory_space<vmem>>
        %dma_start3A_1047 = tpu.memref_squeeze %dma_start3A_1046 : memref<1x200x32xf32, #tpu.memory_space<vmem>> -> memref<200x32xf32, #tpu.memory_space<vmem>>
        %dma_start3A_1048 = arith.constant 0 : i32
        %dma_start3A_1049 = arith.constant 0 : i32
        %dma_start3A_1050 = tpu.memref_slice %arg5[%dma_start3A_1035, %dma_start3A_1048, %dma_start3A_1049] : memref<4x4x200xi32, #tpu.memory_space<vmem>> -> memref<1x4x200xi32, #tpu.memory_space<vmem>>
        %dma_start3A_1051 = tpu.memref_squeeze %dma_start3A_1050 : memref<1x4x200xi32, #tpu.memory_space<vmem>> -> memref<4x200xi32, #tpu.memory_space<vmem>>
        %dma_start3A_1052 = arith.constant 0 : i32
        %dma_start3A_1053 = tpu.memref_slice %dma_start3A_1051[%dma_start3A_1036, %dma_start3A_1052] : memref<4x200xi32, #tpu.memory_space<vmem>> -> memref<1x200xi32, #tpu.memory_space<vmem>>
        %dma_start3A_1054 = tpu.memref_squeeze %dma_start3A_1053 : memref<1x200xi32, #tpu.memory_space<vmem>> -> memref<200xi32, #tpu.memory_space<vmem>>
        %dma_start3A_1055 = arith.constant 0 : i32
        %dma_start3A_1056 = arith.constant 0 : i32
        %dma_start3A_1057 = tpu.memref_slice %arg3[%dma_start3A_1055, %dma_start3A_1056] : memref<1000000x32xf32, #tpu.memory_space<hbm>> -> memref<1000000x32xf32, #tpu.memory_space<hbm>>
        tpu.enqueue_indirect_dma source(%dma_start3A_1057 : memref<1000000x32xf32, #tpu.memory_space<hbm>>) target(%dma_start3A_1047 : memref<200x32xf32, #tpu.memory_space<vmem>>) offsets(%dma_start3A_1054 : memref<200xi32, #tpu.memory_space<vmem>>) semaphore(%arg10 : memref<!tpu.dma_semaphore, #tpu.memory_space<semaphore_mem>>)
      } else {
      }
    }
    %scan3A_385 = arith.constant 8 : i32
    %add3A_386 = arith.constant 112 : i32
    %add3A_387 = arith.addi %mul3A_2, %add3A_386 : i32
    %dma_wait3A = arith.constant 0 : i32
    %dma_wait3A_388 = arith.constant 0 : i32
    %dma_wait3A_389 = arith.constant 0 : i32
    %dma_wait3A_390 = arith.constant 0 : i32
    %dma_wait3A_391 = tpu.memref_slice %arg6[%dma_wait3A, %dma_wait3A_388, %dma_wait3A_389, %dma_wait3A_390] : memref<4x4x200x32xf32, #tpu.memory_space<vmem>> -> memref<1x4x200x32xf32, #tpu.memory_space<vmem>>
    %dma_wait3A_392 = tpu.memref_squeeze %dma_wait3A_391 : memref<1x4x200x32xf32, #tpu.memory_space<vmem>> -> memref<4x200x32xf32, #tpu.memory_space<vmem>>
    %dma_wait3A_393 = arith.constant 0 : i32
    %dma_wait3A_394 = arith.constant 0 : i32
    %dma_wait3A_395 = tpu.memref_slice %arg4[%add3A_387, %dma_wait3A_393, %dma_wait3A_394] : memref<4096x200x32xf32, #tpu.memory_space<hbm>> -> memref<4x200x32xf32, #tpu.memory_space<hbm>>
    %dma_wait3A_396 = arith.constant 0 : i32
    %dma_wait3A_397 = arith.constant 0 : i32
    %dma_wait3A_398 = tpu.memref_slice %arg4[%add3A_387, %dma_wait3A_396, %dma_wait3A_397] : memref<4096x200x32xf32, #tpu.memory_space<hbm>> -> memref<4x200x32xf32, #tpu.memory_space<hbm>>
    %dma_wait3A_399 = arith.constant 0 : i32
    %dma_wait3A_400 = arith.constant 0 : i32
    %dma_wait3A_401 = arith.constant 0 : i32
    %dma_wait3A_402 = tpu.memref_slice %arg6[%dma_wait3A, %dma_wait3A_399, %dma_wait3A_400, %dma_wait3A_401] : memref<4x4x200x32xf32, #tpu.memory_space<vmem>> -> memref<1x4x200x32xf32, #tpu.memory_space<vmem>>
    %dma_wait3A_403 = tpu.memref_squeeze %dma_wait3A_402 : memref<1x4x200x32xf32, #tpu.memory_space<vmem>> -> memref<4x200x32xf32, #tpu.memory_space<vmem>>
    tpu.wait_dma2 semaphore(%arg11 : memref<!tpu.dma_semaphore, #tpu.memory_space<semaphore_mem>>) src(%dma_wait3A_403 : memref<4x200x32xf32, #tpu.memory_space<vmem>>) dst(%dma_wait3A_398 : memref<4x200x32xf32, #tpu.memory_space<hbm>>)
    %add3A_404 = arith.constant 116 : i32
    %add3A_405 = arith.addi %mul3A_2, %add3A_404 : i32
    %dma_wait3A_406 = arith.constant 1 : i32
    %dma_wait3A_407 = arith.constant 0 : i32
    %dma_wait3A_408 = arith.constant 0 : i32
    %dma_wait3A_409 = arith.constant 0 : i32
    %dma_wait3A_410 = tpu.memref_slice %arg6[%dma_wait3A_406, %dma_wait3A_407, %dma_wait3A_408, %dma_wait3A_409] : memref<4x4x200x32xf32, #tpu.memory_space<vmem>> -> memref<1x4x200x32xf32, #tpu.memory_space<vmem>>
    %dma_wait3A_411 = tpu.memref_squeeze %dma_wait3A_410 : memref<1x4x200x32xf32, #tpu.memory_space<vmem>> -> memref<4x200x32xf32, #tpu.memory_space<vmem>>
    %dma_wait3A_412 = arith.constant 0 : i32
    %dma_wait3A_413 = arith.constant 0 : i32
    %dma_wait3A_414 = tpu.memref_slice %arg4[%add3A_405, %dma_wait3A_412, %dma_wait3A_413] : memref<4096x200x32xf32, #tpu.memory_space<hbm>> -> memref<4x200x32xf32, #tpu.memory_space<hbm>>
    %dma_wait3A_415 = arith.constant 0 : i32
    %dma_wait3A_416 = arith.constant 0 : i32
    %dma_wait3A_417 = tpu.memref_slice %arg4[%add3A_405, %dma_wait3A_415, %dma_wait3A_416] : memref<4096x200x32xf32, #tpu.memory_space<hbm>> -> memref<4x200x32xf32, #tpu.memory_space<hbm>>
    %dma_wait3A_418 = arith.constant 0 : i32
    %dma_wait3A_419 = arith.constant 0 : i32
    %dma_wait3A_420 = arith.constant 0 : i32
    %dma_wait3A_421 = tpu.memref_slice %arg6[%dma_wait3A_406, %dma_wait3A_418, %dma_wait3A_419, %dma_wait3A_420] : memref<4x4x200x32xf32, #tpu.memory_space<vmem>> -> memref<1x4x200x32xf32, #tpu.memory_space<vmem>>
    %dma_wait3A_422 = tpu.memref_squeeze %dma_wait3A_421 : memref<1x4x200x32xf32, #tpu.memory_space<vmem>> -> memref<4x200x32xf32, #tpu.memory_space<vmem>>
    tpu.wait_dma2 semaphore(%arg12 : memref<!tpu.dma_semaphore, #tpu.memory_space<semaphore_mem>>) src(%dma_wait3A_422 : memref<4x200x32xf32, #tpu.memory_space<vmem>>) dst(%dma_wait3A_417 : memref<4x200x32xf32, #tpu.memory_space<hbm>>)
    %add3A_423 = arith.constant 120 : i32
    %add3A_424 = arith.addi %mul3A_2, %add3A_423 : i32
    %dma_wait3A_425 = arith.constant 2 : i32
    %dma_wait3A_426 = arith.constant 0 : i32
    %dma_wait3A_427 = arith.constant 0 : i32
    %dma_wait3A_428 = arith.constant 0 : i32
    %dma_wait3A_429 = tpu.memref_slice %arg6[%dma_wait3A_425, %dma_wait3A_426, %dma_wait3A_427, %dma_wait3A_428] : memref<4x4x200x32xf32, #tpu.memory_space<vmem>> -> memref<1x4x200x32xf32, #tpu.memory_space<vmem>>
    %dma_wait3A_430 = tpu.memref_squeeze %dma_wait3A_429 : memref<1x4x200x32xf32, #tpu.memory_space<vmem>> -> memref<4x200x32xf32, #tpu.memory_space<vmem>>
    %dma_wait3A_431 = arith.constant 0 : i32
    %dma_wait3A_432 = arith.constant 0 : i32
    %dma_wait3A_433 = tpu.memref_slice %arg4[%add3A_424, %dma_wait3A_431, %dma_wait3A_432] : memref<4096x200x32xf32, #tpu.memory_space<hbm>> -> memref<4x200x32xf32, #tpu.memory_space<hbm>>
    %dma_wait3A_434 = arith.constant 0 : i32
    %dma_wait3A_435 = arith.constant 0 : i32
    %dma_wait3A_436 = tpu.memref_slice %arg4[%add3A_424, %dma_wait3A_434, %dma_wait3A_435] : memref<4096x200x32xf32, #tpu.memory_space<hbm>> -> memref<4x200x32xf32, #tpu.memory_space<hbm>>
    %dma_wait3A_437 = arith.constant 0 : i32
    %dma_wait3A_438 = arith.constant 0 : i32
    %dma_wait3A_439 = arith.constant 0 : i32
    %dma_wait3A_440 = tpu.memref_slice %arg6[%dma_wait3A_425, %dma_wait3A_437, %dma_wait3A_438, %dma_wait3A_439] : memref<4x4x200x32xf32, #tpu.memory_space<vmem>> -> memref<1x4x200x32xf32, #tpu.memory_space<vmem>>
    %dma_wait3A_441 = tpu.memref_squeeze %dma_wait3A_440 : memref<1x4x200x32xf32, #tpu.memory_space<vmem>> -> memref<4x200x32xf32, #tpu.memory_space<vmem>>
    tpu.wait_dma2 semaphore(%arg13 : memref<!tpu.dma_semaphore, #tpu.memory_space<semaphore_mem>>) src(%dma_wait3A_441 : memref<4x200x32xf32, #tpu.memory_space<vmem>>) dst(%dma_wait3A_436 : memref<4x200x32xf32, #tpu.memory_space<hbm>>)
    %add3A_442 = arith.constant 124 : i32
    %add3A_443 = arith.addi %mul3A_2, %add3A_442 : i32
    %dma_wait3A_444 = arith.constant 3 : i32
    %dma_wait3A_445 = arith.constant 0 : i32
    %dma_wait3A_446 = arith.constant 0 : i32
    %dma_wait3A_447 = arith.constant 0 : i32
    %dma_wait3A_448 = tpu.memref_slice %arg6[%dma_wait3A_444, %dma_wait3A_445, %dma_wait3A_446, %dma_wait3A_447] : memref<4x4x200x32xf32, #tpu.memory_space<vmem>> -> memref<1x4x200x32xf32, #tpu.memory_space<vmem>>
    %dma_wait3A_449 = tpu.memref_squeeze %dma_wait3A_448 : memref<1x4x200x32xf32, #tpu.memory_space<vmem>> -> memref<4x200x32xf32, #tpu.memory_space<vmem>>
    %dma_wait3A_450 = arith.constant 0 : i32
    %dma_wait3A_451 = arith.constant 0 : i32
    %dma_wait3A_452 = tpu.memref_slice %arg4[%add3A_443, %dma_wait3A_450, %dma_wait3A_451] : memref<4096x200x32xf32, #tpu.memory_space<hbm>> -> memref<4x200x32xf32, #tpu.memory_space<hbm>>
    %dma_wait3A_453 = arith.constant 0 : i32
    %dma_wait3A_454 = arith.constant 0 : i32
    %dma_wait3A_455 = tpu.memref_slice %arg4[%add3A_443, %dma_wait3A_453, %dma_wait3A_454] : memref<4096x200x32xf32, #tpu.memory_space<hbm>> -> memref<4x200x32xf32, #tpu.memory_space<hbm>>
    %dma_wait3A_456 = arith.constant 0 : i32
    %dma_wait3A_457 = arith.constant 0 : i32
    %dma_wait3A_458 = arith.constant 0 : i32
    %dma_wait3A_459 = tpu.memref_slice %arg6[%dma_wait3A_444, %dma_wait3A_456, %dma_wait3A_457, %dma_wait3A_458] : memref<4x4x200x32xf32, #tpu.memory_space<vmem>> -> memref<1x4x200x32xf32, #tpu.memory_space<vmem>>
    %dma_wait3A_460 = tpu.memref_squeeze %dma_wait3A_459 : memref<1x4x200x32xf32, #tpu.memory_space<vmem>> -> memref<4x200x32xf32, #tpu.memory_space<vmem>>
    tpu.wait_dma2 semaphore(%arg14 : memref<!tpu.dma_semaphore, #tpu.memory_space<semaphore_mem>>) src(%dma_wait3A_460 : memref<4x200x32xf32, #tpu.memory_space<vmem>>) dst(%dma_wait3A_455 : memref<4x200x32xf32, #tpu.memory_space<hbm>>)
    return
  }
}

</mosaic_0001>

<sc_bundles>
// kernel: kernel.3.cloned.1.call-start
scs
__scs_entry_jumppad:
0x0: {  	(pc) =	sbr.rel $0x88, $3  }
0x1: {  	(tag) =	ssettag $0x0;
	lr =	simm.s32 $0x1  }
0x2: {  	[smem:$0x3F9F] =	sst lr;
	_ =	strace $0xD0000000  }
0x3: {  	_ = 	snop  }
0x4: {  	_ = 	snop  }
0x5: {  	_ = 	snop  }
0x6: {  	_ = 	snop  }
0x7: {  	_ = 	snop  }
__scs_overlays_trampoline_lowered:
0x8: {  	[smem:$0x3FAE] =	sst s0  }
0x9: {  	[smem:$0x3FAF] =	sst s1  }
0xa: {  	[smem:$0x3FB0] =	sst s2  }
0xb: {  	[smem:$0x3FB1] =	sst s3  }
0xc: {  	[smem:$0x3FB2] =	sst s4  }
0xd: {  	[smem:$0x3FB3] =	sst s5  }
0xe: {  	[smem:$0x3FB4] =	sst s6  }
0xf: {  	[smem:$0x3FB5] =	sst s7  }
0x10: {  	[smem:$0x3FB6] =	sst s8  }
0x11: {  	[smem:$0x3FB7] =	sst s9;
	s0 =	simm.s32 @!p0 $0x0  }
0x12: {  	s1 =	sld [smem:$0x3F9D];
	s0 =	simm.s32 @p0 $0x1  }
0x13: {  	[smem:$0x3FB8] =	sst s0;
	s0 =	simm.s32 @!p1 $0x0  }
0x14: {  	s2 =	sld [smem:$0x3F9C];
	s0 =	simm.s32 @p1 $0x1  }
0x15: {  	[smem:$0x3FB9] =	sst s0;
	s0 =	simm.s32 @!p2 $0x0  }
0x16: {  	s3 =	sld [smem:$0x3FDB];
	s0 =	simm.s32 @p2 $0x1  }
0x17: {  	s4 =	simm.s32 $0x1BF5;
	[smem:$0x3FBB] =	sst s0  }
0x18: {  	s0 =	sld [smem:$0x3F9E];
	_ =	swait.ge [sflag:s4], $0x0  }
0x19: {  	s7 =	sld [smem:$0x3F9F]  }
0x1a: {  	s8 =	sadd.s32 $0xFFFFE003, lr  }
0x1b: {  	s9 =	sadd.s32 $0xFFFFFEF7, lr;
	s5 =	simm.s32 $0xFFFFFFFF;
	p2 =	slt.u32 s8, $0xFFFFF086  }
0x1c: {  	p1 =	slt.u32 s9, $0xF7A;
	s5 =	simm.s32 @!p2 $0x0  }
0x1d: {  	s5 =	simm.s32 @p1 $0x1;
	p0 =	seq.s32 s7, s2  }
0x1e: {  	s7 =	smul.u32 @!p0 $0xF7A, s2;
	p2 =	seq.s32 @!p0 s5, $0x0  }
0x1f: {  	s9 =	smul.u32 $0xF7A, s1;
	s8 =	simm.s32 @!p0 $0x1BF5;
	p2 =	por !p2, p0  }
0x20: {  	[sflag:s8] =	ssyncset.s32 @!p0 $0xFFFFF086;
	s6 =	sadd.s32 @!p0 s3, s7;
	s7 =	simm.s32 @!p0 $0x108  }
0x21: {  	s3 =	sadd.s32 s3, s9;
	s6 =	sadd.s32 @!p0 $0x88, s6;
	s7 =	simm.s32 @p2 $0x1082  }
0x22: {  	[simem:s7], [sflag:s8] =	dma.local @!p0 [hbm:s6], $0xF7A  }
0x23: {  	s9 =	sor.u32 $0xD0000000, s2;
	s6 =	simm.s32 $0x108;
	_ =	swait.ge @!p0 [sflag:s8], $0x0  }
0x24: {  	s3 =	sadd.s32 $0x88, s3;
	s6 =	simm.s32 @!p1 $0x1082;
	[sflag:s4] =	ssyncset.s32 $0xFFFFF086  }
0x25: {  	[simem:s6], [sflag:s4] =	dma.local [hbm:s3], $0xF7A  }
0x26: {  	[smem:$0x3F9F] =	sst s1;
	(tag) =	ssettag s2;
	_ =	strace s9  }
0x27: {  	s1 =	sld [smem:$0x3FAF]  }
0x28: {  	s2 =	sld [smem:$0x3FB0]  }
0x29: {  	s4 =	sld [smem:$0x3FB2]  }
0x2a: {  	p0 =	seq.s32 s5, $0x0;
	s5 =	sld [smem:$0x3FB3]  }
0x2b: {  	s6 =	sld [smem:$0x3FB4]  }
0x2c: {  	s7 =	sld [smem:$0x3FB5]  }
0x2d: {  	s3 =	simm.s32 $0x108;
	s8 =	sld [smem:$0x3FB6]  }
0x2e: {  	s3 =	simm.s32 @!p0 $0x1082;
	s9 =	sld [smem:$0x3FB7]  }
0x2f: {  	lr =	sadd.s32 s0, s3;
	s0 =	sld [smem:$0x3FAE]  }
0x30: {  	s3 =	sld [smem:$0x3FB1]  }
0x31: {  	[smem:$0x3FBA] =	sst s10  }
0x32: {  	s10 =	sld [smem:$0x3FB8];
	_ =	sdelay $0x3  }
0x33: {  	p0 =	seq.s32 s10, $0x1;
	s10 =	sld [smem:$0x3FBA];
	_ =	sdelay $0x3  }
0x34: {  	[smem:$0x3FBA] =	sst s10  }
0x35: {  	s10 =	sld [smem:$0x3FB9];
	_ =	sdelay $0x3  }
0x36: {  	p1 =	seq.s32 s10, $0x1;
	s10 =	sld [smem:$0x3FBA];
	_ =	sdelay $0x3  }
0x37: {  	[smem:$0x3FBA] =	sst s10  }
0x38: {  	s10 =	sld [smem:$0x3FBB]  }
0x39: {  	_ = 	snop;
	(pc) =	sbr.ind lr, $3  }
0x3a: {  	_ = 	snop  }
0x3b: {  	_ = 	snop  }
0x3c: {  	p2 =	seq.s32 s10, $0x1;
	s10 =	sld [smem:$0x3FBA]  }
0x3d: {  	_ =	shalt  }
0x3e: {  	_ =	shalt  }
0x3f: {  	_ =	shalt  }
0x40: {  	_ =	shalt  }
0x41: {  	_ =	shalt  }
0x42: {  	_ =	shalt  }
0x43: {  	_ =	shalt  }
0x44: {  	_ =	shalt  }
0x45: {  	_ =	shalt  }
0x46: {  	_ =	shalt  }
0x47: {  	_ =	shalt  }
0x48: {  	_ =	shalt  }
0x49: {  	_ =	shalt  }
0x4a: {  	_ =	shalt  }
0x4b: {  	_ =	shalt  }
0x4c: {  	_ =	shalt  }
0x4d: {  	_ =	shalt  }
0x4e: {  	_ =	shalt  }
0x4f: {  	_ =	shalt  }
0x50: {  	_ =	shalt  }
0x51: {  	_ =	shalt  }
0x52: {  	_ =	shalt  }
0x53: {  	_ =	shalt  }
0x54: {  	_ =	shalt  }
0x55: {  	_ =	shalt  }
0x56: {  	_ =	shalt  }
0x57: {  	_ =	shalt  }
0x58: {  	_ =	shalt  }
0x59: {  	_ =	shalt  }
0x5a: {  	_ =	shalt  }
0x5b: {  	_ =	shalt  }
0x5c: {  	_ =	shalt  }
0x5d: {  	_ =	shalt  }
0x5e: {  	_ =	shalt  }
0x5f: {  	_ =	shalt  }
0x60: {  	_ =	shalt  }
0x61: {  	_ =	shalt  }
0x62: {  	_ =	shalt  }
0x63: {  	_ =	shalt  }
0x64: {  	_ =	shalt  }
0x65: {  	_ =	shalt  }
0x66: {  	_ =	shalt  }
0x67: {  	_ =	shalt  }
0x68: {  	_ =	shalt  }
0x69: {  	_ =	shalt  }
0x6a: {  	_ =	shalt  }
0x6b: {  	_ =	shalt  }
0x6c: {  	_ =	shalt  }
0x6d: {  	_ =	shalt  }
0x6e: {  	_ =	shalt  }
0x6f: {  	_ =	shalt  }
0x70: {  	_ =	shalt  }
0x71: {  	_ =	shalt  }
0x72: {  	_ =	shalt  }
0x73: {  	_ =	shalt  }
0x74: {  	_ =	shalt  }
0x75: {  	_ =	shalt  }
0x76: {  	_ =	shalt  }
0x77: {  	_ =	shalt  }
0x78: {  	_ =	shalt  }
0x79: {  	_ =	shalt  }
0x7a: {  	_ =	shalt  }
0x7b: {  	_ =	shalt  }
0x7c: {  	_ =	shalt  }
0x7d: {  	_ =	shalt  }
0x7e: {  	_ =	shalt  }
0x7f: {  	_ =	shalt  }
0x80: {  	_ =	shalt  }
0x81: {  	_ =	shalt  }
0x82: {  	_ =	shalt  }
0x83: {  	_ =	shalt  }
0x84: {  	_ =	shalt  }
0x85: {  	_ =	shalt  }
0x86: {  	_ =	shalt  }
0x87: {  	_ =	shalt  }
.Lfunc_end0:
.L_simem_size_0:
called_computation.1_lowered:
.L_overlay_start_0:
0x88: {  	s2 =	sld [smem:$0x3FD9]  }
0x89: {  	s3 =	sld [smem:$0x3FFE];
	_ =	sdelay $0x1  }
0x8a: {  	s1 =	srdreg.scid  }
0x8b: {  	s0 =	sand.u32 $0x1, s1  }
0x8c: {  	s17 =	sshll.u32 s0, $0xA;
	s2 =	sadd.s32 s3, s2  }
0x8d: {  	s2 =	sadd.s32 s2, s17  }
0x8e: {  	[smem:$0x3FC6] =	sst s2  }
0x8f: {  	_ = 	snop  }
0x90: {  	s2 =	sld [smem:$0x3FD0];
	(tm) =	ssettm $0x1  }
0x91: {  	s18 =	sld [smem:$0x3FFB];
	_ =	sdelay $0x3  }
0x92: {  	_ =	strace s18  }
0x93: {  	s3 =	sld [smem:$0x3FFC];
	_ =	sdelay $0x3  }
0x94: {  	_ =	strace s3  }
0x95: {  	s3 =	sld [smem:$0x3FFD];
	_ =	sdelay $0x3  }
0x96: {  	_ =	strace s3  }
0x97: {  	_ =	strace $0x8FFFFFFF  }
0x98: {  	s19 =	sld [smem:$0x3FDB];
	_ =	sdelay $0x1  }
0x99: {  	s4 =	simm.s32 $_scs_section_size  }
0x9a: {  	s5 =	simm.s32 $_size__tile_overlayer_lowered;
	s6 =	simm.s32 $_tile_overlayer_lowered  }
0x9b: {  	s22 =	simm.s32 $0x1BFF;
	s21 =	sshll.u32 s6, $0x1;
	s3 =	sadd.s32 s4, s19  }
0x9c: {  	s7 =	simm.s32 $0x0;
	s20 =	sshll.u32 s5, $0x1;
	s5 =	sadd.s32 s21, s3  }
0x9d: {  	[timem:s7], [sflag:s22] =	dma.local [hbm:s5], s20  }
0x9e: {  	_ =	swait.ge [sflag:s22], s20  }
0x9f: {  	s4 =	ssub.s32 $0x0, s20;
	[sflag:s22] =	ssyncset.done $0x0  }
0xa0: {  	[sflag:s22] =	ssyncadd.s32 s4;
	_ =	sdelay $0x1  }
0xa1: {  	s23 =	simm.s32 $0x1B8B  }
0xa2: {  	_ =	swait.ge [sflag:s23], $0x1  }
0xa3: {  	[sflag:s23] =	ssyncset.done $0x0  }
0xa4: {  	s25 =	simm.s32 $0x1B8E;
	s24 =	sld [smem:$0x3FFE];
	[sflag:s23] =	ssyncadd.s32 $0xFFFFFFFF  }
0xa5: {  	s26 =	simm.s32 $execute0_lowered;
	[smem:$0x3FD2] =	sst s25  }
0xa6: {  	s5 =	sshll.u32 s26, $0x1;
	_ =	strace $0x80000046;
	[dreg:$0x1] =	wrdreg $0xFFFFFFFF  }
0xa7: {  	s28 =	simm.s32 $_size_execute0_lowered;
	s3 =	sadd.s32 s3, s5;
	[dreg:$0x0] =	wrdreg $0x0  }
0xa8: {  	s5 =	sshll.u32 s28, $0x1;
	[dreg:$0x2] =	wrdreg s3  }
0xa9: {  	[dreg:$0x3] =	wrdreg s5  }
0xaa: {  	[dreg:$0x4] =	wrdreg $0xC0  }
0xab: {  	_ =	task [dreg:s7], $0x5FFFF  }
0xac: {  	[dreg:$0x1] =	wrdreg $0xFFFFFFFF  }
0xad: {  	[dreg:$0x0] =	wrdreg $0x60  }
0xae: {  	[dreg:$0x2] =	wrdreg s24  }
0xaf: {  	[dreg:$0x3] =	wrdreg s2  }
0xb0: {  	[dreg:$0x4] =	wrdreg $0x9  }
0xb1: {  	_ =	task.clear_ibuf [dreg:s7], $0x5FFFF;
	_ =	strace $0x90000046  }
0xb2: {  	s29 =	simm.s32 $0x9;
	_ =	strace $0x80000048  }
0xb3: {  	_ =	swait.ge [sflag:s29], $0x1  }
0xb4: {  	[sflag:s29] =	ssyncadd.s32 $0xFFFFFFFF  }
0xb5: {  	_ =	strace $0x90000048  }
0xb6: {  	_ =	sfence  }
0xb7: {  	s30 =	sld [smem:$0x0];
	_ =	sdelay $0x2  }
0xb8: {  	s31 =	sshll.u32 s1, $0xD;
	s1 =	sshrl.u32 s1, $0x2  }
0xb9: {  	s3 =	sand.u32 $0x4000, s31;
	s1 =	sadd.s32 s1, s30  }
0xba: {  	s0 =	sor.u32 s3, s0;
	s1 =	sshll.u32 s1, $0x11  }
0xbb: {  	s0 =	sor.u32 s1, s0  }
0xbc: {  	s0 =	sadd.s32 $0x8F2B, s0  }
0xbd: {  	[sflag:s0] =	ssyncadd.remote.s32 $0x1  }
0xbe: {  	_ =	sfence.sel $0xFFFF  }
0xbf: {  	[dreg:$0x0] =	wrdreg $0xFFFFFFFF;
	(pc) =	sbr.abs _section_cstart, $3  }
0xc0: {  	[dreg:$0x1] =	wrdreg $0xFFFFFFFF  }
0xc1: {  	_ =	task.clear_ibuf [dreg:s7], $0x2FFFF;
	_ =	strace $0x9FFFFFFF  }
0xc2: {  	(tm) =	ssettm $0x7FFFFFFF  }
0xc3: {  	_ =	shalt  }
tec
execute0_lowered:
.L_overlay_start_1:
0x0: {  	(tag) =	ssettag $0x1  }
0x1: {  	s0 =	rddreg [dreg:$0x0]  }
0x2: {  	s1 =	rddreg [dreg:$0x1];
	s3 =	srdreg.scid  }
0x3: {  	s2 =	simm.s32 $0x0;
	s9 =	stileid.u32;
	s11 =	simm.s32 $0x9  }
0x4: {  	s12 =	simm.s32 $0xC8;
	s13 =	simm.s32 $0xC80;
	s29 =	simm.s32 $0xD480  }
0x5: {  	s16 =	simm.s32 $0x960;
	s17 =	simm.s32 $0x13880;
	s30 =	simm.s32 $0x2  }
0x6: {  	s31 =	simm.s32 $0x3;
	s15 =	simm.s32 $0x7;
	s4 =	sand.u32 $0x1, s3  }
0x7: {  	[smem:$0x7FF] =	sst s2;
	s18 =	sshll.u32 s9, $0x8;
	s21 =	smul.u32 $0x1900, s9  }
0x8: {  	s6 =	sadd.s32 $0xA00, s0;
	s3 =	sadd.s32 $0xF42E00, s0;
	s25 =	smul.u32 $0x32000, s9  }
0x9: {  	s5 =	sshll.u32 s4, $0x7;
	_ =	strace $0x80000047;
	s23 =	smul.u32 $0xC80, s4  }
0xa: {  	s7 =	ssub.s32 $0x2, s4;
	s4 =	smul.u32 $0x19000, s4;
	s5 =	sor.u32 s5, s18  }
0xb: {  	s19 =	sshrl.u32 s7, $0x1;
	s26 =	sadd.s32 s21, s6;
	s28 =	sadd.s32 s25, s1  }
0xc: {  	s18 =	simm.s32 $0xA28;
	s21 =	simm.s32 $0x15180;
	s8 =	smul.u32 $0xC8, s5  }
0xd: {  	s25 =	simm.s32 $0x18380;
	s5 =	smul.u32 $0x19, s5;
	s0 =	ssub.s32 s7, s19  }
0xe: {  	s9 =	sadd.s32 s23, s26;
	s23 =	simm.s32 $0x16A80;
	s26 =	simm.s32 $0x1  }
0xf: {  	s0 =	smax.u32 s0, $0x1;
	s20 =	sshrl.u32 s8, $0x3;
	s10 =	sadd.s32 s6, s5  }
0x10: {  	[dreg:$0x7] =	wrdreg s0;
	s0 =	sadd.s32 s4, s28;
	s22 =	sadd.s32 s6, s20  }
.Ltmp0:
0x11: {  	[dreg:$0x3] =	wrdreg s10;
	s10 =	sadd.s32 $0x64, s10;
	(pc) =	sbr.rel .LBB2_1-.Ltmp0, $4  }
0x12: {  	[dreg:$0x8] =	wrdreg s0;
	s20 =	simm.s32 $0x7080;
	s0 =	simm.s32 $0x4  }
0x13: {  	s6 =	simm.s32 $0x0;
	[dreg:$0x4] =	wrdreg s10;
	s24 =	sadd.s32 $0xC8, s22  }
0x14: {  	s5 =	sadd.s32 $0x12C, s22;
	s22 =	simm.s32 $0xAF0;
	[dreg:$0x5] =	wrdreg s24  }
0x15: {  	[dreg:$0x6] =	wrdreg s5;
	s24 =	simm.s32 $0xBB8;
	s5 =	simm.s32 $0x8  }
.LBB2_4:
0x16: {  	s1 =	simm.s32 $0x5  }
0x17: {  	_ =	swait.ge [sflag:s1], $0x6400  }
0x18: {  	[sflag:s1] =	ssyncset.done $0x0  }
0x19: {  	s19 =	simm.s32 $0x6;
	[sflag:s1] =	ssyncadd.s32 $0xFFFF9C00  }
0x1a: {  	_ =	swait.ge [sflag:s19], $0x6400  }
0x1b: {  	[sflag:s19] =	ssyncset.done $0x0  }
0x1c: {  	[sflag:s19] =	ssyncadd.s32 $0xFFFF9C00  }
0x1d: {  	_ =	swait.ge [sflag:s15], $0x6400  }
0x1e: {  	[sflag:s15] =	ssyncset.done $0x0  }
0x1f: {  	[sflag:s15] =	ssyncadd.s32 $0xFFFF9C00  }
0x20: {  	_ =	swait.ge [sflag:s5], $0x6400  }
0x21: {  	s6 =	sadd.s32 $0x1, s6;
	s28 =	rddreg [dreg:$0x7]  }
0x22: {  	p0 =	sne.s32 s6, s28  }
.Ltmp1:
0x23: {  	_ = 	snop;
	(pc) =	sbr.rel @!p0 .LBB2_5-.Ltmp1, $3  }
0x24: {  	_ =	sdelay $0x1  }
0x25: {  	[sflag:s5] =	ssyncset.done $0x0  }
0x26: {  	[sflag:s5] =	ssyncadd.s32 $0xFFFF9C00  }
.LBB2_1:
0x27: {  	s1 =	rddreg [dreg:$0x3]  }
0x28: {  	[tilespmem:s2], [sflag:$0x9] =	stream.linear.gather [hbm4b:s1+s2], $0x320, $0x38;
	[tilespmem:$0x19C80] =	vst v63  }
0x29: {  	_ =	swait.ge [sflag:s11], $0x320  }
0x2a: {  	[sflag:s11] =	ssyncset.done $0x0  }
0x2b: {  	[sflag:s11] =	ssyncadd.s32 $0xFFFFFCE0  }
0x2c: {  	[tilespmem:s13], [sflag:$0x1] =	stream.indirect.gather [hbm4b:s3+s12], $0x20, s2, s12, $0xb8;
	[tilespmem:$0x19C80] =	vst v63  }
0x2d: {  	s19 =	simm.s32 $0x2580  }
0x2e: {  	[tilespmem:s19], [sflag:$0x1] =	stream.indirect.gather [hbm4b:s3+s12], $0x20, s12, s12, $0xb8;
	[tilespmem:$0x19C80] =	vst v63  }
0x2f: {  	s28 =	simm.s32 $0x190;
	s4 =	simm.s32 $0x3E80  }
0x30: {  	[tilespmem:s4], [sflag:$0x1] =	stream.indirect.gather [hbm4b:s3+s12], $0x20, s28, s12, $0xb8;
	[tilespmem:$0x19C80] =	vst v63  }
0x31: {  	s7 =	simm.s32 $0x258;
	s8 =	simm.s32 $0x5780  }
0x32: {  	[tilespmem:s8], [sflag:$0x1] =	stream.indirect.gather [hbm4b:s3+s12], $0x20, s7, s12, $0xb8;
	[tilespmem:$0x19C80] =	vst v63  }
0x33: {  	s14 =	simm.s32 $0x320;
	s10 =	rddreg [dreg:$0x4]  }
0x34: {  	[tilespmem:s14], [sflag:$0x9] =	stream.linear.gather [hbm4b:s10+s2], $0x320, $0x38;
	[tilespmem:$0x19C80] =	vst v63  }
0x35: {  	_ =	swait.ge [sflag:s11], $0x320  }
0x36: {  	[sflag:s11] =	ssyncset.done $0x0  }
0x37: {  	[sflag:s11] =	ssyncadd.s32 $0xFFFFFCE0  }
0x38: {  	[tilespmem:s20], [sflag:$0x2] =	stream.indirect.gather [hbm4b:s3+s12], $0x20, s14, s12, $0xb8;
	[tilespmem:$0x19C80] =	vst v63  }
0x39: {  	s19 =	simm.s32 $0x3E8;
	s28 =	simm.s32 $0x8980  }
0x3a: {  	[tilespmem:s28], [sflag:$0x2] =	stream.indirect.gather [hbm4b:s3+s12], $0x20, s19, s12, $0xb8;
	[tilespmem:$0x19C80] =	vst v63  }
0x3b: {  	s7 =	simm.s32 $0x4B0;
	s8 =	simm.s32 $0xA280  }
0x3c: {  	[tilespmem:s8], [sflag:$0x2] =	stream.indirect.gather [hbm4b:s3+s12], $0x20, s7, s12, $0xb8;
	[tilespmem:$0x19C80] =	vst v63  }
0x3d: {  	s10 =	simm.s32 $0x578;
	s14 =	simm.s32 $0xBB80  }
0x3e: {  	[tilespmem:s14], [sflag:$0x2] =	stream.indirect.gather [hbm4b:s3+s12], $0x20, s10, s12, $0xb8;
	[tilespmem:$0x19C80] =	vst v63  }
0x3f: {  	s19 =	rddreg [dreg:$0x5];
	s28 =	simm.s32 $0x640  }
0x40: {  	[tilespmem:s28], [sflag:$0x9] =	stream.linear.gather [hbm4b:s19+s2], $0x320, $0x38;
	[tilespmem:$0x19C80] =	vst v63  }
0x41: {  	_ =	swait.ge [sflag:s11], $0x320  }
0x42: {  	[sflag:s11] =	ssyncset.done $0x0  }
0x43: {  	[sflag:s11] =	ssyncadd.s32 $0xFFFFFCE0  }
0x44: {  	[tilespmem:s29], [sflag:$0x3] =	stream.indirect.gather [hbm4b:s3+s12], $0x20, s28, s12, $0xb8;
	[tilespmem:$0x19C80] =	vst v63  }
0x45: {  	s4 =	simm.s32 $0x708;
	s7 =	simm.s32 $0xED80  }
0x46: {  	[tilespmem:s7], [sflag:$0x3] =	stream.indirect.gather [hbm4b:s3+s12], $0x20, s4, s12, $0xb8;
	[tilespmem:$0x19C80] =	vst v63  }
0x47: {  	s8 =	simm.s32 $0x7D0;
	s10 =	simm.s32 $0x10680  }
0x48: {  	[tilespmem:s10], [sflag:$0x3] =	stream.indirect.gather [hbm4b:s3+s12], $0x20, s8, s12, $0xb8;
	[tilespmem:$0x19C80] =	vst v63  }
0x49: {  	s14 =	simm.s32 $0x898;
	s19 =	simm.s32 $0x11F80  }
0x4a: {  	[tilespmem:s19], [sflag:$0x3] =	stream.indirect.gather [hbm4b:s3+s12], $0x20, s14, s12, $0xb8;
	[tilespmem:$0x19C80] =	vst v63  }
0x4b: {  	s28 =	rddreg [dreg:$0x6]  }
0x4c: {  	[tilespmem:s16], [sflag:$0x9] =	stream.linear.gather [hbm4b:s28+s2], $0x320, $0x38;
	[tilespmem:$0x19C80] =	vst v63  }
0x4d: {  	_ =	swait.ge [sflag:s11], $0x320  }
0x4e: {  	[sflag:s11] =	ssyncset.done $0x0  }
0x4f: {  	[sflag:s11] =	ssyncadd.s32 $0xFFFFFCE0  }
0x50: {  	[tilespmem:s17], [sflag:$0x4] =	stream.indirect.gather [hbm4b:s3+s12], $0x20, s16, s12, $0xb8;
	[tilespmem:$0x19C80] =	vst v63  }
0x51: {  	_ = 	snop  }
0x52: {  	[tilespmem:s21], [sflag:$0x4] =	stream.indirect.gather [hbm4b:s3+s12], $0x20, s18, s12, $0xb8;
	[tilespmem:$0x19C80] =	vst v63  }
0x53: {  	_ = 	snop  }
0x54: {  	[tilespmem:s23], [sflag:$0x4] =	stream.indirect.gather [hbm4b:s3+s12], $0x20, s22, s12, $0xb8;
	[tilespmem:$0x19C80] =	vst v63  }
0x55: {  	s4 =	simm.s32 $0x0;
	s10 =	rddreg [dreg:$0x8]  }
0x56: {  	[tilespmem:s25], [sflag:$0x4] =	stream.indirect.gather [hbm4b:s3+s12], $0x20, s24, s12, $0xb8;
	[tilespmem:$0x19C80] =	vst v63  }
.LBB2_2:
0x57: {  	_ =	swait.ge [sflag:s26], $0x1900  }
0x58: {  	[sflag:s26] =	ssyncset.done $0x0  }
0x59: {  	[sflag:s26] =	ssyncadd.s32 $0xFFFFE700  }
0x5a: {  	_ =	swait.ge [sflag:s26], $0x1900  }
0x5b: {  	[sflag:s26] =	ssyncset.done $0x0  }
0x5c: {  	[sflag:s26] =	ssyncadd.s32 $0xFFFFE700  }
0x5d: {  	_ =	swait.ge [sflag:s26], $0x1900  }
0x5e: {  	[sflag:s26] =	ssyncset.done $0x0  }
0x5f: {  	[sflag:s26] =	ssyncadd.s32 $0xFFFFE700  }
0x60: {  	_ =	swait.ge [sflag:s26], $0x1900  }
0x61: {  	p0 =	seq.s32 s4, $0xAF0;
	[sflag:s26] =	ssyncset.done $0x0  }
0x62: {  	s8 =	simm.s32 @!p0 $0x5;
	[sflag:s26] =	ssyncadd.s32 $0xFFFFE700  }
0x63: {  	[hbm4b:s10+s2] =	stream.linear.scatter [tilespmem:s13], [sflag:$0x5], $0x6400, $0x38;
	[tilespmem:$0x19C80] =	vst v63  }
0x64: {  	_ =	swait.ge @!p0 [sflag:s8], $0x6400  }
0x65: {  	s7 =	sadd.s32 @!p0 s4, s9;
	s28 =	simm.s32 @!p0 $0x0;
	[sflag:s8] =	ssyncset.done @!p0 $0x0  }
0x66: {  	s19 =	simm.s32 @!p0 $0x9;
	[sflag:s8] =	ssyncadd.s32 @!p0 $0xFFFF9C00;
	s8 =	sadd.s32 @!p0 $0x190, s7  }
0x67: {  	[tilespmem:s28], [sflag:$0x9] =	stream.linear.gather @!p0 [hbm4b:s8+s28], $0x320, $0x38;
	[tilespmem:$0x19C80] =	vst v63  }
0x68: {  	_ =	swait.ge @!p0 [sflag:s19], $0x320  }
0x69: {  	[sflag:s19] =	ssyncset.done @!p0 $0x0  }
0x6a: {  	s1 =	simm.s32 @!p0 $0xC80;
	s8 =	simm.s32 @!p0 $0xC8;
	[sflag:s19] =	ssyncadd.s32 @!p0 $0xFFFFFCE0  }
0x6b: {  	[tilespmem:s1], [sflag:$0x1] =	stream.indirect.gather @!p0 [hbm4b:s3+s8], $0x20, s28, s8, $0xb8;
	[tilespmem:$0x19C80] =	vst v63  }
0x6c: {  	s1 =	simm.s32 @!p0 $0x2580  }
0x6d: {  	[tilespmem:s1], [sflag:$0x1] =	stream.indirect.gather @!p0 [hbm4b:s3+s8], $0x20, s8, s8, $0xb8;
	[tilespmem:$0x19C80] =	vst v63  }
0x6e: {  	s14 =	simm.s32 @!p0 $0x3E80;
	s1 =	simm.s32 @!p0 $0x190  }
0x6f: {  	[tilespmem:s14], [sflag:$0x1] =	stream.indirect.gather @!p0 [hbm4b:s3+s8], $0x20, s1, s8, $0xb8;
	[tilespmem:$0x19C80] =	vst v63  }
0x70: {  	s1 =	simm.s32 @!p0 $0x258;
	s14 =	simm.s32 @!p0 $0x5780  }
0x71: {  	[tilespmem:s14], [sflag:$0x1] =	stream.indirect.gather @!p0 [hbm4b:s3+s8], $0x20, s1, s8, $0xb8;
	[tilespmem:$0x19C80] =	vst v63  }
0x72: {  	_ =	swait.ge [sflag:s30], $0x1900  }
0x73: {  	[sflag:s30] =	ssyncset.done $0x0  }
0x74: {  	[sflag:s30] =	ssyncadd.s32 $0xFFFFE700  }
0x75: {  	_ =	swait.ge [sflag:s30], $0x1900  }
0x76: {  	[sflag:s30] =	ssyncset.done $0x0  }
0x77: {  	[sflag:s30] =	ssyncadd.s32 $0xFFFFE700  }
0x78: {  	_ =	swait.ge [sflag:s30], $0x1900  }
0x79: {  	[sflag:s30] =	ssyncset.done $0x0  }
0x7a: {  	[sflag:s30] =	ssyncadd.s32 $0xFFFFE700  }
0x7b: {  	_ =	swait.ge [sflag:s30], $0x1900  }
0x7c: {  	[sflag:s30] =	ssyncset.done $0x0  }
0x7d: {  	s14 =	sadd.s32 $0xC80, s10;
	s1 =	simm.s32 @!p0 $0x6;
	[sflag:s30] =	ssyncadd.s32 $0xFFFFE700  }
0x7e: {  	[hbm4b:s14+s2] =	stream.linear.scatter [tilespmem:s20], [sflag:$0x6], $0x6400, $0x38;
	[tilespmem:$0x19C80] =	vst v63  }
0x7f: {  	_ =	swait.ge @!p0 [sflag:s1], $0x6400  }
0x80: {  	[sflag:s1] =	ssyncset.done @!p0 $0x0  }
0x81: {  	s14 =	simm.s32 @!p0 $0x320;
	[sflag:s1] =	ssyncadd.s32 @!p0 $0xFFFF9C00;
	s1 =	sadd.s32 @!p0 $0x1F4, s7  }
0x82: {  	[tilespmem:s14], [sflag:$0x9] =	stream.linear.gather @!p0 [hbm4b:s1+s28], $0x320, $0x38;
	[tilespmem:$0x19C80] =	vst v63  }
0x83: {  	_ =	swait.ge @!p0 [sflag:s19], $0x320  }
0x84: {  	[sflag:s19] =	ssyncset.done @!p0 $0x0  }
0x85: {  	s1 =	simm.s32 @!p0 $0x7080;
	[sflag:s19] =	ssyncadd.s32 @!p0 $0xFFFFFCE0  }
0x86: {  	[tilespmem:s1], [sflag:$0x2] =	stream.indirect.gather @!p0 [hbm4b:s3+s8], $0x20, s14, s8, $0xb8;
	[tilespmem:$0x19C80] =	vst v63  }
0x87: {  	s1 =	simm.s32 @!p0 $0x3E8;
	s14 =	simm.s32 @!p0 $0x8980  }
0x88: {  	[tilespmem:s14], [sflag:$0x2] =	stream.indirect.gather @!p0 [hbm4b:s3+s8], $0x20, s1, s8, $0xb8;
	[tilespmem:$0x19C80] =	vst v63  }
0x89: {  	s1 =	simm.s32 @!p0 $0x4B0;
	s14 =	simm.s32 @!p0 $0xA280  }
0x8a: {  	[tilespmem:s14], [sflag:$0x2] =	stream.indirect.gather @!p0 [hbm4b:s3+s8], $0x20, s1, s8, $0xb8;
	[tilespmem:$0x19C80] =	vst v63  }
0x8b: {  	s1 =	simm.s32 @!p0 $0x578;
	s14 =	simm.s32 @!p0 $0xBB80  }
0x8c: {  	[tilespmem:s14], [sflag:$0x2] =	stream.indirect.gather @!p0 [hbm4b:s3+s8], $0x20, s1, s8, $0xb8;
	[tilespmem:$0x19C80] =	vst v63  }
0x8d: {  	_ =	swait.ge [sflag:s31], $0x1900  }
0x8e: {  	[sflag:s31] =	ssyncset.done $0x0  }
0x8f: {  	[sflag:s31] =	ssyncadd.s32 $0xFFFFE700  }
0x90: {  	_ =	swait.ge [sflag:s31], $0x1900  }
0x91: {  	[sflag:s31] =	ssyncset.done $0x0  }
0x92: {  	[sflag:s31] =	ssyncadd.s32 $0xFFFFE700  }
0x93: {  	_ =	swait.ge [sflag:s31], $0x1900  }
0x94: {  	[sflag:s31] =	ssyncset.done $0x0  }
0x95: {  	[sflag:s31] =	ssyncadd.s32 $0xFFFFE700  }
0x96: {  	_ =	swait.ge [sflag:s31], $0x1900  }
0x97: {  	[sflag:s31] =	ssyncset.done $0x0  }
0x98: {  	s14 =	sadd.s32 $0x1900, s10;
	s1 =	simm.s32 @!p0 $0x7;
	[sflag:s31] =	ssyncadd.s32 $0xFFFFE700  }
0x99: {  	[hbm4b:s14+s2] =	stream.linear.scatter [tilespmem:s29], [sflag:$0x7], $0x6400, $0x38;
	[tilespmem:$0x19C80] =	vst v63  }
0x9a: {  	_ =	swait.ge @!p0 [sflag:s1], $0x6400  }
0x9b: {  	[sflag:s1] =	ssyncset.done @!p0 $0x0  }
0x9c: {  	[sflag:s1] =	ssyncadd.s32 @!p0 $0xFFFF9C00;
	s1 =	sadd.s32 @!p0 $0x258, s7;
	s7 =	simm.s32 @!p0 $0x640  }
0x9d: {  	[tilespmem:s7], [sflag:$0x9] =	stream.linear.gather @!p0 [hbm4b:s1+s28], $0x320, $0x38;
	[tilespmem:$0x19C80] =	vst v63  }
0x9e: {  	_ =	swait.ge @!p0 [sflag:s19], $0x320  }
0x9f: {  	[sflag:s19] =	ssyncset.done @!p0 $0x0  }
0xa0: {  	s1 =	simm.s32 @!p0 $0xD480;
	[sflag:s19] =	ssyncadd.s32 @!p0 $0xFFFFFCE0  }
0xa1: {  	[tilespmem:s1], [sflag:$0x3] =	stream.indirect.gather @!p0 [hbm4b:s3+s8], $0x20, s7, s8, $0xb8;
	[tilespmem:$0x19C80] =	vst v63  }
0xa2: {  	s1 =	simm.s32 @!p0 $0x708;
	s7 =	simm.s32 @!p0 $0xED80  }
0xa3: {  	[tilespmem:s7], [sflag:$0x3] =	stream.indirect.gather @!p0 [hbm4b:s3+s8], $0x20, s1, s8, $0xb8;
	[tilespmem:$0x19C80] =	vst v63  }
0xa4: {  	s1 =	simm.s32 @!p0 $0x7D0;
	s7 =	simm.s32 @!p0 $0x10680  }
0xa5: {  	[tilespmem:s7], [sflag:$0x3] =	stream.indirect.gather @!p0 [hbm4b:s3+s8], $0x20, s1, s8, $0xb8;
	[tilespmem:$0x19C80] =	vst v63  }
0xa6: {  	s1 =	simm.s32 @!p0 $0x898;
	s7 =	simm.s32 @!p0 $0x11F80  }
0xa7: {  	[tilespmem:s7], [sflag:$0x3] =	stream.indirect.gather @!p0 [hbm4b:s3+s8], $0x20, s1, s8, $0xb8;
	[tilespmem:$0x19C80] =	vst v63  }
0xa8: {  	_ =	swait.ge [sflag:s0], $0x1900  }
0xa9: {  	[sflag:s0] =	ssyncset.done $0x0  }
0xaa: {  	[sflag:s0] =	ssyncadd.s32 $0xFFFFE700  }
0xab: {  	_ =	swait.ge [sflag:s0], $0x1900  }
0xac: {  	[sflag:s0] =	ssyncset.done $0x0  }
0xad: {  	[sflag:s0] =	ssyncadd.s32 $0xFFFFE700  }
0xae: {  	_ =	swait.ge [sflag:s0], $0x1900  }
0xaf: {  	[sflag:s0] =	ssyncset.done $0x0  }
.Ltmp2:
0xb0: {  	[sflag:s0] =	ssyncadd.s32 $0xFFFFE700;
	(pc) =	sbr.rel @p0 .LBB2_4-.Ltmp2, $4  }
0xb1: {  	_ =	swait.ge [sflag:s0], $0x1900  }
0xb2: {  	[sflag:s0] =	ssyncset.done $0x0  }
0xb3: {  	s28 =	sadd.s32 $0x2580, s10;
	[sflag:s0] =	ssyncadd.s32 $0xFFFFE700  }
0xb4: {  	[hbm4b:s28+s2] =	stream.linear.scatter [tilespmem:s17], [sflag:$0x8], $0x6400, $0x38;
	[tilespmem:$0x19C80] =	vst v63  }
0xb5: {  	_ =	swait.ge [sflag:s5], $0x6400  }
0xb6: {  	s1 =	sadd.s32 s4, s9;
	[sflag:s5] =	ssyncset.done $0x0  }
0xb7: {  	s1 =	sadd.s32 $0x2BC, s1;
	[sflag:s5] =	ssyncadd.s32 $0xFFFF9C00  }
0xb8: {  	[tilespmem:s16], [sflag:$0x9] =	stream.linear.gather [hbm4b:s1+s2], $0x320, $0x38;
	[tilespmem:$0x19C80] =	vst v63  }
0xb9: {  	_ =	swait.ge [sflag:s11], $0x320  }
0xba: {  	[sflag:s11] =	ssyncset.done $0x0  }
0xbb: {  	[sflag:s11] =	ssyncadd.s32 $0xFFFFFCE0  }
0xbc: {  	[tilespmem:s17], [sflag:$0x4] =	stream.indirect.gather [hbm4b:s3+s12], $0x20, s16, s12, $0xb8;
	[tilespmem:$0x19C80] =	vst v63  }
0xbd: {  	_ = 	snop  }
0xbe: {  	[tilespmem:s21], [sflag:$0x4] =	stream.indirect.gather [hbm4b:s3+s12], $0x20, s18, s12, $0xb8;
	[tilespmem:$0x19C80] =	vst v63  }
.Ltmp3:
0xbf: {  	_ = 	snop;
	(pc) =	sbr.rel .LBB2_2-.Ltmp3, $4  }
0xc0: {  	_ = 	snop  }
0xc1: {  	[tilespmem:s23], [sflag:$0x4] =	stream.indirect.gather [hbm4b:s3+s12], $0x20, s22, s12, $0xb8;
	[tilespmem:$0x19C80] =	vst v63  }
0xc2: {  	s4 =	sadd.s32 $0x190, s4;
	s10 =	sadd.s32 $0x3200, s10  }
0xc3: {  	[tilespmem:s25], [sflag:$0x4] =	stream.indirect.gather [hbm4b:s3+s12], $0x20, s24, s12, $0xb8;
	[tilespmem:$0x19C80] =	vst v63  }
.LBB2_5:
0xc4: {  	_ =	sfence.sel $0x180000  }
0xc5: {  	[bflag:$0x0] =	sbarrier.arrive $0xFFFF  }
0xc6: {  	_ =	strace $0x90000047  }
0xc7: {  	s0 =	stileid.u32;
	[bflag:$0x2] =	sbarrier.arrive $0xFFFF  }
0xc8: {  	p0 =	sne.s32 s0, $0x0;
	s0 =	rddreg [dreg:$0x2]  }
0xc9: {  	s0 =	sadd.s32 @!p0 $0x100000, s0  }
0xca: {  	[sflag:s0] =	ssyncadd.tile.s32 @!p0 $0x1;
	_ =	shalt  }
.Lfunc_end2:
_tile_overlayer_lowered:
.L_overlay_start_2:
0xcb: {  	(tag) =	ssettag $0x2  }
0xcc: {  	s0 =	rddreg [dreg:$0x0];
	s2 =	stileid.u32  }
0xcd: {  	s1 =	rddreg [dreg:$0x1];
	p0 =	sne.s32 s2, $0x0  }
0xce: {  	s3 =	rddreg [dreg:$0x2];
	[bflag:$0x3] =	sbarrier.arrive $0xFFFF;
	s2 =	simm.s32 @!p0 $0x1C09  }
0xcf: {  	[timem:s3], [sflag:s2] =	dma.local @!p0 [hbm:s0], s1  }
0xd0: {  	s0 =	simm.s32 @!p0 $0x9  }
0xd1: {  	_ =	swait.ge @!p0 [sflag:s0], s1  }
0xd2: {  	s1 =	ssub.s32 @!p0 $0x0, s1;
	[sflag:s0] =	ssyncset.done @!p0 $0x0  }
0xd3: {  	[sflag:s0] =	ssyncadd.s32 @!p0 s1  }
0xd4: {  	[bflag:$0x3] =	sbarrier.arrive $0xFFFF  }
0xd5: {  	_ =	shalt  }

// kernel: sparse-core-data-format-call.cloned.1.call-start
scs
called_computation_lowered:
.L_overlay_start_0:
0x0: {  	s2 =	sld [smem:$0x3FD9]  }
0x1: {  	s3 =	sld [smem:$0x3FFE];
	_ =	sdelay $0x1  }
0x2: {  	s1 =	srdreg.scid  }
0x3: {  	s0 =	sand.u32 $0x1, s1  }
0x4: {  	s18 =	sshll.u32 s0, $0xA;
	s2 =	sadd.s32 s3, s2  }
0x5: {  	s2 =	sadd.s32 s2, s18  }
0x6: {  	[smem:$0x3FC6] =	sst s2  }
0x7: {  	_ = 	snop  }
0x8: {  	s2 =	sld [smem:$0x3FD0];
	(tm) =	ssettm $0x1  }
0x9: {  	s19 =	sld [smem:$0x3FFB];
	_ =	sdelay $0x3  }
0xa: {  	_ =	strace s19  }
0xb: {  	s3 =	sld [smem:$0x3FFC];
	_ =	sdelay $0x3  }
0xc: {  	_ =	strace s3  }
0xd: {  	s3 =	sld [smem:$0x3FFD];
	_ =	sdelay $0x3  }
0xe: {  	_ =	strace s3  }
0xf: {  	_ =	strace $0x8FFFFFFF  }
0x10: {  	s20 =	sld [smem:$0x3FDB];
	_ =	sdelay $0x1  }
0x11: {  	s4 =	simm.s32 $_scs_section_size  }
0x12: {  	s5 =	simm.s32 $_size__tile_overlayer_lowered;
	s6 =	simm.s32 $_tile_overlayer_lowered  }
0x13: {  	s23 =	simm.s32 $0x1BFF;
	s22 =	sshll.u32 s6, $0x1;
	s3 =	sadd.s32 s4, s20  }
0x14: {  	s7 =	simm.s32 $0x0;
	s21 =	sshll.u32 s5, $0x1;
	s5 =	sadd.s32 s22, s3  }
0x15: {  	[timem:s7], [sflag:s23] =	dma.local [hbm:s5], s21  }
0x16: {  	_ =	swait.ge [sflag:s23], s21  }
0x17: {  	s4 =	ssub.s32 $0x0, s21;
	[sflag:s23] =	ssyncset.done $0x0  }
0x18: {  	[sflag:s23] =	ssyncadd.s32 s4;
	_ =	sdelay $0x1  }
0x19: {  	s24 =	simm.s32 $0x1B8B  }
0x1a: {  	_ =	swait.ge [sflag:s24], $0x1  }
0x1b: {  	[sflag:s24] =	ssyncset.done $0x0  }
0x1c: {  	s26 =	simm.s32 $0x1B8E;
	s25 =	sld [smem:$0x3FFE];
	[sflag:s24] =	ssyncadd.s32 $0xFFFFFFFF  }
0x1d: {  	s27 =	simm.s32 $execute0_lowered;
	[smem:$0x3FD2] =	sst s26  }
0x1e: {  	s5 =	sshll.u32 s27, $0x1;
	_ =	strace $0x80000049;
	[dreg:$0x1] =	wrdreg $0xFFFFFFFF  }
0x1f: {  	s28 =	simm.s32 $_size_execute0_lowered;
	s3 =	sadd.s32 s3, s5;
	[dreg:$0x0] =	wrdreg $0x0  }
0x20: {  	s5 =	sshll.u32 s28, $0x1;
	[dreg:$0x2] =	wrdreg s3  }
0x21: {  	[dreg:$0x3] =	wrdreg s5  }
0x22: {  	[dreg:$0x4] =	wrdreg $0xC0  }
0x23: {  	_ =	task [dreg:s7], $0x5FFFF  }
0x24: {  	[dreg:$0x1] =	wrdreg $0xFFFFFFFF  }
0x25: {  	[dreg:$0x0] =	wrdreg $0x60  }
0x26: {  	[dreg:$0x2] =	wrdreg s25  }
0x27: {  	[dreg:$0x3] =	wrdreg s2  }
0x28: {  	[dreg:$0x4] =	wrdreg $0x9  }
0x29: {  	_ =	task.clear_ibuf [dreg:s7], $0x5FFFF;
	_ =	strace $0x90000049  }
0x2a: {  	s29 =	simm.s32 $0x9;
	_ =	strace $0x8000004B  }
0x2b: {  	_ =	swait.ge [sflag:s29], $0x1  }
0x2c: {  	[sflag:s29] =	ssyncadd.s32 $0xFFFFFFFF  }
0x2d: {  	_ =	strace $0x9000004B  }
0x2e: {  	_ =	sfence  }
0x2f: {  	s30 =	sld [smem:$0x0];
	_ =	sdelay $0x2  }
0x30: {  	s31 =	sshll.u32 s1, $0xD;
	s1 =	sshrl.u32 s1, $0x2  }
0x31: {  	s3 =	sand.u32 $0x4000, s31;
	s1 =	sadd.s32 s1, s30  }
0x32: {  	s0 =	sor.u32 s3, s0;
	s1 =	sshll.u32 s1, $0x11  }
0x33: {  	s0 =	sor.u32 s1, s0  }
0x34: {  	s0 =	sadd.s32 $0x8F2B, s0  }
0x35: {  	[sflag:s0] =	ssyncadd.remote.s32 $0x1  }
0x36: {  	_ =	sfence.sel $0xFFFF  }
0x37: {  	[dreg:$0x0] =	wrdreg $0xFFFFFFFF;
	(pc) =	sbr.abs _section_cstart, $3  }
0x38: {  	[dreg:$0x1] =	wrdreg $0xFFFFFFFF  }
0x39: {  	_ =	task.clear_ibuf [dreg:s7], $0x2FFFF;
	_ =	strace $0x9FFFFFFF  }
0x3a: {  	(tm) =	ssettm $0x7FFFFFFF  }
0x3b: {  	_ =	shalt  }
tec
execute0_lowered:
.L_overlay_start_1:
0x0: {  	(tag) =	ssettag $0x1  }
0x1: {  	s0 =	srdreg.scid  }
0x2: {  	s1 =	sshll.u32 s0, $0x4  }
0x3: {  	s0 =	stileid.u32;
	s1 =	sand.u32 $0x10, s1  }
0x4: {  	s1 =	sor.u32 s0, s1  }
0x5: {  	s6 =	rddreg [dreg:$0x0];
	s4 =	simm.s32 $0x1;
	s2 =	sshll.u32 s1, $0x7  }
0x6: {  	s7 =	simm.s32 $0x2;
	s12 =	simm.s32 $0x0;
	s1 =	ssub.s32 $0x1000, s2  }
0x7: {  	s8 =	simm.s32 $0x8000;
	s13 =	simm.s32 $0x0;
	s3 =	sand.u32 $0xF80, s1  }
0x8: {  	s9 =	simm.s32 $0x0;
	s5 =	sshrl.u32 s1, $0xC;
	p0 =	sne.s32 s3, $0x0  }
.Ltmp0:
0x9: {  	s1 =	rddreg [dreg:$0x2];
	s4 =	simm.s32 @!p0 $0x0;
	(pc) =	sbr.rel .LBB1_1-.Ltmp0, $4  }
0xa: {  	s11 =	simm.s32 $0x0;
	s3 =	rddreg [dreg:$0x1];
	s5 =	sadd.s32 s4, s5  }
0xb: {  	_ =	strace $0x8000004A;
	s4 =	simm.s32 $0x1;
	s5 =	smul.u32 $0xC8, s5  }
0xc: {  	s6 =	sadd.s32 $0xA00, s6;
	s10 =	smov.u32 s2;
	[sflag:s4] =	ssyncpa.u1 $0x0  }
0xd: {  	p0 =	por $0x0, $0x0;
	[sflag:s7] =	ssyncpa.u1 $0x0;
	s7 =	sor.u32 $0x1, s5  }
.LBB1_4:
0xe: {  	s16 =	sshll.u32 s13, $0x3;
	s17 =	sand.u32 $0x78, s13  }
0xf: {  	s30 =	sand.u32 $0x3E00, s13;
	s12 =	sshll.u32 s12, $0xE;
	s16 =	sand.u32 $0xC00, s16  }
0x10: {  	s31 =	sand.u32 $0x7, s13;
	s16 =	sor.u32 s17, s16;
	s17 =	sadd.s32 s3, s30  }
0x11: {  	s13 =	sshll.u32 s31, $0x12;
	s16 =	sshrl.u32 s16, $0x3;
	s12 =	sadd.s32 s12, s17  }
0x12: {  	[tilespmem:s15+$0x0 ss:$0x81] =	vst.msk $0xffff, v0;
	s13 =	sor.u32 $0x400, s13;
	s12 =	sadd.s32 s16, s12  }
0x13: {  	[hbm4b:s12+s13] =	stream.strided.scatter [tilespmem:s14], [sflag:$0x2], $0x1000, s8, s13, $0x20;
	[tilespmem:$0x4040] =	vst v63  }
.LBB1_5:
0x14: {  	s14 =	sadd.s32 $0x1, s9  }
0x15: {  	s12 =	sadd.s32 $0x1000, s10;
	s16 =	smov.u32 s10;
	p2 =	sgt.s32 s14, $0xC7  }
0x16: {  	s16 =	smov.u32 @p2 s12  }
0x17: {  	s14 =	simm.s32 @p2 $0x0;
	p2 =	sgt.s32 s16, $0xFFF  }
0x18: {  	s16 =	smov.u32 @p2 s2;
	p2 =	sne.s32 s11, s7  }
.Ltmp1:
0x19: {  	p1 =	slt.u32 s11, $0x2;
	(pc) =	sbr.rel @!p2 .LBB1_6-.Ltmp1, $4  }
0x1a: {  	s15 =	simm.s32 @!p1 $0x2  }
0x1b: {  	s13 =	smov.u32 s10;
	p0 =	por !p0, !p0;
	_ =	swait.ge @!p1 [sflag:s15], $0x1000  }
0x1c: {  	s12 =	smov.u32 s9;
	[sflag:s15] =	ssyncset.done @!p1 $0x0;
	s9 =	smov.u32 s14  }
0x1d: {  	s11 =	sadd.s32 $0x1, s11;
	[sflag:s15] =	ssyncadd.s32 @!p1 $0xFFFFF000;
	s10 =	smov.u32 s16  }
.LBB1_1:
0x1e: {  	p1 =	sge.u32 s11, s5  }
0x1f: {  	s14 =	sand.u32 @!p1 $0x1FFFFFF, s9  }
0x20: {  	s15 =	smulhi.u32 @!p1 $0x147AE15, s14;
	_ =	sdelay $0x1  }
0x21: {  	s15 =	smul.u32 @!p1 $0xC8, s15  }
0x22: {  	s16 =	sxor.u32 @!p1 $0xFFFFFFFF, s11;
	s17 =	smul.u32 @!p1 $0xC80, s10  }
0x23: {  	s31 =	sadd.s32 $0xFFFFFFFF, s11;
	s16 =	sshll.u32 @!p1 s16, $0xC;
	s14 =	ssub.s32 @!p1 s14, s15  }
0x24: {  	s15 =	sand.u32 @!p1 $0x1000, s16;
	s16 =	sadd.s32 @!p1 s6, s17;
	s14 =	sshll.u32 @!p1 s14, $0x4  }
0x25: {  	s17 =	simm.s32 @!p1 $0x6400;
	s14 =	sadd.s32 @!p1 s14, s16;
	s16 =	simm.s32 @!p1 $0x20  }
0x26: {  	[tilespmem:s15], [sflag:$0x1] =	stream.strided.gather @!p1 [hbm4b:s14+s16], $0x1000, s17, s16, $0x38;
	[tilespmem:$0x4040] =	vst v63  }
0x27: {  	p1 =	sge.u32 s31, s5  }
.Ltmp2:
0x28: {  	_ = 	snop;
	(pc) =	sbr.rel @p1 .LBB1_5-.Ltmp2, $1  }
0x29: {  	_ =	sdelay $0x3  }
0x2a: {  	s14 =	simm.s32 $0x1  }
0x2b: {  	_ =	swait.ge [sflag:s4], $0x1000;
	s14 =	simm.s32 @!p0 $0x0  }
0x2c: {  	[sflag:s4] =	ssyncset.done $0x0;
	s15 =	sshll.u32 s14, $0xC  }
0x2d: {  	[sflag:s4] =	ssyncadd.s32 $0xFFFFF000;
	s18 =	sor.u32 $0x10, s15  }
0x2e: {  	s14 =	smul.u32 $0x4080, s14;
	v1 =	vld [tilespmem:s18+$0x0]  }
0x2f: {  	s30 =	sand.u32 $0x1, s11;
	v0 =	vld [tilespmem:s18+$0xFFFFFFF0]  }
0x30: {  	s15 =	smul.u32 $0x4080, s30;
	s14 =	sshrl.u32 s14, $0x2  }
0x31: {  	s16 =	sor.u32 $0x2000, s14  }
0x32: {  	s31 =	sshrl.u32 s15, $0x2;
	s15 =	sadd.s32 $0x0, s16  }
0x33: {  	s17 =	simm.s32 $0x4;
	s18 =	sadd.s32 $0x20, s18;
	s14 =	sor.u32 $0x2000, s31;
	[tilespmem:s15+$0x810 ss:$0x81] =	vst.msk $0xffff, v1  }
.LBB1_3:
0x34: {  	v1 =	vld [tilespmem:s18+$0x0];
	p1 =	sne.s32 s17, $0x1FC;
	[tilespmem:s15+$0x0 ss:$0x81] =	vst.msk $0xffff, v0;
	s15 =	smov.u32 s17;
	s17 =	sadd.s32 $0x4, s17  }
.Ltmp3:
0x35: {  	v0 =	vld [tilespmem:s18+$0xFFFFFFF0];
	(pc) =	sbr.rel @p1 .LBB1_3-.Ltmp3, $4  }
0x36: {  	_ = 	snop  }
0x37: {  	s15 =	sshra.s32 s15, $0x2  }
0x38: {  	s15 =	sadd.s32 s15, s16  }
0x39: {  	s18 =	sadd.s32 $0x20, s18;
	[tilespmem:s15+$0x810 ss:$0x81] =	vst.msk $0xffff, v1  }
.Ltmp4:
0x3a: {  	_ = 	snop;
	(pc) =	sbr.rel .LBB1_4-.Ltmp4, $1  }
0x3b: {  	_ =	sdelay $0x3  }
.LBB1_6:
0x3c: {  	_ =	sfence.sel $0x180000  }
0x3d: {  	s2 =	simm.s32 $0x1;
	[bflag:$0x0] =	sbarrier.arrive $0xFFFF  }
0x3e: {  	s31 =	simm.s32 $0x2;
	[sflag:s2] =	ssyncpa.u1 $0x1  }
0x3f: {  	[sflag:s31] =	ssyncpa.u1 $0x1  }
0x40: {  	p0 =	sne.s32 s0, $0x0;
	_ =	strace $0x9000004A  }
0x41: {  	s0 =	sadd.s32 @!p0 $0x100000, s1;
	[bflag:$0x2] =	sbarrier.arrive $0xFFFF  }
0x42: {  	[sflag:s0] =	ssyncadd.tile.s32 @!p0 $0x1;
	_ =	shalt  }
.Lfunc_end1:
_tile_overlayer_lowered:
.L_overlay_start_2:
0x43: {  	(tag) =	ssettag $0x2  }
0x44: {  	s0 =	rddreg [dreg:$0x0];
	s2 =	stileid.u32  }
0x45: {  	s1 =	rddreg [dreg:$0x1];
	p0 =	sne.s32 s2, $0x0  }
0x46: {  	s3 =	rddreg [dreg:$0x2];
	[bflag:$0x3] =	sbarrier.arrive $0xFFFF;
	s2 =	simm.s32 @!p0 $0x1C01  }
0x47: {  	[timem:s3], [sflag:s2] =	dma.local @!p0 [hbm:s0], s1  }
0x48: {  	s0 =	simm.s32 @!p0 $0x1  }
0x49: {  	_ =	swait.ge @!p0 [sflag:s0], s1  }
0x4a: {  	s1 =	ssub.s32 @!p0 $0x0, s1;
	[sflag:s0] =	ssyncset.done @!p0 $0x0  }
0x4b: {  	[sflag:s0] =	ssyncadd.s32 @!p0 s1  }
0x4c: {  	[bflag:$0x3] =	sbarrier.arrive $0xFFFF  }
0x4d: {  	_ =	shalt  }

</sc_bundles>
